<compile_context>
chip_gen: v7x
topology: tpu7x:2x2x1
jax: 0.10.2.dev20260603
libtpu: 0.0.44.dev20260713+nightly
codegen_flags: <defaults>
</compile_context>

<pallas_src>
import functools

import jax
import jax.numpy as jnp
from jax import lax
from jax.experimental import pallas as pl
from jax.experimental.pallas import tpu as pltpu
from jax.experimental.pallas import tpu_sc as plsc

_N_POINTS = 1_000_000
_NP_PAD = 1_048_576
_NP2 = _NP_PAD // 2
_N_VOXELS = 120_000
_NV_PAD = 120_832
_NV2 = _NV_PAD // 2
_OUT_CH = 64
_NU = 60_000
_NU_PAD = 65_536

_NC, _NS = 2, 16
_BLK = 2048
_SBLK = 4096
_ROWS_PER_TILE = _NV_PAD // _NS

_mesh = functools.partial(
    plsc.VectorSubcoreMesh,
    core_axis_name="c",
    subcore_axis_name="s",
    num_cores=_NC,
    num_subcores=_NS,
)
_sc_params = functools.partial(
    pltpu.CompilerParams, use_tc_tiling_on_sc=False)


def _p12_body(pts8_hbm, idsp_hbm, zeros8_hbm, meta_hbm, acc_hbm,
              pbuf, idbuf, gbuf, acc_sh, sem):
    c = lax.axis_index("c")
    s = lax.axis_index("s")
    wid = s * _NC + c
    r0 = s * _ROWS_PER_TILE
    pltpu.sync_copy(zeros8_hbm.at[pl.ds(r0, _ROWS_PER_TILE)],
                    acc_sh.at[pl.ds(r0, _ROWS_PER_TILE)])
    plsc.subcore_barrier()
    @pl.loop(0, _NP_PAD // _NS // _SBLK)
    def _scatter(j):
        pbase = s * (_NP_PAD // _NS) + j * _SBLK
        pltpu.sync_copy(pts8_hbm.at[pl.ds(pbase, _SBLK)], pbuf)
        pltpu.sync_copy(idsp_hbm.at[pl.ds(pbase, _SBLK)], idbuf)
        pltpu.sync_copy(pbuf, acc_sh.at[idbuf], add=True)
    plsc.subcore_barrier()
    @pl.when(c == 0)
    def _():
        pltpu.sync_copy(acc_sh.at[pl.ds(r0, _ROWS_PER_TILE)],
                        acc_hbm.at[pl.ds(r0, _ROWS_PER_TILE)])
    @pl.loop(0, _NP_PAD // (_NC * _NS) // _SBLK)
    def _gather(j):
        pbase = wid * (_NP_PAD // (_NC * _NS)) + j * _SBLK
        pltpu.sync_copy(idsp_hbm.at[pl.ds(pbase, _SBLK)], idbuf)
        pltpu.async_copy(acc_sh.at[idbuf], gbuf, sem).wait()
        pltpu.sync_copy(gbuf, meta_hbm.at[pl.ds(pbase, _SBLK)])


def _run_p12(pts8_sc, ids_perm, zeros8):
    return pl.kernel(
        _p12_body,
        out_type=(
            jax.ShapeDtypeStruct((_NP_PAD, 8), jnp.float32),
            jax.ShapeDtypeStruct((_NV_PAD, 8), jnp.float32),
        ),
        mesh=_mesh(),
        compiler_params=_sc_params(),
        scratch_types=[
            pltpu.VMEM((_SBLK, 8), jnp.float32),
            pltpu.VMEM((_SBLK,), jnp.int32),
            pltpu.VMEM((_SBLK, 8), jnp.float32),
            pltpu.VMEM_SHARED((_NV_PAD, 8), jnp.float32),
            pltpu.SemaphoreType.DMA,
        ],
    )(pts8_sc, ids_perm, zeros8)


def _p4_body(h2_hbm, ids_hbm, zeros8_hbm, hsum2_hbm, hbuf, idbuf, acc_sh, sem):
    c = lax.axis_index("c")
    s = lax.axis_index("s")
    r0 = s * _ROWS_PER_TILE
    half_out = s // 8
    row0 = r0 - half_out * _NV2
    for g in range(4):
        col_g = (c * 4 + g) * 8
        pltpu.sync_copy(zeros8_hbm.at[pl.ds(r0, _ROWS_PER_TILE)],
                        acc_sh.at[pl.ds(r0, _ROWS_PER_TILE)])
        plsc.subcore_barrier()
        for hh in range(2):
            col = hh * 64 + col_g

            @pl.loop(0, _NP2 // _NS // _SBLK)
            def _scat(j):
                rbase = s * (_NP2 // _NS) + j * _SBLK
                pltpu.sync_copy(h2_hbm.at[pl.ds(rbase, _SBLK), pl.ds(col, 8)],
                                hbuf)
                pltpu.sync_copy(ids_hbm.at[pl.ds(hh * _NP2 + rbase, _SBLK)],
                                idbuf)
                pltpu.sync_copy(hbuf, acc_sh.at[idbuf], add=True)
        plsc.subcore_barrier()
        pltpu.sync_copy(
            acc_sh.at[pl.ds(r0, _ROWS_PER_TILE)],
            hsum2_hbm.at[pl.ds(row0, _ROWS_PER_TILE),
                         pl.ds(half_out * 64 + col_g, 8)])
        plsc.subcore_barrier()


def _run_p4(h2, ids_pad, zeros8):
    return pl.kernel(
        _p4_body,
        out_type=jax.ShapeDtypeStruct((_NV2, 128), jnp.float32),
        mesh=_mesh(),
        compiler_params=_sc_params(),
        scratch_types=[
            pltpu.VMEM((_SBLK, 8), jnp.float32),
            pltpu.VMEM((_SBLK,), jnp.int32),
            pltpu.VMEM_SHARED((_NV_PAD, 8), jnp.float32),
            pltpu.SemaphoreType.DMA,
        ],
    )(h2, ids_pad, zeros8)


_P6_BLK = 1024


def _p6_body(feat_hbm, coors_hbm, uidx_hbm, pf_hbm, pc_hbm,
             ubuf, fbuf, cbuf, sem):
    c = lax.axis_index("c")
    s = lax.axis_index("s")
    wid = s * _NC + c
    per_w = _NU_PAD // (_NC * _NS)

    @pl.loop(0, per_w // _P6_BLK)
    def _gat(j):
        base = wid * per_w + j * _P6_BLK
        pltpu.sync_copy(uidx_hbm.at[pl.ds(base, _P6_BLK)], ubuf)
        pltpu.async_copy(feat_hbm.at[ubuf], fbuf, sem).wait()
        pltpu.sync_copy(fbuf, pf_hbm.at[pl.ds(base, _P6_BLK)])
        pltpu.async_copy(coors_hbm.at[ubuf], cbuf, sem).wait()
        pltpu.sync_copy(cbuf, pc_hbm.at[pl.ds(base, _P6_BLK)])


def _run_p6(features, coors8, uidx_pad):
    return pl.kernel(
        _p6_body,
        out_type=(
            jax.ShapeDtypeStruct((_NU_PAD, _OUT_CH), jnp.float32),
            jax.ShapeDtypeStruct((_NU_PAD, 8), jnp.int32),
        ),
        mesh=_mesh(),
        compiler_params=_sc_params(),
        scratch_types=[
            pltpu.VMEM((_P6_BLK,), jnp.int32),
            pltpu.VMEM((_P6_BLK, _OUT_CH), jnp.float32),
            pltpu.VMEM((_P6_BLK, 8), jnp.int32),
            pltpu.SemaphoreType.DMA,
        ],
    )(features, coors8, uidx_pad)


def _unpack16(blk):
    return jnp.concatenate([blk[:, 8 * j:8 * j + 8] for j in range(16)], axis=0)


def _half_h(up8, meta8, w1a, w1b, b1p):
    mdiv = meta8 / jnp.maximum(meta8[:, 4:5], 1.0)
    z = (jnp.dot(up8, w1a, preferred_element_type=jnp.float32)
         + jnp.dot(mdiv, w1b, preferred_element_type=jnp.float32) + b1p)
    return jnp.maximum(z, 0.0)


def _p3_body(pts_lo, pts_hi, meta_lo, meta_hi, w1a_ref, w1b_ref, b1_ref,
             out_ref):
    w1a = w1a_ref[...]
    w1b = w1b_ref[...]
    b1p = b1_ref[...]
    h_lo = _half_h(_unpack16(pts_lo[...]), _unpack16(meta_lo[...]), w1a, w1b, b1p)
    h_hi = _half_h(_unpack16(pts_hi[...]), _unpack16(meta_hi[...]), w1a, w1b, b1p)
    out_ref[...] = jnp.concatenate([h_lo, h_hi], axis=1)


def _run_p3(pts8p, meta128, W1a, W1b, b1p):
    grid = _NP2 // _BLK
    nb = grid
    return pl.pallas_call(
        _p3_body,
        grid=(grid,),
        in_specs=[
            pl.BlockSpec((_BLK // 16, 128), lambda i: (i, 0)),
            pl.BlockSpec((_BLK // 16, 128), lambda i: (i + nb, 0)),
            pl.BlockSpec((_BLK // 16, 128), lambda i: (i, 0)),
            pl.BlockSpec((_BLK // 16, 128), lambda i: (i + nb, 0)),
            pl.BlockSpec((8, _OUT_CH), lambda i: (0, 0)),
            pl.BlockSpec((8, _OUT_CH), lambda i: (0, 0)),
            pl.BlockSpec((1, _OUT_CH), lambda i: (0, 0)),
        ],
        out_specs=pl.BlockSpec((_BLK, 128), lambda i: (i, 0)),
        out_shape=jax.ShapeDtypeStruct((_NP2, 128), jnp.float32),
    )(pts8p, pts8p, meta128, meta128, W1a, W1b, b1p)


_P5_BLK = 1024


def _p5_body(hsum_ref, acc_ref, w2_ref, b2_ref, out_ref):
    i = pl.program_id(0)
    half = i // (_NV2 // _P5_BLK)
    hs = hsum_ref[...]
    hsum = jnp.where(half == 0, hs[:, :64], hs[:, 64:])
    cnt = acc_ref[...][:, 4:5]
    mean = hsum / jnp.maximum(cnt, 1.0)
    feat = jnp.dot(mean, w2_ref[...], preferred_element_type=jnp.float32) + b2_ref[...]
    out_ref[...] = jnp.where(cnt > 0.0, feat, 0.0)


def _run_p5(hsum2, acc, W2, b2):
    nb = _NV2 // _P5_BLK
    grid = 2 * nb
    return pl.pallas_call(
        _p5_body,
        grid=(grid,),
        in_specs=[
            pl.BlockSpec((_P5_BLK, 128), lambda i: (i % 59, 0)),
            pl.BlockSpec((_P5_BLK, 8), lambda i: (i, 0)),
            pl.BlockSpec((_OUT_CH, _OUT_CH), lambda i: (0, 0)),
            pl.BlockSpec((1, _OUT_CH), lambda i: (0, 0)),
        ],
        out_specs=pl.BlockSpec((_P5_BLK, _OUT_CH), lambda i: (i, 0)),
        out_shape=jax.ShapeDtypeStruct((_NV_PAD, _OUT_CH), jnp.float32),
    )(hsum2, acc, W2, b2)


def kernel(points, full_coors, coors_inv, coors, unmask_index, batch_size,
           W1, b1, W2, b2):
    f32 = jnp.float32
    npad = _NP_PAD - _N_POINTS
    ids_pad = jnp.concatenate(
        [coors_inv, _N_VOXELS + jnp.arange(npad, dtype=jnp.int32) % (_NV_PAD - _N_VOXELS)])
    zeros8 = jnp.zeros((_NV_PAD, 8), f32)
    nb = _NP_PAD // _BLK

    pts8 = jnp.concatenate(
        [points, jnp.ones((_N_POINTS, 1), f32),
         full_coors[:, 1:].astype(f32)], axis=1)
    pts8_pad = jnp.pad(pts8, ((0, npad), (0, 0)))
    pts8p = pts8_pad.reshape(nb, 16, 128, 8).transpose(0, 2, 1, 3).reshape(
        _NP_PAD // 16, 128)
    ids_perm = ids_pad.reshape(nb, 16, 128).transpose(0, 2, 1).reshape(_NP_PAD)

    meta, acc = _run_p12(pts8p.reshape(_NP_PAD, 8), ids_perm, zeros8)
    meta128 = meta.reshape(_NP_PAD // 16, 128)

    import numpy as _np
    A = _np.zeros((8, 10), _np.float32)
    for k in range(4):
        A[k, k] = 1.0
    for k in range(3):
        A[k, 4 + k] = 1.0
        A[k, 7 + k] = 1.0
        A[5 + k, 7 + k] = -0.2
    B = _np.zeros((8, 10), _np.float32)
    for k in range(3):
        B[k, 4 + k] = -1.0
    C = _np.zeros((1, 10), _np.float32)
    C[0, 7], C[0, 8], C[0, 9] = 51.2, 51.2, 4.0
    W1a = jnp.asarray(A) @ W1
    W1b = jnp.asarray(B) @ W1
    b1p = jnp.asarray(C) @ W1 + b1[None, :]
    h2 = _run_p3(pts8p, meta128, W1a, W1b, b1p)

    hsum2 = _run_p4(h2, ids_pad, zeros8)
    features_pad = _run_p5(hsum2, acc, W2, b2[None, :])
    features = features_pad[:_N_VOXELS]

    upad = _NU_PAD - _NU
    uidx_pad = jnp.concatenate(
        [unmask_index, (jnp.arange(upad, dtype=jnp.int32) * 83) % _N_VOXELS])
    coors8 = jnp.pad(coors, ((0, 0), (0, 4)))
    pf, pc8 = _run_p6(features_pad, coors8, uidx_pad)

    partial_feature = pf[:_NU]
    partial_coors = pc8[:_NU, :4]
    voxel_features_all_one = jnp.ones((coors.shape[0], 1), f32)
    return (features, partial_feature, partial_coors, voxel_features_all_one)

# --- scband reference (transcript-rebuilt; emitter-appended) ---
"""Pipeline reference for scband-voxel-3d-generator-8469675508145 (READ-ONLY COPY).

The authoritative reference and input builder live on the scoring server;
editing this copy changes nothing except your own understanding.
"""

import jax, jax.numpy as jnp
import numpy as np

N_POINTS = 1000000
N_VOXELS = 120000
IN_CH = 4
OUT_CH = 64
COORS_RANGE = np.array([[-51.2, 51.2], [-51.2, 51.2], [-4.0, 2.4]], dtype=np.float32)
SPATIAL_SHAPE = np.array([512.0, 512.0, 32.0], dtype=np.float32)


def setup_inputs(seed: int = 0) -> dict:
    key = jax.random.key(seed)
    k1, k2, k3, k4, k5, k6, k7, k8 = jax.random.split(key, 8)
    points = jax.random.normal(k1, (N_POINTS, IN_CH), dtype=jnp.float32)
    full_coors = jax.random.randint(k2, (N_POINTS, 4), 0, 32, dtype=jnp.int64 if jax.config.jax_enable_x64 else jnp.int32).astype(jnp.int32)
    coors_inv = jnp.sort(jax.random.randint(k3, (N_POINTS,), 0, N_VOXELS).astype(jnp.int32))
    coors = jax.random.randint(k4, (N_VOXELS, 4), 0, 32).astype(jnp.int32)
    unmask_index = jax.random.randint(k5, (60000,), 0, N_VOXELS).astype(jnp.int32)
    W1 = jax.random.normal(k6, (IN_CH + 6, OUT_CH), dtype=jnp.float32) * 0.02
    b1 = jnp.zeros((OUT_CH,), dtype=jnp.float32)
    W2 = jax.random.normal(k7, (OUT_CH, OUT_CH), dtype=jnp.float32) * 0.02
    b2 = jnp.zeros((OUT_CH,), dtype=jnp.float32)
    return {
        'points': points, 'full_coors': full_coors, 'coors_inv': coors_inv,
        'coors': coors, 'unmask_index': unmask_index, 'batch_size': 4,
        'W1': W1, 'b1': b1, 'W2': W2, 'b2': b2,
    }


def _segment_mean(vals, seg_ids, num_segments):
    sums = jax.ops.segment_sum(vals, seg_ids, num_segments=num_segments)
    cnt = jax.ops.segment_sum(jnp.ones((vals.shape[0], 1), dtype=vals.dtype), seg_ids, num_segments=num_segments)
    return sums / jnp.clip(cnt, 1.0)


def reference(points, full_coors, coors_inv, coors, unmask_index, batch_size, W1, b1, W2, b2):
    grid_ind = full_coors[:, 1:].astype(jnp.float32)
    # prepare_input
    vox_mean = _segment_mean(points[:, :3], coors_inv, N_VOXELS)
    pc_mean = vox_mean[coors_inv]
    nor_pc = points[:, :3] - pc_mean
    coors_range = jnp.asarray(COORS_RANGE)
    crop_range = coors_range[:, 1] - coors_range[:, 0]
    intervals = crop_range / jnp.asarray(SPATIAL_SHAPE)
    voxel_centers = grid_ind * intervals + coors_range[:, 0]
    center_to_point = points[:, :3] - voxel_centers
    pc_feature = jnp.concatenate((points, nor_pc, center_to_point), axis=1)
    # PPmodel
    h = jax.nn.relu(pc_feature @ W1 + b1)
    pt_fea = h @ W2 + b2
    # voxel pooling
    features = _segment_mean(pt_fea, coors_inv, N_VOXELS)
    partial_feature = features[unmask_index]
    partial_coors = coors[unmask_index]
    voxel_features_all_one = jnp.ones((coors.shape[0], 1), dtype=jnp.float32)
    return (features, partial_feature, partial_coors, voxel_features_all_one)

if __name__ == "__main__":
    import jax
    _d = setup_inputs()
    print(jax.jit(kernel)(*tuple(_d.values())))

</pallas_src>

<mosaic_0001>
#map = affine_map<(d0, d1) -> (0, 0)>
#map1 = affine_map<(d0, d1) -> (0)>
module attributes {stable_mosaic.version = 14 : i64} {
  func.func @_p12_body(%arg0: i32, %arg1: i32, %arg2: memref<1048576x8xf32, #tpu.memory_space<hbm>>, %arg3: memref<1048576xi32, #tpu.memory_space<hbm>>, %arg4: memref<120832x8xf32, #tpu.memory_space<hbm>>, %arg5: memref<1048576x8xf32, #tpu.memory_space<hbm>>, %arg6: memref<120832x8xf32, #tpu.memory_space<hbm>>, %arg7: memref<4096x8xf32, #tpu.memory_space<vmem>>, %arg8: memref<4096xi32, #tpu.memory_space<vmem>>, %arg9: memref<4096x8xf32, #tpu.memory_space<vmem>>, %arg10: memref<120832x8xf32, #tpu.memory_space<vmem_shared>>, %arg11: memref<!tpu.dma_semaphore, #tpu.memory_space<semaphore_mem>>) attributes {dimension_semantics = [#tpu.dimension_semantics<core_parallel>, #tpu.dimension_semantics<subcore_parallel>], iteration_bounds = array<i64: 2, 16>, scalar_prefetch = 0 : i64, scratch_operands = 5 : i64, tpu.core_type = #tpu.core_type<sc_vector_subcore>, window_params = [{transform_indices = #map}, {transform_indices = #map1}, {transform_indices = #map}, {transform_indices = #map}, {transform_indices = #map}]} {
    %mul3A = arith.constant 2 : i32
    %mul3A_0 = arith.muli %arg1, %mul3A : i32
    %add3A = arith.addi %mul3A_0, %arg0 : i32
    %mul3A_1 = arith.constant 7552 : i32
    %mul3A_2 = arith.muli %arg1, %mul3A_1 : i32
    "tpu.region"() ({
      %run_scoped3A = tpu.sem_alloc : memref<!tpu.dma_semaphore, #tpu.memory_space<semaphore_mem>>
      %dma_start3A = arith.constant 0 : i32
      %dma_start3A_15 = tpu.memref_slice %arg10[%mul3A_2, %dma_start3A] : memref<120832x8xf32, #tpu.memory_space<vmem_shared>> -> memref<7552x8xf32, #tpu.memory_space<vmem_shared>>
      %dma_start3A_16 = arith.constant 0 : i32
      %dma_start3A_17 = tpu.memref_slice %arg4[%mul3A_2, %dma_start3A_16] : memref<120832x8xf32, #tpu.memory_space<hbm>> -> memref<7552x8xf32, #tpu.memory_space<hbm>>
      tpu.enqueue_dma source(%dma_start3A_17 : memref<7552x8xf32, #tpu.memory_space<hbm>>) target(%dma_start3A_15 : memref<7552x8xf32, #tpu.memory_space<vmem_shared>>) target_semaphore(%run_scoped3A : memref<!tpu.dma_semaphore, #tpu.memory_space<semaphore_mem>>)
      %dma_wait3A = arith.constant 0 : i32
      %dma_wait3A_18 = tpu.memref_slice %arg10[%mul3A_2, %dma_wait3A] : memref<120832x8xf32, #tpu.memory_space<vmem_shared>> -> memref<7552x8xf32, #tpu.memory_space<vmem_shared>>
      %dma_wait3A_19 = arith.constant 0 : i32
      %dma_wait3A_20 = tpu.memref_slice %arg4[%mul3A_2, %dma_wait3A_19] : memref<120832x8xf32, #tpu.memory_space<hbm>> -> memref<7552x8xf32, #tpu.memory_space<hbm>>
      tpu.wait_dma2 semaphore(%run_scoped3A : memref<!tpu.dma_semaphore, #tpu.memory_space<semaphore_mem>>) src(%dma_wait3A_20 : memref<7552x8xf32, #tpu.memory_space<hbm>>) dst(%dma_wait3A_18 : memref<7552x8xf32, #tpu.memory_space<vmem_shared>>)
      tpu.yield
    }) : () -> ()
    %barrier3A = arith.constant 0 : index
    tpu.barrier barrier_id(%barrier3A)
    %scan3A = arith.constant 0 : i32
    %scan3A_3 = arith.constant 16 : i32
    %scan3A_4 = arith.addi %scan3A, %scan3A_3 : i32
    %scan3A_5 = arith.constant 1 : i32
    scf.for %scan3A_15 = %scan3A to %scan3A_4 step %scan3A_5  : i32 {
      %mul3A_16 = arith.constant 1 : i32
      %mul3A_17 = arith.muli %scan3A_15, %mul3A_16 : i32
      %add3A_18 = arith.constant 0 : i32
      %add3A_19 = arith.addi %add3A_18, %mul3A_17 : i32
      %mul3A_20 = arith.constant 65536 : i32
      %mul3A_21 = arith.muli %arg1, %mul3A_20 : i32
      %mul3A_22 = arith.constant 4096 : i32
      %mul3A_23 = arith.muli %add3A_19, %mul3A_22 : i32
      %add3A_24 = arith.addi %mul3A_21, %mul3A_23 : i32
      "tpu.region"() ({
        %run_scoped3A = tpu.sem_alloc : memref<!tpu.dma_semaphore, #tpu.memory_space<semaphore_mem>>
        %dma_start3A = arith.constant 0 : i32
        %dma_start3A_25 = tpu.memref_slice %arg2[%add3A_24, %dma_start3A] : memref<1048576x8xf32, #tpu.memory_space<hbm>> -> memref<4096x8xf32, #tpu.memory_space<hbm>>
        %dma_start3A_26 = arith.constant 0 : i32
        %dma_start3A_27 = tpu.memref_slice %arg2[%add3A_24, %dma_start3A_26] : memref<1048576x8xf32, #tpu.memory_space<hbm>> -> memref<4096x8xf32, #tpu.memory_space<hbm>>
        tpu.enqueue_dma source(%dma_start3A_27 : memref<4096x8xf32, #tpu.memory_space<hbm>>) target(%arg7 : memref<4096x8xf32, #tpu.memory_space<vmem>>) target_semaphore(%run_scoped3A : memref<!tpu.dma_semaphore, #tpu.memory_space<semaphore_mem>>)
        %dma_wait3A = arith.constant 0 : i32
        %dma_wait3A_28 = tpu.memref_slice %arg2[%add3A_24, %dma_wait3A] : memref<1048576x8xf32, #tpu.memory_space<hbm>> -> memref<4096x8xf32, #tpu.memory_space<hbm>>
        %dma_wait3A_29 = arith.constant 0 : i32
        %dma_wait3A_30 = tpu.memref_slice %arg2[%add3A_24, %dma_wait3A_29] : memref<1048576x8xf32, #tpu.memory_space<hbm>> -> memref<4096x8xf32, #tpu.memory_space<hbm>>
        tpu.wait_dma2 semaphore(%run_scoped3A : memref<!tpu.dma_semaphore, #tpu.memory_space<semaphore_mem>>) src(%dma_wait3A_30 : memref<4096x8xf32, #tpu.memory_space<hbm>>) dst(%arg7 : memref<4096x8xf32, #tpu.memory_space<vmem>>)
        tpu.yield
      }) : () -> ()
      "tpu.region"() ({
        %run_scoped3A = tpu.sem_alloc : memref<!tpu.dma_semaphore, #tpu.memory_space<semaphore_mem>>
        %dma_start3A = tpu.memref_slice %arg3[%add3A_24] : memref<1048576xi32, #tpu.memory_space<hbm>> -> memref<4096xi32, #tpu.memory_space<hbm>>
        %dma_start3A_25 = tpu.memref_slice %arg3[%add3A_24] : memref<1048576xi32, #tpu.memory_space<hbm>> -> memref<4096xi32, #tpu.memory_space<hbm>>
        tpu.enqueue_dma source(%dma_start3A_25 : memref<4096xi32, #tpu.memory_space<hbm>>) target(%arg8 : memref<4096xi32, #tpu.memory_space<vmem>>) target_semaphore(%run_scoped3A : memref<!tpu.dma_semaphore, #tpu.memory_space<semaphore_mem>>)
        %dma_wait3A = tpu.memref_slice %arg3[%add3A_24] : memref<1048576xi32, #tpu.memory_space<hbm>> -> memref<4096xi32, #tpu.memory_space<hbm>>
        %dma_wait3A_26 = tpu.memref_slice %arg3[%add3A_24] : memref<1048576xi32, #tpu.memory_space<hbm>> -> memref<4096xi32, #tpu.memory_space<hbm>>
        tpu.wait_dma2 semaphore(%run_scoped3A : memref<!tpu.dma_semaphore, #tpu.memory_space<semaphore_mem>>) src(%dma_wait3A_26 : memref<4096xi32, #tpu.memory_space<hbm>>) dst(%arg8 : memref<4096xi32, #tpu.memory_space<vmem>>)
        tpu.yield
      }) : () -> ()
      "tpu.region"() ({
        %run_scoped3A = tpu.sem_alloc : memref<!tpu.dma_semaphore, #tpu.memory_space<semaphore_mem>>
        %dma_start3A = arith.constant 0 : i32
        %dma_start3A_25 = arith.constant 0 : i32
        %dma_start3A_26 = tpu.memref_slice %arg10[%dma_start3A, %dma_start3A_25] : memref<120832x8xf32, #tpu.memory_space<vmem_shared>> -> memref<120832x8xf32, #tpu.memory_space<vmem_shared>>
        tpu.enqueue_indirect_dma source(%arg7 : memref<4096x8xf32, #tpu.memory_space<vmem>>) target(%dma_start3A_26 : memref<120832x8xf32, #tpu.memory_space<vmem_shared>>) offsets(%arg8 : memref<4096xi32, #tpu.memory_space<vmem>>) semaphore(%run_scoped3A : memref<!tpu.dma_semaphore, #tpu.memory_space<semaphore_mem>>) {add = true}
        %dma_wait3A = arith.constant 0 : i32
        %dma_wait3A_27 = arith.constant 0 : i32
        %dma_wait3A_28 = tpu.memref_slice %arg10[%dma_wait3A, %dma_wait3A_27] : memref<120832x8xf32, #tpu.memory_space<vmem_shared>> -> memref<120832x8xf32, #tpu.memory_space<vmem_shared>>
        tpu.wait_indirect_dma semaphore(%run_scoped3A : memref<!tpu.dma_semaphore, #tpu.memory_space<semaphore_mem>>) src(%arg7 : memref<4096x8xf32, #tpu.memory_space<vmem>>) dst(%dma_wait3A_28 : memref<120832x8xf32, #tpu.memory_space<vmem_shared>>)
        tpu.yield
      }) : () -> ()
    }
    %scan3A_6 = arith.constant 16 : i32
    %barrier3A_7 = arith.constant 0 : index
    tpu.barrier barrier_id(%barrier3A_7)
    %eq3A = arith.constant 0 : i32
    %eq3A_8 = arith.cmpi eq, %arg0, %eq3A : i32
    %convert_element_type3A = arith.extui %eq3A_8 : i1 to i32
    %cond3A = arith.constant 0 : i32
    %cond3A_9 = arith.cmpi ne, %convert_element_type3A, %cond3A : i32
    scf.if %cond3A_9 {
      "tpu.region"() ({
        %run_scoped3A = tpu.sem_alloc : memref<!tpu.dma_semaphore, #tpu.memory_space<semaphore_mem>>
        %dma_start3A = arith.constant 0 : i32
        %dma_start3A_15 = tpu.memref_slice %arg6[%mul3A_2, %dma_start3A] : memref<120832x8xf32, #tpu.memory_space<hbm>> -> memref<7552x8xf32, #tpu.memory_space<hbm>>
        %dma_start3A_16 = arith.constant 0 : i32
        %dma_start3A_17 = tpu.memref_slice %arg10[%mul3A_2, %dma_start3A_16] : memref<120832x8xf32, #tpu.memory_space<vmem_shared>> -> memref<7552x8xf32, #tpu.memory_space<vmem_shared>>
        tpu.enqueue_dma source(%dma_start3A_17 : memref<7552x8xf32, #tpu.memory_space<vmem_shared>>) target(%dma_start3A_15 : memref<7552x8xf32, #tpu.memory_space<hbm>>) target_semaphore(%run_scoped3A : memref<!tpu.dma_semaphore, #tpu.memory_space<semaphore_mem>>)
        %dma_wait3A = arith.constant 0 : i32
        %dma_wait3A_18 = tpu.memref_slice %arg6[%mul3A_2, %dma_wait3A] : memref<120832x8xf32, #tpu.memory_space<hbm>> -> memref<7552x8xf32, #tpu.memory_space<hbm>>
        %dma_wait3A_19 = arith.constant 0 : i32
        %dma_wait3A_20 = tpu.memref_slice %arg10[%mul3A_2, %dma_wait3A_19] : memref<120832x8xf32, #tpu.memory_space<vmem_shared>> -> memref<7552x8xf32, #tpu.memory_space<vmem_shared>>
        tpu.wait_dma2 semaphore(%run_scoped3A : memref<!tpu.dma_semaphore, #tpu.memory_space<semaphore_mem>>) src(%dma_wait3A_20 : memref<7552x8xf32, #tpu.memory_space<vmem_shared>>) dst(%dma_wait3A_18 : memref<7552x8xf32, #tpu.memory_space<hbm>>)
        tpu.yield
      }) : () -> ()
    } else {
    }
    %scan3A_10 = arith.constant 0 : i32
    %scan3A_11 = arith.constant 8 : i32
    %scan3A_12 = arith.addi %scan3A_10, %scan3A_11 : i32
    %scan3A_13 = arith.constant 1 : i32
    scf.for %scan3A_15 = %scan3A_10 to %scan3A_12 step %scan3A_13  : i32 {
      %mul3A_16 = arith.constant 1 : i32
      %mul3A_17 = arith.muli %scan3A_15, %mul3A_16 : i32
      %add3A_18 = arith.constant 0 : i32
      %add3A_19 = arith.addi %add3A_18, %mul3A_17 : i32
      %mul3A_20 = arith.constant 32768 : i32
      %mul3A_21 = arith.muli %add3A, %mul3A_20 : i32
      %mul3A_22 = arith.constant 4096 : i32
      %mul3A_23 = arith.muli %add3A_19, %mul3A_22 : i32
      %add3A_24 = arith.addi %mul3A_21, %mul3A_23 : i32
      "tpu.region"() ({
        %run_scoped3A = tpu.sem_alloc : memref<!tpu.dma_semaphore, #tpu.memory_space<semaphore_mem>>
        %dma_start3A_29 = tpu.memref_slice %arg3[%add3A_24] : memref<1048576xi32, #tpu.memory_space<hbm>> -> memref<4096xi32, #tpu.memory_space<hbm>>
        %dma_start3A_30 = tpu.memref_slice %arg3[%add3A_24] : memref<1048576xi32, #tpu.memory_space<hbm>> -> memref<4096xi32, #tpu.memory_space<hbm>>
        tpu.enqueue_dma source(%dma_start3A_30 : memref<4096xi32, #tpu.memory_space<hbm>>) target(%arg8 : memref<4096xi32, #tpu.memory_space<vmem>>) target_semaphore(%run_scoped3A : memref<!tpu.dma_semaphore, #tpu.memory_space<semaphore_mem>>)
        %dma_wait3A_31 = tpu.memref_slice %arg3[%add3A_24] : memref<1048576xi32, #tpu.memory_space<hbm>> -> memref<4096xi32, #tpu.memory_space<hbm>>
        %dma_wait3A_32 = tpu.memref_slice %arg3[%add3A_24] : memref<1048576xi32, #tpu.memory_space<hbm>> -> memref<4096xi32, #tpu.memory_space<hbm>>
        tpu.wait_dma2 semaphore(%run_scoped3A : memref<!tpu.dma_semaphore, #tpu.memory_space<semaphore_mem>>) src(%dma_wait3A_32 : memref<4096xi32, #tpu.memory_space<hbm>>) dst(%arg8 : memref<4096xi32, #tpu.memory_space<vmem>>)
        tpu.yield
      }) : () -> ()
      %dma_start3A = arith.constant 0 : i32
      %dma_start3A_25 = arith.constant 0 : i32
      %dma_start3A_26 = tpu.memref_slice %arg10[%dma_start3A, %dma_start3A_25] : memref<120832x8xf32, #tpu.memory_space<vmem_shared>> -> memref<120832x8xf32, #tpu.memory_space<vmem_shared>>
      tpu.enqueue_indirect_dma source(%dma_start3A_26 : memref<120832x8xf32, #tpu.memory_space<vmem_shared>>) target(%arg9 : memref<4096x8xf32, #tpu.memory_space<vmem>>) offsets(%arg8 : memref<4096xi32, #tpu.memory_space<vmem>>) semaphore(%arg11 : memref<!tpu.dma_semaphore, #tpu.memory_space<semaphore_mem>>)
      %dma_wait3A = arith.constant 0 : i32
      %dma_wait3A_27 = arith.constant 0 : i32
      %dma_wait3A_28 = tpu.memref_slice %arg10[%dma_wait3A, %dma_wait3A_27] : memref<120832x8xf32, #tpu.memory_space<vmem_shared>> -> memref<120832x8xf32, #tpu.memory_space<vmem_shared>>
      tpu.wait_indirect_dma semaphore(%arg11 : memref<!tpu.dma_semaphore, #tpu.memory_space<semaphore_mem>>) src(%dma_wait3A_28 : memref<120832x8xf32, #tpu.memory_space<vmem_shared>>) dst(%arg9 : memref<4096x8xf32, #tpu.memory_space<vmem>>)
      "tpu.region"() ({
        %run_scoped3A = tpu.sem_alloc : memref<!tpu.dma_semaphore, #tpu.memory_space<semaphore_mem>>
        %dma_start3A_29 = arith.constant 0 : i32
        %dma_start3A_30 = tpu.memref_slice %arg5[%add3A_24, %dma_start3A_29] : memref<1048576x8xf32, #tpu.memory_space<hbm>> -> memref<4096x8xf32, #tpu.memory_space<hbm>>
        %dma_start3A_31 = arith.constant 0 : i32
        %dma_start3A_32 = tpu.memref_slice %arg5[%add3A_24, %dma_start3A_31] : memref<1048576x8xf32, #tpu.memory_space<hbm>> -> memref<4096x8xf32, #tpu.memory_space<hbm>>
        tpu.enqueue_dma source(%arg9 : memref<4096x8xf32, #tpu.memory_space<vmem>>) target(%dma_start3A_32 : memref<4096x8xf32, #tpu.memory_space<hbm>>) target_semaphore(%run_scoped3A : memref<!tpu.dma_semaphore, #tpu.memory_space<semaphore_mem>>)
        %dma_wait3A_33 = arith.constant 0 : i32
        %dma_wait3A_34 = tpu.memref_slice %arg5[%add3A_24, %dma_wait3A_33] : memref<1048576x8xf32, #tpu.memory_space<hbm>> -> memref<4096x8xf32, #tpu.memory_space<hbm>>
        %dma_wait3A_35 = arith.constant 0 : i32
        %dma_wait3A_36 = tpu.memref_slice %arg5[%add3A_24, %dma_wait3A_35] : memref<1048576x8xf32, #tpu.memory_space<hbm>> -> memref<4096x8xf32, #tpu.memory_space<hbm>>
        tpu.wait_dma2 semaphore(%run_scoped3A : memref<!tpu.dma_semaphore, #tpu.memory_space<semaphore_mem>>) src(%arg9 : memref<4096x8xf32, #tpu.memory_space<vmem>>) dst(%dma_wait3A_36 : memref<4096x8xf32, #tpu.memory_space<hbm>>)
        tpu.yield
      }) : () -> ()
    }
    %scan3A_14 = arith.constant 8 : i32
    return
  }
}

#map = affine_map<(d0, d1) -> (0, 0)>
#map1 = affine_map<(d0, d1) -> (0)>
module attributes {stable_mosaic.version = 14 : i64} {
  func.func @_p6_body(%arg0: i32, %arg1: i32, %arg2: memref<120832x64xf32, #tpu.memory_space<hbm>>, %arg3: memref<120000x8xi32, #tpu.memory_space<hbm>>, %arg4: memref<65536xi32, #tpu.memory_space<hbm>>, %arg5: memref<65536x64xf32, #tpu.memory_space<hbm>>, %arg6: memref<65536x8xi32, #tpu.memory_space<hbm>>, %arg7: memref<1024xi32, #tpu.memory_space<vmem>>, %arg8: memref<1024x64xf32, #tpu.memory_space<vmem>>, %arg9: memref<1024x8xi32, #tpu.memory_space<vmem>>, %arg10: memref<!tpu.dma_semaphore, #tpu.memory_space<semaphore_mem>>) attributes {dimension_semantics = [#tpu.dimension_semantics<core_parallel>, #tpu.dimension_semantics<subcore_parallel>], iteration_bounds = array<i64: 2, 16>, scalar_prefetch = 0 : i64, scratch_operands = 4 : i64, tpu.core_type = #tpu.core_type<sc_vector_subcore>, window_params = [{transform_indices = #map}, {transform_indices = #map}, {transform_indices = #map1}, {transform_indices = #map}, {transform_indices = #map}]} {
    %mul3A = arith.constant 2 : i32
    %mul3A_0 = arith.muli %arg1, %mul3A : i32
    %add3A = arith.addi %mul3A_0, %arg0 : i32
    %scan3A = arith.constant 0 : i32
    %scan3A_1 = arith.constant 2 : i32
    %scan3A_2 = arith.addi %scan3A, %scan3A_1 : i32
    %scan3A_3 = arith.constant 1 : i32
    scf.for %scan3A_5 = %scan3A to %scan3A_2 step %scan3A_3  : i32 {
      %mul3A_6 = arith.constant 1 : i32
      %mul3A_7 = arith.muli %scan3A_5, %mul3A_6 : i32
      %add3A_8 = arith.constant 0 : i32
      %add3A_9 = arith.addi %add3A_8, %mul3A_7 : i32
      %mul3A_10 = arith.constant 2048 : i32
      %mul3A_11 = arith.muli %add3A, %mul3A_10 : i32
      %mul3A_12 = arith.constant 1024 : i32
      %mul3A_13 = arith.muli %add3A_9, %mul3A_12 : i32
      %add3A_14 = arith.addi %mul3A_11, %mul3A_13 : i32
      "tpu.region"() ({
        %run_scoped3A = tpu.sem_alloc : memref<!tpu.dma_semaphore, #tpu.memory_space<semaphore_mem>>
        %dma_start3A_25 = tpu.memref_slice %arg4[%add3A_14] : memref<65536xi32, #tpu.memory_space<hbm>> -> memref<1024xi32, #tpu.memory_space<hbm>>
        %dma_start3A_26 = tpu.memref_slice %arg4[%add3A_14] : memref<65536xi32, #tpu.memory_space<hbm>> -> memref<1024xi32, #tpu.memory_space<hbm>>
        tpu.enqueue_dma source(%dma_start3A_26 : memref<1024xi32, #tpu.memory_space<hbm>>) target(%arg7 : memref<1024xi32, #tpu.memory_space<vmem>>) target_semaphore(%run_scoped3A : memref<!tpu.dma_semaphore, #tpu.memory_space<semaphore_mem>>)
        %dma_wait3A_27 = tpu.memref_slice %arg4[%add3A_14] : memref<65536xi32, #tpu.memory_space<hbm>> -> memref<1024xi32, #tpu.memory_space<hbm>>
        %dma_wait3A_28 = tpu.memref_slice %arg4[%add3A_14] : memref<65536xi32, #tpu.memory_space<hbm>> -> memref<1024xi32, #tpu.memory_space<hbm>>
        tpu.wait_dma2 semaphore(%run_scoped3A : memref<!tpu.dma_semaphore, #tpu.memory_space<semaphore_mem>>) src(%dma_wait3A_28 : memref<1024xi32, #tpu.memory_space<hbm>>) dst(%arg7 : memref<1024xi32, #tpu.memory_space<vmem>>)
        tpu.yield
      }) : () -> ()
      %dma_start3A = arith.constant 0 : i32
      %dma_start3A_15 = arith.constant 0 : i32
      %dma_start3A_16 = tpu.memref_slice %arg2[%dma_start3A, %dma_start3A_15] : memref<120832x64xf32, #tpu.memory_space<hbm>> -> memref<120832x64xf32, #tpu.memory_space<hbm>>
      tpu.enqueue_indirect_dma source(%dma_start3A_16 : memref<120832x64xf32, #tpu.memory_space<hbm>>) target(%arg8 : memref<1024x64xf32, #tpu.memory_space<vmem>>) offsets(%arg7 : memref<1024xi32, #tpu.memory_space<vmem>>) semaphore(%arg10 : memref<!tpu.dma_semaphore, #tpu.memory_space<semaphore_mem>>)
      %dma_wait3A = arith.constant 0 : i32
      %dma_wait3A_17 = arith.constant 0 : i32
      %dma_wait3A_18 = tpu.memref_slice %arg2[%dma_wait3A, %dma_wait3A_17] : memref<120832x64xf32, #tpu.memory_space<hbm>> -> memref<120832x64xf32, #tpu.memory_space<hbm>>
      tpu.wait_indirect_dma semaphore(%arg10 : memref<!tpu.dma_semaphore, #tpu.memory_space<semaphore_mem>>) src(%dma_wait3A_18 : memref<120832x64xf32, #tpu.memory_space<hbm>>) dst(%arg8 : memref<1024x64xf32, #tpu.memory_space<vmem>>)
      "tpu.region"() ({
        %run_scoped3A = tpu.sem_alloc : memref<!tpu.dma_semaphore, #tpu.memory_space<semaphore_mem>>
        %dma_start3A_25 = arith.constant 0 : i32
        %dma_start3A_26 = tpu.memref_slice %arg5[%add3A_14, %dma_start3A_25] : memref<65536x64xf32, #tpu.memory_space<hbm>> -> memref<1024x64xf32, #tpu.memory_space<hbm>>
        %dma_start3A_27 = arith.constant 0 : i32
        %dma_start3A_28 = tpu.memref_slice %arg5[%add3A_14, %dma_start3A_27] : memref<65536x64xf32, #tpu.memory_space<hbm>> -> memref<1024x64xf32, #tpu.memory_space<hbm>>
        tpu.enqueue_dma source(%arg8 : memref<1024x64xf32, #tpu.memory_space<vmem>>) target(%dma_start3A_28 : memref<1024x64xf32, #tpu.memory_space<hbm>>) target_semaphore(%run_scoped3A : memref<!tpu.dma_semaphore, #tpu.memory_space<semaphore_mem>>)
        %dma_wait3A_29 = arith.constant 0 : i32
        %dma_wait3A_30 = tpu.memref_slice %arg5[%add3A_14, %dma_wait3A_29] : memref<65536x64xf32, #tpu.memory_space<hbm>> -> memref<1024x64xf32, #tpu.memory_space<hbm>>
        %dma_wait3A_31 = arith.constant 0 : i32
        %dma_wait3A_32 = tpu.memref_slice %arg5[%add3A_14, %dma_wait3A_31] : memref<65536x64xf32, #tpu.memory_space<hbm>> -> memref<1024x64xf32, #tpu.memory_space<hbm>>
        tpu.wait_dma2 semaphore(%run_scoped3A : memref<!tpu.dma_semaphore, #tpu.memory_space<semaphore_mem>>) src(%arg8 : memref<1024x64xf32, #tpu.memory_space<vmem>>) dst(%dma_wait3A_32 : memref<1024x64xf32, #tpu.memory_space<hbm>>)
        tpu.yield
      }) : () -> ()
      %dma_start3A_19 = arith.constant 0 : i32
      %dma_start3A_20 = arith.constant 0 : i32
      %dma_start3A_21 = tpu.memref_slice %arg3[%dma_start3A_19, %dma_start3A_20] : memref<120000x8xi32, #tpu.memory_space<hbm>> -> memref<120000x8xi32, #tpu.memory_space<hbm>>
      tpu.enqueue_indirect_dma source(%dma_start3A_21 : memref<120000x8xi32, #tpu.memory_space<hbm>>) target(%arg9 : memref<1024x8xi32, #tpu.memory_space<vmem>>) offsets(%arg7 : memref<1024xi32, #tpu.memory_space<vmem>>) semaphore(%arg10 : memref<!tpu.dma_semaphore, #tpu.memory_space<semaphore_mem>>)
      %dma_wait3A_22 = arith.constant 0 : i32
      %dma_wait3A_23 = arith.constant 0 : i32
      %dma_wait3A_24 = tpu.memref_slice %arg3[%dma_wait3A_22, %dma_wait3A_23] : memref<120000x8xi32, #tpu.memory_space<hbm>> -> memref<120000x8xi32, #tpu.memory_space<hbm>>
      tpu.wait_indirect_dma semaphore(%arg10 : memref<!tpu.dma_semaphore, #tpu.memory_space<semaphore_mem>>) src(%dma_wait3A_24 : memref<120000x8xi32, #tpu.memory_space<hbm>>) dst(%arg9 : memref<1024x8xi32, #tpu.memory_space<vmem>>)
      "tpu.region"() ({
        %run_scoped3A = tpu.sem_alloc : memref<!tpu.dma_semaphore, #tpu.memory_space<semaphore_mem>>
        %dma_start3A_25 = arith.constant 0 : i32
        %dma_start3A_26 = tpu.memref_slice %arg6[%add3A_14, %dma_start3A_25] : memref<65536x8xi32, #tpu.memory_space<hbm>> -> memref<1024x8xi32, #tpu.memory_space<hbm>>
        %dma_start3A_27 = arith.constant 0 : i32
        %dma_start3A_28 = tpu.memref_slice %arg6[%add3A_14, %dma_start3A_27] : memref<65536x8xi32, #tpu.memory_space<hbm>> -> memref<1024x8xi32, #tpu.memory_space<hbm>>
        tpu.enqueue_dma source(%arg9 : memref<1024x8xi32, #tpu.memory_space<vmem>>) target(%dma_start3A_28 : memref<1024x8xi32, #tpu.memory_space<hbm>>) target_semaphore(%run_scoped3A : memref<!tpu.dma_semaphore, #tpu.memory_space<semaphore_mem>>)
        %dma_wait3A_29 = arith.constant 0 : i32
        %dma_wait3A_30 = tpu.memref_slice %arg6[%add3A_14, %dma_wait3A_29] : memref<65536x8xi32, #tpu.memory_space<hbm>> -> memref<1024x8xi32, #tpu.memory_space<hbm>>
        %dma_wait3A_31 = arith.constant 0 : i32
        %dma_wait3A_32 = tpu.memref_slice %arg6[%add3A_14, %dma_wait3A_31] : memref<65536x8xi32, #tpu.memory_space<hbm>> -> memref<1024x8xi32, #tpu.memory_space<hbm>>
        tpu.wait_dma2 semaphore(%run_scoped3A : memref<!tpu.dma_semaphore, #tpu.memory_space<semaphore_mem>>) src(%arg9 : memref<1024x8xi32, #tpu.memory_space<vmem>>) dst(%dma_wait3A_32 : memref<1024x8xi32, #tpu.memory_space<hbm>>)
        tpu.yield
      }) : () -> ()
    }
    %scan3A_4 = arith.constant 2 : i32
    return
  }
}

#map = affine_map<(d0, d1) -> (0, 0)>
#map1 = affine_map<(d0, d1) -> (0)>
module attributes {stable_mosaic.version = 14 : i64} {
  func.func @_p4_body(%arg0: i32, %arg1: i32, %arg2: memref<524288x128xf32, #tpu.memory_space<hbm>>, %arg3: memref<1048576xi32, #tpu.memory_space<hbm>>, %arg4: memref<120832x8xf32, #tpu.memory_space<hbm>>, %arg5: memref<60416x128xf32, #tpu.memory_space<hbm>>, %arg6: memref<4096x8xf32, #tpu.memory_space<vmem>>, %arg7: memref<4096xi32, #tpu.memory_space<vmem>>, %arg8: memref<120832x8xf32, #tpu.memory_space<vmem_shared>>, %arg9: memref<!tpu.dma_semaphore, #tpu.memory_space<semaphore_mem>>) attributes {dimension_semantics = [#tpu.dimension_semantics<core_parallel>, #tpu.dimension_semantics<subcore_parallel>], iteration_bounds = array<i64: 2, 16>, scalar_prefetch = 0 : i64, scratch_operands = 4 : i64, tpu.core_type = #tpu.core_type<sc_vector_subcore>, window_params = [{transform_indices = #map}, {transform_indices = #map1}, {transform_indices = #map}, {transform_indices = #map}]} {
    %mul3A = arith.constant 7552 : i32
    %mul3A_0 = arith.muli %arg1, %mul3A : i32
    %jit3A = arith.constant 8 : i32
    %div3A = arith.divsi %arg1, %jit3A : i32
    %sign3A = arith.constant 0 : i32
    %sign3A_1 = arith.cmpi sgt, %arg1, %sign3A : i32
    %sign3A_2 = arith.extui %sign3A_1 : i1 to i32
    %sign3A_3 = arith.constant 0 : i32
    %sign3A_4 = arith.cmpi slt, %arg1, %sign3A_3 : i32
    %sign3A_5 = arith.extui %sign3A_4 : i1 to i32
    %sign3A_6 = arith.subi %sign3A_2, %sign3A_5 : i32
    %sign3A_7 = arith.constant 0 : i32
    %sign3A_8 = arith.cmpi sgt, %jit3A, %sign3A_7 : i32
    %sign3A_9 = arith.extui %sign3A_8 : i1 to i32
    %sign3A_10 = arith.constant 0 : i32
    %sign3A_11 = arith.cmpi slt, %jit3A, %sign3A_10 : i32
    %sign3A_12 = arith.extui %sign3A_11 : i1 to i32
    %sign3A_13 = arith.subi %sign3A_9, %sign3A_12 : i32
    %ne3A = arith.cmpi ne, %sign3A_6, %sign3A_13 : i32
    %rem3A = arith.remsi %arg1, %jit3A : i32
    %ne3A_14 = arith.constant 0 : i32
    %ne3A_15 = arith.cmpi ne, %rem3A, %ne3A_14 : i32
    %and3A = arith.andi %ne3A, %ne3A_15 : i1
    %sub3A = arith.constant 1 : i32
    %sub3A_16 = arith.subi %div3A, %sub3A : i32
    %select_n3A = arith.select %and3A, %sub3A_16, %div3A : i32
    %mul3A_17 = arith.constant 60416 : i32
    %mul3A_18 = arith.muli %select_n3A, %mul3A_17 : i32
    %sub3A_19 = arith.subi %mul3A_0, %mul3A_18 : i32
    %mul3A_20 = arith.constant 4 : i32
    %mul3A_21 = arith.muli %arg0, %mul3A_20 : i32
    %add3A = arith.constant 0 : i32
    %add3A_22 = arith.addi %mul3A_21, %add3A : i32
    %mul3A_23 = arith.constant 8 : i32
    %mul3A_24 = arith.muli %add3A_22, %mul3A_23 : i32
    "tpu.region"() ({
      %run_scoped3A = tpu.sem_alloc : memref<!tpu.dma_semaphore, #tpu.memory_space<semaphore_mem>>
      %dma_start3A = arith.constant 0 : i32
      %dma_start3A_121 = tpu.memref_slice %arg8[%mul3A_0, %dma_start3A] : memref<120832x8xf32, #tpu.memory_space<vmem_shared>> -> memref<7552x8xf32, #tpu.memory_space<vmem_shared>>
      %dma_start3A_122 = arith.constant 0 : i32
      %dma_start3A_123 = tpu.memref_slice %arg4[%mul3A_0, %dma_start3A_122] : memref<120832x8xf32, #tpu.memory_space<hbm>> -> memref<7552x8xf32, #tpu.memory_space<hbm>>
      tpu.enqueue_dma source(%dma_start3A_123 : memref<7552x8xf32, #tpu.memory_space<hbm>>) target(%dma_start3A_121 : memref<7552x8xf32, #tpu.memory_space<vmem_shared>>) target_semaphore(%run_scoped3A : memref<!tpu.dma_semaphore, #tpu.memory_space<semaphore_mem>>)
      %dma_wait3A = arith.constant 0 : i32
      %dma_wait3A_124 = tpu.memref_slice %arg8[%mul3A_0, %dma_wait3A] : memref<120832x8xf32, #tpu.memory_space<vmem_shared>> -> memref<7552x8xf32, #tpu.memory_space<vmem_shared>>
      %dma_wait3A_125 = arith.constant 0 : i32
      %dma_wait3A_126 = tpu.memref_slice %arg4[%mul3A_0, %dma_wait3A_125] : memref<120832x8xf32, #tpu.memory_space<hbm>> -> memref<7552x8xf32, #tpu.memory_space<hbm>>
      tpu.wait_dma2 semaphore(%run_scoped3A : memref<!tpu.dma_semaphore, #tpu.memory_space<semaphore_mem>>) src(%dma_wait3A_126 : memref<7552x8xf32, #tpu.memory_space<hbm>>) dst(%dma_wait3A_124 : memref<7552x8xf32, #tpu.memory_space<vmem_shared>>)
      tpu.yield
    }) : () -> ()
    %barrier3A = arith.constant 0 : index
    tpu.barrier barrier_id(%barrier3A)
    %add3A_25 = arith.constant 0 : i32
    %add3A_26 = arith.addi %add3A_25, %mul3A_24 : i32
    %scan3A = arith.constant 0 : i32
    %scan3A_27 = arith.constant 8 : i32
    %scan3A_28 = arith.addi %scan3A, %scan3A_27 : i32
    %scan3A_29 = arith.constant 1 : i32
    scf.for %scan3A_121 = %scan3A to %scan3A_28 step %scan3A_29  : i32 {
      %mul3A_122 = arith.constant 1 : i32
      %mul3A_123 = arith.muli %scan3A_121, %mul3A_122 : i32
      %add3A_124 = arith.constant 0 : i32
      %add3A_125 = arith.addi %add3A_124, %mul3A_123 : i32
      %mul3A_126 = arith.constant 32768 : i32
      %mul3A_127 = arith.muli %arg1, %mul3A_126 : i32
      %mul3A_128 = arith.constant 4096 : i32
      %mul3A_129 = arith.muli %add3A_125, %mul3A_128 : i32
      %add3A_130 = arith.addi %mul3A_127, %mul3A_129 : i32
      "tpu.region"() ({
        %run_scoped3A = tpu.sem_alloc : memref<!tpu.dma_semaphore, #tpu.memory_space<semaphore_mem>>
        %dma_start3A = tpu.memref_slice %arg2[%add3A_130, %add3A_26] : memref<524288x128xf32, #tpu.memory_space<hbm>> -> memref<4096x8xf32, #tpu.memory_space<hbm>>
        %dma_start3A_133 = tpu.memref_slice %arg2[%add3A_130, %add3A_26] : memref<524288x128xf32, #tpu.memory_space<hbm>> -> memref<4096x8xf32, #tpu.memory_space<hbm>>
        tpu.enqueue_dma source(%dma_start3A_133 : memref<4096x8xf32, #tpu.memory_space<hbm>>) target(%arg6 : memref<4096x8xf32, #tpu.memory_space<vmem>>) target_semaphore(%run_scoped3A : memref<!tpu.dma_semaphore, #tpu.memory_space<semaphore_mem>>)
        %dma_wait3A = tpu.memref_slice %arg2[%add3A_130, %add3A_26] : memref<524288x128xf32, #tpu.memory_space<hbm>> -> memref<4096x8xf32, #tpu.memory_space<hbm>>
        %dma_wait3A_134 = tpu.memref_slice %arg2[%add3A_130, %add3A_26] : memref<524288x128xf32, #tpu.memory_space<hbm>> -> memref<4096x8xf32, #tpu.memory_space<hbm>>
        tpu.wait_dma2 semaphore(%run_scoped3A : memref<!tpu.dma_semaphore, #tpu.memory_space<semaphore_mem>>) src(%dma_wait3A_134 : memref<4096x8xf32, #tpu.memory_space<hbm>>) dst(%arg6 : memref<4096x8xf32, #tpu.memory_space<vmem>>)
        tpu.yield
      }) : () -> ()
      %add3A_131 = arith.constant 0 : i32
      %add3A_132 = arith.addi %add3A_131, %add3A_130 : i32
      "tpu.region"() ({
        %run_scoped3A = tpu.sem_alloc : memref<!tpu.dma_semaphore, #tpu.memory_space<semaphore_mem>>
        %dma_start3A = tpu.memref_slice %arg3[%add3A_132] : memref<1048576xi32, #tpu.memory_space<hbm>> -> memref<4096xi32, #tpu.memory_space<hbm>>
        %dma_start3A_133 = tpu.memref_slice %arg3[%add3A_132] : memref<1048576xi32, #tpu.memory_space<hbm>> -> memref<4096xi32, #tpu.memory_space<hbm>>
        tpu.enqueue_dma source(%dma_start3A_133 : memref<4096xi32, #tpu.memory_space<hbm>>) target(%arg7 : memref<4096xi32, #tpu.memory_space<vmem>>) target_semaphore(%run_scoped3A : memref<!tpu.dma_semaphore, #tpu.memory_space<semaphore_mem>>)
        %dma_wait3A = tpu.memref_slice %arg3[%add3A_132] : memref<1048576xi32, #tpu.memory_space<hbm>> -> memref<4096xi32, #tpu.memory_space<hbm>>
        %dma_wait3A_134 = tpu.memref_slice %arg3[%add3A_132] : memref<1048576xi32, #tpu.memory_space<hbm>> -> memref<4096xi32, #tpu.memory_space<hbm>>
        tpu.wait_dma2 semaphore(%run_scoped3A : memref<!tpu.dma_semaphore, #tpu.memory_space<semaphore_mem>>) src(%dma_wait3A_134 : memref<4096xi32, #tpu.memory_space<hbm>>) dst(%arg7 : memref<4096xi32, #tpu.memory_space<vmem>>)
        tpu.yield
      }) : () -> ()
      "tpu.region"() ({
        %run_scoped3A = tpu.sem_alloc : memref<!tpu.dma_semaphore, #tpu.memory_space<semaphore_mem>>
        %dma_start3A = arith.constant 0 : i32
        %dma_start3A_133 = arith.constant 0 : i32
        %dma_start3A_134 = tpu.memref_slice %arg8[%dma_start3A, %dma_start3A_133] : memref<120832x8xf32, #tpu.memory_space<vmem_shared>> -> memref<120832x8xf32, #tpu.memory_space<vmem_shared>>
        tpu.enqueue_indirect_dma source(%arg6 : memref<4096x8xf32, #tpu.memory_space<vmem>>) target(%dma_start3A_134 : memref<120832x8xf32, #tpu.memory_space<vmem_shared>>) offsets(%arg7 : memref<4096xi32, #tpu.memory_space<vmem>>) semaphore(%run_scoped3A : memref<!tpu.dma_semaphore, #tpu.memory_space<semaphore_mem>>) {add = true}
        %dma_wait3A = arith.constant 0 : i32
        %dma_wait3A_135 = arith.constant 0 : i32
        %dma_wait3A_136 = tpu.memref_slice %arg8[%dma_wait3A, %dma_wait3A_135] : memref<120832x8xf32, #tpu.memory_space<vmem_shared>> -> memref<120832x8xf32, #tpu.memory_space<vmem_shared>>
        tpu.wait_indirect_dma semaphore(%run_scoped3A : memref<!tpu.dma_semaphore, #tpu.memory_space<semaphore_mem>>) src(%arg6 : memref<4096x8xf32, #tpu.memory_space<vmem>>) dst(%dma_wait3A_136 : memref<120832x8xf32, #tpu.memory_space<vmem_shared>>)
        tpu.yield
      }) : () -> ()
    }
    %scan3A_30 = arith.constant 8 : i32
    %add3A_31 = arith.constant 64 : i32
    %add3A_32 = arith.addi %add3A_31, %mul3A_24 : i32
    %scan3A_33 = arith.constant 0 : i32
    %scan3A_34 = arith.constant 8 : i32
    %scan3A_35 = arith.addi %scan3A_33, %scan3A_34 : i32
    %scan3A_36 = arith.constant 1 : i32
    scf.for %scan3A_121 = %scan3A_33 to %scan3A_35 step %scan3A_36  : i32 {
      %mul3A_122 = arith.constant 1 : i32
      %mul3A_123 = arith.muli %scan3A_121, %mul3A_122 : i32
      %add3A_124 = arith.constant 0 : i32
      %add3A_125 = arith.addi %add3A_124, %mul3A_123 : i32
      %mul3A_126 = arith.constant 32768 : i32
      %mul3A_127 = arith.muli %arg1, %mul3A_126 : i32
      %mul3A_128 = arith.constant 4096 : i32
      %mul3A_129 = arith.muli %add3A_125, %mul3A_128 : i32
      %add3A_130 = arith.addi %mul3A_127, %mul3A_129 : i32
      "tpu.region"() ({
        %run_scoped3A = tpu.sem_alloc : memref<!tpu.dma_semaphore, #tpu.memory_space<semaphore_mem>>
        %dma_start3A = tpu.memref_slice %arg2[%add3A_130, %add3A_32] : memref<524288x128xf32, #tpu.memory_space<hbm>> -> memref<4096x8xf32, #tpu.memory_space<hbm>>
        %dma_start3A_133 = tpu.memref_slice %arg2[%add3A_130, %add3A_32] : memref<524288x128xf32, #tpu.memory_space<hbm>> -> memref<4096x8xf32, #tpu.memory_space<hbm>>
        tpu.enqueue_dma source(%dma_start3A_133 : memref<4096x8xf32, #tpu.memory_space<hbm>>) target(%arg6 : memref<4096x8xf32, #tpu.memory_space<vmem>>) target_semaphore(%run_scoped3A : memref<!tpu.dma_semaphore, #tpu.memory_space<semaphore_mem>>)
        %dma_wait3A = tpu.memref_slice %arg2[%add3A_130, %add3A_32] : memref<524288x128xf32, #tpu.memory_space<hbm>> -> memref<4096x8xf32, #tpu.memory_space<hbm>>
        %dma_wait3A_134 = tpu.memref_slice %arg2[%add3A_130, %add3A_32] : memref<524288x128xf32, #tpu.memory_space<hbm>> -> memref<4096x8xf32, #tpu.memory_space<hbm>>
        tpu.wait_dma2 semaphore(%run_scoped3A : memref<!tpu.dma_semaphore, #tpu.memory_space<semaphore_mem>>) src(%dma_wait3A_134 : memref<4096x8xf32, #tpu.memory_space<hbm>>) dst(%arg6 : memref<4096x8xf32, #tpu.memory_space<vmem>>)
        tpu.yield
      }) : () -> ()
      %add3A_131 = arith.constant 524288 : i32
      %add3A_132 = arith.addi %add3A_131, %add3A_130 : i32
      "tpu.region"() ({
        %run_scoped3A = tpu.sem_alloc : memref<!tpu.dma_semaphore, #tpu.memory_space<semaphore_mem>>
        %dma_start3A = tpu.memref_slice %arg3[%add3A_132] : memref<1048576xi32, #tpu.memory_space<hbm>> -> memref<4096xi32, #tpu.memory_space<hbm>>
        %dma_start3A_133 = tpu.memref_slice %arg3[%add3A_132] : memref<1048576xi32, #tpu.memory_space<hbm>> -> memref<4096xi32, #tpu.memory_space<hbm>>
        tpu.enqueue_dma source(%dma_start3A_133 : memref<4096xi32, #tpu.memory_space<hbm>>) target(%arg7 : memref<4096xi32, #tpu.memory_space<vmem>>) target_semaphore(%run_scoped3A : memref<!tpu.dma_semaphore, #tpu.memory_space<semaphore_mem>>)
        %dma_wait3A = tpu.memref_slice %arg3[%add3A_132] : memref<1048576xi32, #tpu.memory_space<hbm>> -> memref<4096xi32, #tpu.memory_space<hbm>>
        %dma_wait3A_134 = tpu.memref_slice %arg3[%add3A_132] : memref<1048576xi32, #tpu.memory_space<hbm>> -> memref<4096xi32, #tpu.memory_space<hbm>>
        tpu.wait_dma2 semaphore(%run_scoped3A : memref<!tpu.dma_semaphore, #tpu.memory_space<semaphore_mem>>) src(%dma_wait3A_134 : memref<4096xi32, #tpu.memory_space<hbm>>) dst(%arg7 : memref<4096xi32, #tpu.memory_space<vmem>>)
        tpu.yield
      }) : () -> ()
      "tpu.region"() ({
        %run_scoped3A = tpu.sem_alloc : memref<!tpu.dma_semaphore, #tpu.memory_space<semaphore_mem>>
        %dma_start3A = arith.constant 0 : i32
        %dma_start3A_133 = arith.constant 0 : i32
        %dma_start3A_134 = tpu.memref_slice %arg8[%dma_start3A, %dma_start3A_133] : memref<120832x8xf32, #tpu.memory_space<vmem_shared>> -> memref<120832x8xf32, #tpu.memory_space<vmem_shared>>
        tpu.enqueue_indirect_dma source(%arg6 : memref<4096x8xf32, #tpu.memory_space<vmem>>) target(%dma_start3A_134 : memref<120832x8xf32, #tpu.memory_space<vmem_shared>>) offsets(%arg7 : memref<4096xi32, #tpu.memory_space<vmem>>) semaphore(%run_scoped3A : memref<!tpu.dma_semaphore, #tpu.memory_space<semaphore_mem>>) {add = true}
        %dma_wait3A = arith.constant 0 : i32
        %dma_wait3A_135 = arith.constant 0 : i32
        %dma_wait3A_136 = tpu.memref_slice %arg8[%dma_wait3A, %dma_wait3A_135] : memref<120832x8xf32, #tpu.memory_space<vmem_shared>> -> memref<120832x8xf32, #tpu.memory_space<vmem_shared>>
        tpu.wait_indirect_dma semaphore(%run_scoped3A : memref<!tpu.dma_semaphore, #tpu.memory_space<semaphore_mem>>) src(%arg6 : memref<4096x8xf32, #tpu.memory_space<vmem>>) dst(%dma_wait3A_136 : memref<120832x8xf32, #tpu.memory_space<vmem_shared>>)
        tpu.yield
      }) : () -> ()
    }
    %scan3A_37 = arith.constant 8 : i32
    %barrier3A_38 = arith.constant 0 : index
    tpu.barrier barrier_id(%barrier3A_38)
    %mul3A_39 = arith.constant 64 : i32
    %mul3A_40 = arith.muli %select_n3A, %mul3A_39 : i32
    %add3A_41 = arith.addi %mul3A_40, %mul3A_24 : i32
    "tpu.region"() ({
      %run_scoped3A = tpu.sem_alloc : memref<!tpu.dma_semaphore, #tpu.memory_space<semaphore_mem>>
      %dma_start3A = tpu.memref_slice %arg5[%sub3A_19, %add3A_41] : memref<60416x128xf32, #tpu.memory_space<hbm>> -> memref<7552x8xf32, #tpu.memory_space<hbm>>
      %dma_start3A_121 = arith.constant 0 : i32
      %dma_start3A_122 = tpu.memref_slice %arg8[%mul3A_0, %dma_start3A_121] : memref<120832x8xf32, #tpu.memory_space<vmem_shared>> -> memref<7552x8xf32, #tpu.memory_space<vmem_shared>>
      tpu.enqueue_dma source(%dma_start3A_122 : memref<7552x8xf32, #tpu.memory_space<vmem_shared>>) target(%dma_start3A : memref<7552x8xf32, #tpu.memory_space<hbm>>) target_semaphore(%run_scoped3A : memref<!tpu.dma_semaphore, #tpu.memory_space<semaphore_mem>>)
      %dma_wait3A = tpu.memref_slice %arg5[%sub3A_19, %add3A_41] : memref<60416x128xf32, #tpu.memory_space<hbm>> -> memref<7552x8xf32, #tpu.memory_space<hbm>>
      %dma_wait3A_123 = arith.constant 0 : i32
      %dma_wait3A_124 = tpu.memref_slice %arg8[%mul3A_0, %dma_wait3A_123] : memref<120832x8xf32, #tpu.memory_space<vmem_shared>> -> memref<7552x8xf32, #tpu.memory_space<vmem_shared>>
      tpu.wait_dma2 semaphore(%run_scoped3A : memref<!tpu.dma_semaphore, #tpu.memory_space<semaphore_mem>>) src(%dma_wait3A_124 : memref<7552x8xf32, #tpu.memory_space<vmem_shared>>) dst(%dma_wait3A : memref<7552x8xf32, #tpu.memory_space<hbm>>)
      tpu.yield
    }) : () -> ()
    %barrier3A_42 = arith.constant 0 : index
    tpu.barrier barrier_id(%barrier3A_42)
    %mul3A_43 = arith.constant 4 : i32
    %mul3A_44 = arith.muli %arg0, %mul3A_43 : i32
    %add3A_45 = arith.constant 1 : i32
    %add3A_46 = arith.addi %mul3A_44, %add3A_45 : i32
    %mul3A_47 = arith.constant 8 : i32
    %mul3A_48 = arith.muli %add3A_46, %mul3A_47 : i32
    "tpu.region"() ({
      %run_scoped3A = tpu.sem_alloc : memref<!tpu.dma_semaphore, #tpu.memory_space<semaphore_mem>>
      %dma_start3A = arith.constant 0 : i32
      %dma_start3A_121 = tpu.memref_slice %arg8[%mul3A_0, %dma_start3A] : memref<120832x8xf32, #tpu.memory_space<vmem_shared>> -> memref<7552x8xf32, #tpu.memory_space<vmem_shared>>
      %dma_start3A_122 = arith.constant 0 : i32
      %dma_start3A_123 = tpu.memref_slice %arg4[%mul3A_0, %dma_start3A_122] : memref<120832x8xf32, #tpu.memory_space<hbm>> -> memref<7552x8xf32, #tpu.memory_space<hbm>>
      tpu.enqueue_dma source(%dma_start3A_123 : memref<7552x8xf32, #tpu.memory_space<hbm>>) target(%dma_start3A_121 : memref<7552x8xf32, #tpu.memory_space<vmem_shared>>) target_semaphore(%run_scoped3A : memref<!tpu.dma_semaphore, #tpu.memory_space<semaphore_mem>>)
      %dma_wait3A = arith.constant 0 : i32
      %dma_wait3A_124 = tpu.memref_slice %arg8[%mul3A_0, %dma_wait3A] : memref<120832x8xf32, #tpu.memory_space<vmem_shared>> -> memref<7552x8xf32, #tpu.memory_space<vmem_shared>>
      %dma_wait3A_125 = arith.constant 0 : i32
      %dma_wait3A_126 = tpu.memref_slice %arg4[%mul3A_0, %dma_wait3A_125] : memref<120832x8xf32, #tpu.memory_space<hbm>> -> memref<7552x8xf32, #tpu.memory_space<hbm>>
      tpu.wait_dma2 semaphore(%run_scoped3A : memref<!tpu.dma_semaphore, #tpu.memory_space<semaphore_mem>>) src(%dma_wait3A_126 : memref<7552x8xf32, #tpu.memory_space<hbm>>) dst(%dma_wait3A_124 : memref<7552x8xf32, #tpu.memory_space<vmem_shared>>)
      tpu.yield
    }) : () -> ()
    %barrier3A_49 = arith.constant 0 : index
    tpu.barrier barrier_id(%barrier3A_49)
    %add3A_50 = arith.constant 0 : i32
    %add3A_51 = arith.addi %add3A_50, %mul3A_48 : i32
    %scan3A_52 = arith.constant 0 : i32
    %scan3A_53 = arith.constant 8 : i32
    %scan3A_54 = arith.addi %scan3A_52, %scan3A_53 : i32
    %scan3A_55 = arith.constant 1 : i32
    scf.for %scan3A_121 = %scan3A_52 to %scan3A_54 step %scan3A_55  : i32 {
      %mul3A_122 = arith.constant 1 : i32
      %mul3A_123 = arith.muli %scan3A_121, %mul3A_122 : i32
      %add3A_124 = arith.constant 0 : i32
      %add3A_125 = arith.addi %add3A_124, %mul3A_123 : i32
      %mul3A_126 = arith.constant 32768 : i32
      %mul3A_127 = arith.muli %arg1, %mul3A_126 : i32
      %mul3A_128 = arith.constant 4096 : i32
      %mul3A_129 = arith.muli %add3A_125, %mul3A_128 : i32
      %add3A_130 = arith.addi %mul3A_127, %mul3A_129 : i32
      "tpu.region"() ({
        %run_scoped3A = tpu.sem_alloc : memref<!tpu.dma_semaphore, #tpu.memory_space<semaphore_mem>>
        %dma_start3A = tpu.memref_slice %arg2[%add3A_130, %add3A_51] : memref<524288x128xf32, #tpu.memory_space<hbm>> -> memref<4096x8xf32, #tpu.memory_space<hbm>>
        %dma_start3A_133 = tpu.memref_slice %arg2[%add3A_130, %add3A_51] : memref<524288x128xf32, #tpu.memory_space<hbm>> -> memref<4096x8xf32, #tpu.memory_space<hbm>>
        tpu.enqueue_dma source(%dma_start3A_133 : memref<4096x8xf32, #tpu.memory_space<hbm>>) target(%arg6 : memref<4096x8xf32, #tpu.memory_space<vmem>>) target_semaphore(%run_scoped3A : memref<!tpu.dma_semaphore, #tpu.memory_space<semaphore_mem>>)
        %dma_wait3A = tpu.memref_slice %arg2[%add3A_130, %add3A_51] : memref<524288x128xf32, #tpu.memory_space<hbm>> -> memref<4096x8xf32, #tpu.memory_space<hbm>>
        %dma_wait3A_134 = tpu.memref_slice %arg2[%add3A_130, %add3A_51] : memref<524288x128xf32, #tpu.memory_space<hbm>> -> memref<4096x8xf32, #tpu.memory_space<hbm>>
        tpu.wait_dma2 semaphore(%run_scoped3A : memref<!tpu.dma_semaphore, #tpu.memory_space<semaphore_mem>>) src(%dma_wait3A_134 : memref<4096x8xf32, #tpu.memory_space<hbm>>) dst(%arg6 : memref<4096x8xf32, #tpu.memory_space<vmem>>)
        tpu.yield
      }) : () -> ()
      %add3A_131 = arith.constant 0 : i32
      %add3A_132 = arith.addi %add3A_131, %add3A_130 : i32
      "tpu.region"() ({
        %run_scoped3A = tpu.sem_alloc : memref<!tpu.dma_semaphore, #tpu.memory_space<semaphore_mem>>
        %dma_start3A = tpu.memref_slice %arg3[%add3A_132] : memref<1048576xi32, #tpu.memory_space<hbm>> -> memref<4096xi32, #tpu.memory_space<hbm>>
        %dma_start3A_133 = tpu.memref_slice %arg3[%add3A_132] : memref<1048576xi32, #tpu.memory_space<hbm>> -> memref<4096xi32, #tpu.memory_space<hbm>>
        tpu.enqueue_dma source(%dma_start3A_133 : memref<4096xi32, #tpu.memory_space<hbm>>) target(%arg7 : memref<4096xi32, #tpu.memory_space<vmem>>) target_semaphore(%run_scoped3A : memref<!tpu.dma_semaphore, #tpu.memory_space<semaphore_mem>>)
        %dma_wait3A = tpu.memref_slice %arg3[%add3A_132] : memref<1048576xi32, #tpu.memory_space<hbm>> -> memref<4096xi32, #tpu.memory_space<hbm>>
        %dma_wait3A_134 = tpu.memref_slice %arg3[%add3A_132] : memref<1048576xi32, #tpu.memory_space<hbm>> -> memref<4096xi32, #tpu.memory_space<hbm>>
        tpu.wait_dma2 semaphore(%run_scoped3A : memref<!tpu.dma_semaphore, #tpu.memory_space<semaphore_mem>>) src(%dma_wait3A_134 : memref<4096xi32, #tpu.memory_space<hbm>>) dst(%arg7 : memref<4096xi32, #tpu.memory_space<vmem>>)
        tpu.yield
      }) : () -> ()
      "tpu.region"() ({
        %run_scoped3A = tpu.sem_alloc : memref<!tpu.dma_semaphore, #tpu.memory_space<semaphore_mem>>
        %dma_start3A = arith.constant 0 : i32
        %dma_start3A_133 = arith.constant 0 : i32
        %dma_start3A_134 = tpu.memref_slice %arg8[%dma_start3A, %dma_start3A_133] : memref<120832x8xf32, #tpu.memory_space<vmem_shared>> -> memref<120832x8xf32, #tpu.memory_space<vmem_shared>>
        tpu.enqueue_indirect_dma source(%arg6 : memref<4096x8xf32, #tpu.memory_space<vmem>>) target(%dma_start3A_134 : memref<120832x8xf32, #tpu.memory_space<vmem_shared>>) offsets(%arg7 : memref<4096xi32, #tpu.memory_space<vmem>>) semaphore(%run_scoped3A : memref<!tpu.dma_semaphore, #tpu.memory_space<semaphore_mem>>) {add = true}
        %dma_wait3A = arith.constant 0 : i32
        %dma_wait3A_135 = arith.constant 0 : i32
        %dma_wait3A_136 = tpu.memref_slice %arg8[%dma_wait3A, %dma_wait3A_135] : memref<120832x8xf32, #tpu.memory_space<vmem_shared>> -> memref<120832x8xf32, #tpu.memory_space<vmem_shared>>
        tpu.wait_indirect_dma semaphore(%run_scoped3A : memref<!tpu.dma_semaphore, #tpu.memory_space<semaphore_mem>>) src(%arg6 : memref<4096x8xf32, #tpu.memory_space<vmem>>) dst(%dma_wait3A_136 : memref<120832x8xf32, #tpu.memory_space<vmem_shared>>)
        tpu.yield
      }) : () -> ()
    }
    %scan3A_56 = arith.constant 8 : i32
    %add3A_57 = arith.constant 64 : i32
    %add3A_58 = arith.addi %add3A_57, %mul3A_48 : i32
    %scan3A_59 = arith.constant 0 : i32
    %scan3A_60 = arith.constant 8 : i32
    %scan3A_61 = arith.addi %scan3A_59, %scan3A_60 : i32
    %scan3A_62 = arith.constant 1 : i32
    scf.for %scan3A_121 = %scan3A_59 to %scan3A_61 step %scan3A_62  : i32 {
      %mul3A_122 = arith.constant 1 : i32
      %mul3A_123 = arith.muli %scan3A_121, %mul3A_122 : i32
      %add3A_124 = arith.constant 0 : i32
      %add3A_125 = arith.addi %add3A_124, %mul3A_123 : i32
      %mul3A_126 = arith.constant 32768 : i32
      %mul3A_127 = arith.muli %arg1, %mul3A_126 : i32
      %mul3A_128 = arith.constant 4096 : i32
      %mul3A_129 = arith.muli %add3A_125, %mul3A_128 : i32
      %add3A_130 = arith.addi %mul3A_127, %mul3A_129 : i32
      "tpu.region"() ({
        %run_scoped3A = tpu.sem_alloc : memref<!tpu.dma_semaphore, #tpu.memory_space<semaphore_mem>>
        %dma_start3A = tpu.memref_slice %arg2[%add3A_130, %add3A_58] : memref<524288x128xf32, #tpu.memory_space<hbm>> -> memref<4096x8xf32, #tpu.memory_space<hbm>>
        %dma_start3A_133 = tpu.memref_slice %arg2[%add3A_130, %add3A_58] : memref<524288x128xf32, #tpu.memory_space<hbm>> -> memref<4096x8xf32, #tpu.memory_space<hbm>>
        tpu.enqueue_dma source(%dma_start3A_133 : memref<4096x8xf32, #tpu.memory_space<hbm>>) target(%arg6 : memref<4096x8xf32, #tpu.memory_space<vmem>>) target_semaphore(%run_scoped3A : memref<!tpu.dma_semaphore, #tpu.memory_space<semaphore_mem>>)
        %dma_wait3A = tpu.memref_slice %arg2[%add3A_130, %add3A_58] : memref<524288x128xf32, #tpu.memory_space<hbm>> -> memref<4096x8xf32, #tpu.memory_space<hbm>>
        %dma_wait3A_134 = tpu.memref_slice %arg2[%add3A_130, %add3A_58] : memref<524288x128xf32, #tpu.memory_space<hbm>> -> memref<4096x8xf32, #tpu.memory_space<hbm>>
        tpu.wait_dma2 semaphore(%run_scoped3A : memref<!tpu.dma_semaphore, #tpu.memory_space<semaphore_mem>>) src(%dma_wait3A_134 : memref<4096x8xf32, #tpu.memory_space<hbm>>) dst(%arg6 : memref<4096x8xf32, #tpu.memory_space<vmem>>)
        tpu.yield
      }) : () -> ()
      %add3A_131 = arith.constant 524288 : i32
      %add3A_132 = arith.addi %add3A_131, %add3A_130 : i32
      "tpu.region"() ({
        %run_scoped3A = tpu.sem_alloc : memref<!tpu.dma_semaphore, #tpu.memory_space<semaphore_mem>>
        %dma_start3A = tpu.memref_slice %arg3[%add3A_132] : memref<1048576xi32, #tpu.memory_space<hbm>> -> memref<4096xi32, #tpu.memory_space<hbm>>
        %dma_start3A_133 = tpu.memref_slice %arg3[%add3A_132] : memref<1048576xi32, #tpu.memory_space<hbm>> -> memref<4096xi32, #tpu.memory_space<hbm>>
        tpu.enqueue_dma source(%dma_start3A_133 : memref<4096xi32, #tpu.memory_space<hbm>>) target(%arg7 : memref<4096xi32, #tpu.memory_space<vmem>>) target_semaphore(%run_scoped3A : memref<!tpu.dma_semaphore, #tpu.memory_space<semaphore_mem>>)
        %dma_wait3A = tpu.memref_slice %arg3[%add3A_132] : memref<1048576xi32, #tpu.memory_space<hbm>> -> memref<4096xi32, #tpu.memory_space<hbm>>
        %dma_wait3A_134 = tpu.memref_slice %arg3[%add3A_132] : memref<1048576xi32, #tpu.memory_space<hbm>> -> memref<4096xi32, #tpu.memory_space<hbm>>
        tpu.wait_dma2 semaphore(%run_scoped3A : memref<!tpu.dma_semaphore, #tpu.memory_space<semaphore_mem>>) src(%dma_wait3A_134 : memref<4096xi32, #tpu.memory_space<hbm>>) dst(%arg7 : memref<4096xi32, #tpu.memory_space<vmem>>)
        tpu.yield
      }) : () -> ()
      "tpu.region"() ({
        %run_scoped3A = tpu.sem_alloc : memref<!tpu.dma_semaphore, #tpu.memory_space<semaphore_mem>>
        %dma_start3A = arith.constant 0 : i32
        %dma_start3A_133 = arith.constant 0 : i32
        %dma_start3A_134 = tpu.memref_slice %arg8[%dma_start3A, %dma_start3A_133] : memref<120832x8xf32, #tpu.memory_space<vmem_shared>> -> memref<120832x8xf32, #tpu.memory_space<vmem_shared>>
        tpu.enqueue_indirect_dma source(%arg6 : memref<4096x8xf32, #tpu.memory_space<vmem>>) target(%dma_start3A_134 : memref<120832x8xf32, #tpu.memory_space<vmem_shared>>) offsets(%arg7 : memref<4096xi32, #tpu.memory_space<vmem>>) semaphore(%run_scoped3A : memref<!tpu.dma_semaphore, #tpu.memory_space<semaphore_mem>>) {add = true}
        %dma_wait3A = arith.constant 0 : i32
        %dma_wait3A_135 = arith.constant 0 : i32
        %dma_wait3A_136 = tpu.memref_slice %arg8[%dma_wait3A, %dma_wait3A_135] : memref<120832x8xf32, #tpu.memory_space<vmem_shared>> -> memref<120832x8xf32, #tpu.memory_space<vmem_shared>>
        tpu.wait_indirect_dma semaphore(%run_scoped3A : memref<!tpu.dma_semaphore, #tpu.memory_space<semaphore_mem>>) src(%arg6 : memref<4096x8xf32, #tpu.memory_space<vmem>>) dst(%dma_wait3A_136 : memref<120832x8xf32, #tpu.memory_space<vmem_shared>>)
        tpu.yield
      }) : () -> ()
    }
    %scan3A_63 = arith.constant 8 : i32
    %barrier3A_64 = arith.constant 0 : index
    tpu.barrier barrier_id(%barrier3A_64)
    %mul3A_65 = arith.constant 64 : i32
    %mul3A_66 = arith.muli %select_n3A, %mul3A_65 : i32
    %add3A_67 = arith.addi %mul3A_66, %mul3A_48 : i32
    "tpu.region"() ({
      %run_scoped3A = tpu.sem_alloc : memref<!tpu.dma_semaphore, #tpu.memory_space<semaphore_mem>>
      %dma_start3A = tpu.memref_slice %arg5[%sub3A_19, %add3A_67] : memref<60416x128xf32, #tpu.memory_space<hbm>> -> memref<7552x8xf32, #tpu.memory_space<hbm>>
      %dma_start3A_121 = arith.constant 0 : i32
      %dma_start3A_122 = tpu.memref_slice %arg8[%mul3A_0, %dma_start3A_121] : memref<120832x8xf32, #tpu.memory_space<vmem_shared>> -> memref<7552x8xf32, #tpu.memory_space<vmem_shared>>
      tpu.enqueue_dma source(%dma_start3A_122 : memref<7552x8xf32, #tpu.memory_space<vmem_shared>>) target(%dma_start3A : memref<7552x8xf32, #tpu.memory_space<hbm>>) target_semaphore(%run_scoped3A : memref<!tpu.dma_semaphore, #tpu.memory_space<semaphore_mem>>)
      %dma_wait3A = tpu.memref_slice %arg5[%sub3A_19, %add3A_67] : memref<60416x128xf32, #tpu.memory_space<hbm>> -> memref<7552x8xf32, #tpu.memory_space<hbm>>
      %dma_wait3A_123 = arith.constant 0 : i32
      %dma_wait3A_124 = tpu.memref_slice %arg8[%mul3A_0, %dma_wait3A_123] : memref<120832x8xf32, #tpu.memory_space<vmem_shared>> -> memref<7552x8xf32, #tpu.memory_space<vmem_shared>>
      tpu.wait_dma2 semaphore(%run_scoped3A : memref<!tpu.dma_semaphore, #tpu.memory_space<semaphore_mem>>) src(%dma_wait3A_124 : memref<7552x8xf32, #tpu.memory_space<vmem_shared>>) dst(%dma_wait3A : memref<7552x8xf32, #tpu.memory_space<hbm>>)
      tpu.yield
    }) : () -> ()
    %barrier3A_68 = arith.constant 0 : index
    tpu.barrier barrier_id(%barrier3A_68)
    %mul3A_69 = arith.constant 4 : i32
    %mul3A_70 = arith.muli %arg0, %mul3A_69 : i32
    %add3A_71 = arith.constant 2 : i32
    %add3A_72 = arith.addi %mul3A_70, %add3A_71 : i32
    %mul3A_73 = arith.constant 8 : i32
    %mul3A_74 = arith.muli %add3A_72, %mul3A_73 : i32
    "tpu.region"() ({
      %run_scoped3A = tpu.sem_alloc : memref<!tpu.dma_semaphore, #tpu.memory_space<semaphore_mem>>
      %dma_start3A = arith.constant 0 : i32
      %dma_start3A_121 = tpu.memref_slice %arg8[%mul3A_0, %dma_start3A] : memref<120832x8xf32, #tpu.memory_space<vmem_shared>> -> memref<7552x8xf32, #tpu.memory_space<vmem_shared>>
      %dma_start3A_122 = arith.constant 0 : i32
      %dma_start3A_123 = tpu.memref_slice %arg4[%mul3A_0, %dma_start3A_122] : memref<120832x8xf32, #tpu.memory_space<hbm>> -> memref<7552x8xf32, #tpu.memory_space<hbm>>
      tpu.enqueue_dma source(%dma_start3A_123 : memref<7552x8xf32, #tpu.memory_space<hbm>>) target(%dma_start3A_121 : memref<7552x8xf32, #tpu.memory_space<vmem_shared>>) target_semaphore(%run_scoped3A : memref<!tpu.dma_semaphore, #tpu.memory_space<semaphore_mem>>)
      %dma_wait3A = arith.constant 0 : i32
      %dma_wait3A_124 = tpu.memref_slice %arg8[%mul3A_0, %dma_wait3A] : memref<120832x8xf32, #tpu.memory_space<vmem_shared>> -> memref<7552x8xf32, #tpu.memory_space<vmem_shared>>
      %dma_wait3A_125 = arith.constant 0 : i32
      %dma_wait3A_126 = tpu.memref_slice %arg4[%mul3A_0, %dma_wait3A_125] : memref<120832x8xf32, #tpu.memory_space<hbm>> -> memref<7552x8xf32, #tpu.memory_space<hbm>>
      tpu.wait_dma2 semaphore(%run_scoped3A : memref<!tpu.dma_semaphore, #tpu.memory_space<semaphore_mem>>) src(%dma_wait3A_126 : memref<7552x8xf32, #tpu.memory_space<hbm>>) dst(%dma_wait3A_124 : memref<7552x8xf32, #tpu.memory_space<vmem_shared>>)
      tpu.yield
    }) : () -> ()
    %barrier3A_75 = arith.constant 0 : index
    tpu.barrier barrier_id(%barrier3A_75)
    %add3A_76 = arith.constant 0 : i32
    %add3A_77 = arith.addi %add3A_76, %mul3A_74 : i32
    %scan3A_78 = arith.constant 0 : i32
    %scan3A_79 = arith.constant 8 : i32
    %scan3A_80 = arith.addi %scan3A_78, %scan3A_79 : i32
    %scan3A_81 = arith.constant 1 : i32
    scf.for %scan3A_121 = %scan3A_78 to %scan3A_80 step %scan3A_81  : i32 {
      %mul3A_122 = arith.constant 1 : i32
      %mul3A_123 = arith.muli %scan3A_121, %mul3A_122 : i32
      %add3A_124 = arith.constant 0 : i32
      %add3A_125 = arith.addi %add3A_124, %mul3A_123 : i32
      %mul3A_126 = arith.constant 32768 : i32
      %mul3A_127 = arith.muli %arg1, %mul3A_126 : i32
      %mul3A_128 = arith.constant 4096 : i32
      %mul3A_129 = arith.muli %add3A_125, %mul3A_128 : i32
      %add3A_130 = arith.addi %mul3A_127, %mul3A_129 : i32
      "tpu.region"() ({
        %run_scoped3A = tpu.sem_alloc : memref<!tpu.dma_semaphore, #tpu.memory_space<semaphore_mem>>
        %dma_start3A = tpu.memref_slice %arg2[%add3A_130, %add3A_77] : memref<524288x128xf32, #tpu.memory_space<hbm>> -> memref<4096x8xf32, #tpu.memory_space<hbm>>
        %dma_start3A_133 = tpu.memref_slice %arg2[%add3A_130, %add3A_77] : memref<524288x128xf32, #tpu.memory_space<hbm>> -> memref<4096x8xf32, #tpu.memory_space<hbm>>
        tpu.enqueue_dma source(%dma_start3A_133 : memref<4096x8xf32, #tpu.memory_space<hbm>>) target(%arg6 : memref<4096x8xf32, #tpu.memory_space<vmem>>) target_semaphore(%run_scoped3A : memref<!tpu.dma_semaphore, #tpu.memory_space<semaphore_mem>>)
        %dma_wait3A = tpu.memref_slice %arg2[%add3A_130, %add3A_77] : memref<524288x128xf32, #tpu.memory_space<hbm>> -> memref<4096x8xf32, #tpu.memory_space<hbm>>
        %dma_wait3A_134 = tpu.memref_slice %arg2[%add3A_130, %add3A_77] : memref<524288x128xf32, #tpu.memory_space<hbm>> -> memref<4096x8xf32, #tpu.memory_space<hbm>>
        tpu.wait_dma2 semaphore(%run_scoped3A : memref<!tpu.dma_semaphore, #tpu.memory_space<semaphore_mem>>) src(%dma_wait3A_134 : memref<4096x8xf32, #tpu.memory_space<hbm>>) dst(%arg6 : memref<4096x8xf32, #tpu.memory_space<vmem>>)
        tpu.yield
      }) : () -> ()
      %add3A_131 = arith.constant 0 : i32
      %add3A_132 = arith.addi %add3A_131, %add3A_130 : i32
      "tpu.region"() ({
        %run_scoped3A = tpu.sem_alloc : memref<!tpu.dma_semaphore, #tpu.memory_space<semaphore_mem>>
        %dma_start3A = tpu.memref_slice %arg3[%add3A_132] : memref<1048576xi32, #tpu.memory_space<hbm>> -> memref<4096xi32, #tpu.memory_space<hbm>>
        %dma_start3A_133 = tpu.memref_slice %arg3[%add3A_132] : memref<1048576xi32, #tpu.memory_space<hbm>> -> memref<4096xi32, #tpu.memory_space<hbm>>
        tpu.enqueue_dma source(%dma_start3A_133 : memref<4096xi32, #tpu.memory_space<hbm>>) target(%arg7 : memref<4096xi32, #tpu.memory_space<vmem>>) target_semaphore(%run_scoped3A : memref<!tpu.dma_semaphore, #tpu.memory_space<semaphore_mem>>)
        %dma_wait3A = tpu.memref_slice %arg3[%add3A_132] : memref<1048576xi32, #tpu.memory_space<hbm>> -> memref<4096xi32, #tpu.memory_space<hbm>>
        %dma_wait3A_134 = tpu.memref_slice %arg3[%add3A_132] : memref<1048576xi32, #tpu.memory_space<hbm>> -> memref<4096xi32, #tpu.memory_space<hbm>>
        tpu.wait_dma2 semaphore(%run_scoped3A : memref<!tpu.dma_semaphore, #tpu.memory_space<semaphore_mem>>) src(%dma_wait3A_134 : memref<4096xi32, #tpu.memory_space<hbm>>) dst(%arg7 : memref<4096xi32, #tpu.memory_space<vmem>>)
        tpu.yield
      }) : () -> ()
      "tpu.region"() ({
        %run_scoped3A = tpu.sem_alloc : memref<!tpu.dma_semaphore, #tpu.memory_space<semaphore_mem>>
        %dma_start3A = arith.constant 0 : i32
        %dma_start3A_133 = arith.constant 0 : i32
        %dma_start3A_134 = tpu.memref_slice %arg8[%dma_start3A, %dma_start3A_133] : memref<120832x8xf32, #tpu.memory_space<vmem_shared>> -> memref<120832x8xf32, #tpu.memory_space<vmem_shared>>
        tpu.enqueue_indirect_dma source(%arg6 : memref<4096x8xf32, #tpu.memory_space<vmem>>) target(%dma_start3A_134 : memref<120832x8xf32, #tpu.memory_space<vmem_shared>>) offsets(%arg7 : memref<4096xi32, #tpu.memory_space<vmem>>) semaphore(%run_scoped3A : memref<!tpu.dma_semaphore, #tpu.memory_space<semaphore_mem>>) {add = true}
        %dma_wait3A = arith.constant 0 : i32
        %dma_wait3A_135 = arith.constant 0 : i32
        %dma_wait3A_136 = tpu.memref_slice %arg8[%dma_wait3A, %dma_wait3A_135] : memref<120832x8xf32, #tpu.memory_space<vmem_shared>> -> memref<120832x8xf32, #tpu.memory_space<vmem_shared>>
        tpu.wait_indirect_dma semaphore(%run_scoped3A : memref<!tpu.dma_semaphore, #tpu.memory_space<semaphore_mem>>) src(%arg6 : memref<4096x8xf32, #tpu.memory_space<vmem>>) dst(%dma_wait3A_136 : memref<120832x8xf32, #tpu.memory_space<vmem_shared>>)
        tpu.yield
      }) : () -> ()
    }
    %scan3A_82 = arith.constant 8 : i32
    %add3A_83 = arith.constant 64 : i32
    %add3A_84 = arith.addi %add3A_83, %mul3A_74 : i32
    %scan3A_85 = arith.constant 0 : i32
    %scan3A_86 = arith.constant 8 : i32
    %scan3A_87 = arith.addi %scan3A_85, %scan3A_86 : i32
    %scan3A_88 = arith.constant 1 : i32
    scf.for %scan3A_121 = %scan3A_85 to %scan3A_87 step %scan3A_88  : i32 {
      %mul3A_122 = arith.constant 1 : i32
      %mul3A_123 = arith.muli %scan3A_121, %mul3A_122 : i32
      %add3A_124 = arith.constant 0 : i32
      %add3A_125 = arith.addi %add3A_124, %mul3A_123 : i32
      %mul3A_126 = arith.constant 32768 : i32
      %mul3A_127 = arith.muli %arg1, %mul3A_126 : i32
      %mul3A_128 = arith.constant 4096 : i32
      %mul3A_129 = arith.muli %add3A_125, %mul3A_128 : i32
      %add3A_130 = arith.addi %mul3A_127, %mul3A_129 : i32
      "tpu.region"() ({
        %run_scoped3A = tpu.sem_alloc : memref<!tpu.dma_semaphore, #tpu.memory_space<semaphore_mem>>
        %dma_start3A = tpu.memref_slice %arg2[%add3A_130, %add3A_84] : memref<524288x128xf32, #tpu.memory_space<hbm>> -> memref<4096x8xf32, #tpu.memory_space<hbm>>
        %dma_start3A_133 = tpu.memref_slice %arg2[%add3A_130, %add3A_84] : memref<524288x128xf32, #tpu.memory_space<hbm>> -> memref<4096x8xf32, #tpu.memory_space<hbm>>
        tpu.enqueue_dma source(%dma_start3A_133 : memref<4096x8xf32, #tpu.memory_space<hbm>>) target(%arg6 : memref<4096x8xf32, #tpu.memory_space<vmem>>) target_semaphore(%run_scoped3A : memref<!tpu.dma_semaphore, #tpu.memory_space<semaphore_mem>>)
        %dma_wait3A = tpu.memref_slice %arg2[%add3A_130, %add3A_84] : memref<524288x128xf32, #tpu.memory_space<hbm>> -> memref<4096x8xf32, #tpu.memory_space<hbm>>
        %dma_wait3A_134 = tpu.memref_slice %arg2[%add3A_130, %add3A_84] : memref<524288x128xf32, #tpu.memory_space<hbm>> -> memref<4096x8xf32, #tpu.memory_space<hbm>>
        tpu.wait_dma2 semaphore(%run_scoped3A : memref<!tpu.dma_semaphore, #tpu.memory_space<semaphore_mem>>) src(%dma_wait3A_134 : memref<4096x8xf32, #tpu.memory_space<hbm>>) dst(%arg6 : memref<4096x8xf32, #tpu.memory_space<vmem>>)
        tpu.yield
      }) : () -> ()
      %add3A_131 = arith.constant 524288 : i32
      %add3A_132 = arith.addi %add3A_131, %add3A_130 : i32
      "tpu.region"() ({
        %run_scoped3A = tpu.sem_alloc : memref<!tpu.dma_semaphore, #tpu.memory_space<semaphore_mem>>
        %dma_start3A = tpu.memref_slice %arg3[%add3A_132] : memref<1048576xi32, #tpu.memory_space<hbm>> -> memref<4096xi32, #tpu.memory_space<hbm>>
        %dma_start3A_133 = tpu.memref_slice %arg3[%add3A_132] : memref<1048576xi32, #tpu.memory_space<hbm>> -> memref<4096xi32, #tpu.memory_space<hbm>>
        tpu.enqueue_dma source(%dma_start3A_133 : memref<4096xi32, #tpu.memory_space<hbm>>) target(%arg7 : memref<4096xi32, #tpu.memory_space<vmem>>) target_semaphore(%run_scoped3A : memref<!tpu.dma_semaphore, #tpu.memory_space<semaphore_mem>>)
        %dma_wait3A = tpu.memref_slice %arg3[%add3A_132] : memref<1048576xi32, #tpu.memory_space<hbm>> -> memref<4096xi32, #tpu.memory_space<hbm>>
        %dma_wait3A_134 = tpu.memref_slice %arg3[%add3A_132] : memref<1048576xi32, #tpu.memory_space<hbm>> -> memref<4096xi32, #tpu.memory_space<hbm>>
        tpu.wait_dma2 semaphore(%run_scoped3A : memref<!tpu.dma_semaphore, #tpu.memory_space<semaphore_mem>>) src(%dma_wait3A_134 : memref<4096xi32, #tpu.memory_space<hbm>>) dst(%arg7 : memref<4096xi32, #tpu.memory_space<vmem>>)
        tpu.yield
      }) : () -> ()
      "tpu.region"() ({
        %run_scoped3A = tpu.sem_alloc : memref<!tpu.dma_semaphore, #tpu.memory_space<semaphore_mem>>
        %dma_start3A = arith.constant 0 : i32
        %dma_start3A_133 = arith.constant 0 : i32
        %dma_start3A_134 = tpu.memref_slice %arg8[%dma_start3A, %dma_start3A_133] : memref<120832x8xf32, #tpu.memory_space<vmem_shared>> -> memref<120832x8xf32, #tpu.memory_space<vmem_shared>>
        tpu.enqueue_indirect_dma source(%arg6 : memref<4096x8xf32, #tpu.memory_space<vmem>>) target(%dma_start3A_134 : memref<120832x8xf32, #tpu.memory_space<vmem_shared>>) offsets(%arg7 : memref<4096xi32, #tpu.memory_space<vmem>>) semaphore(%run_scoped3A : memref<!tpu.dma_semaphore, #tpu.memory_space<semaphore_mem>>) {add = true}
        %dma_wait3A = arith.constant 0 : i32
        %dma_wait3A_135 = arith.constant 0 : i32
        %dma_wait3A_136 = tpu.memref_slice %arg8[%dma_wait3A, %dma_wait3A_135] : memref<120832x8xf32, #tpu.memory_space<vmem_shared>> -> memref<120832x8xf32, #tpu.memory_space<vmem_shared>>
        tpu.wait_indirect_dma semaphore(%run_scoped3A : memref<!tpu.dma_semaphore, #tpu.memory_space<semaphore_mem>>) src(%arg6 : memref<4096x8xf32, #tpu.memory_space<vmem>>) dst(%dma_wait3A_136 : memref<120832x8xf32, #tpu.memory_space<vmem_shared>>)
        tpu.yield
      }) : () -> ()
    }
    %scan3A_89 = arith.constant 8 : i32
    %barrier3A_90 = arith.constant 0 : index
    tpu.barrier barrier_id(%barrier3A_90)
    %mul3A_91 = arith.constant 64 : i32
    %mul3A_92 = arith.muli %select_n3A, %mul3A_91 : i32
    %add3A_93 = arith.addi %mul3A_92, %mul3A_74 : i32
    "tpu.region"() ({
      %run_scoped3A = tpu.sem_alloc : memref<!tpu.dma_semaphore, #tpu.memory_space<semaphore_mem>>
      %dma_start3A = tpu.memref_slice %arg5[%sub3A_19, %add3A_93] : memref<60416x128xf32, #tpu.memory_space<hbm>> -> memref<7552x8xf32, #tpu.memory_space<hbm>>
      %dma_start3A_121 = arith.constant 0 : i32
      %dma_start3A_122 = tpu.memref_slice %arg8[%mul3A_0, %dma_start3A_121] : memref<120832x8xf32, #tpu.memory_space<vmem_shared>> -> memref<7552x8xf32, #tpu.memory_space<vmem_shared>>
      tpu.enqueue_dma source(%dma_start3A_122 : memref<7552x8xf32, #tpu.memory_space<vmem_shared>>) target(%dma_start3A : memref<7552x8xf32, #tpu.memory_space<hbm>>) target_semaphore(%run_scoped3A : memref<!tpu.dma_semaphore, #tpu.memory_space<semaphore_mem>>)
      %dma_wait3A = tpu.memref_slice %arg5[%sub3A_19, %add3A_93] : memref<60416x128xf32, #tpu.memory_space<hbm>> -> memref<7552x8xf32, #tpu.memory_space<hbm>>
      %dma_wait3A_123 = arith.constant 0 : i32
      %dma_wait3A_124 = tpu.memref_slice %arg8[%mul3A_0, %dma_wait3A_123] : memref<120832x8xf32, #tpu.memory_space<vmem_shared>> -> memref<7552x8xf32, #tpu.memory_space<vmem_shared>>
      tpu.wait_dma2 semaphore(%run_scoped3A : memref<!tpu.dma_semaphore, #tpu.memory_space<semaphore_mem>>) src(%dma_wait3A_124 : memref<7552x8xf32, #tpu.memory_space<vmem_shared>>) dst(%dma_wait3A : memref<7552x8xf32, #tpu.memory_space<hbm>>)
      tpu.yield
    }) : () -> ()
    %barrier3A_94 = arith.constant 0 : index
    tpu.barrier barrier_id(%barrier3A_94)
    %mul3A_95 = arith.constant 4 : i32
    %mul3A_96 = arith.muli %arg0, %mul3A_95 : i32
    %add3A_97 = arith.constant 3 : i32
    %add3A_98 = arith.addi %mul3A_96, %add3A_97 : i32
    %mul3A_99 = arith.constant 8 : i32
    %mul3A_100 = arith.muli %add3A_98, %mul3A_99 : i32
    "tpu.region"() ({
      %run_scoped3A = tpu.sem_alloc : memref<!tpu.dma_semaphore, #tpu.memory_space<semaphore_mem>>
      %dma_start3A = arith.constant 0 : i32
      %dma_start3A_121 = tpu.memref_slice %arg8[%mul3A_0, %dma_start3A] : memref<120832x8xf32, #tpu.memory_space<vmem_shared>> -> memref<7552x8xf32, #tpu.memory_space<vmem_shared>>
      %dma_start3A_122 = arith.constant 0 : i32
      %dma_start3A_123 = tpu.memref_slice %arg4[%mul3A_0, %dma_start3A_122] : memref<120832x8xf32, #tpu.memory_space<hbm>> -> memref<7552x8xf32, #tpu.memory_space<hbm>>
      tpu.enqueue_dma source(%dma_start3A_123 : memref<7552x8xf32, #tpu.memory_space<hbm>>) target(%dma_start3A_121 : memref<7552x8xf32, #tpu.memory_space<vmem_shared>>) target_semaphore(%run_scoped3A : memref<!tpu.dma_semaphore, #tpu.memory_space<semaphore_mem>>)
      %dma_wait3A = arith.constant 0 : i32
      %dma_wait3A_124 = tpu.memref_slice %arg8[%mul3A_0, %dma_wait3A] : memref<120832x8xf32, #tpu.memory_space<vmem_shared>> -> memref<7552x8xf32, #tpu.memory_space<vmem_shared>>
      %dma_wait3A_125 = arith.constant 0 : i32
      %dma_wait3A_126 = tpu.memref_slice %arg4[%mul3A_0, %dma_wait3A_125] : memref<120832x8xf32, #tpu.memory_space<hbm>> -> memref<7552x8xf32, #tpu.memory_space<hbm>>
      tpu.wait_dma2 semaphore(%run_scoped3A : memref<!tpu.dma_semaphore, #tpu.memory_space<semaphore_mem>>) src(%dma_wait3A_126 : memref<7552x8xf32, #tpu.memory_space<hbm>>) dst(%dma_wait3A_124 : memref<7552x8xf32, #tpu.memory_space<vmem_shared>>)
      tpu.yield
    }) : () -> ()
    %barrier3A_101 = arith.constant 0 : index
    tpu.barrier barrier_id(%barrier3A_101)
    %add3A_102 = arith.constant 0 : i32
    %add3A_103 = arith.addi %add3A_102, %mul3A_100 : i32
    %scan3A_104 = arith.constant 0 : i32
    %scan3A_105 = arith.constant 8 : i32
    %scan3A_106 = arith.addi %scan3A_104, %scan3A_105 : i32
    %scan3A_107 = arith.constant 1 : i32
    scf.for %scan3A_121 = %scan3A_104 to %scan3A_106 step %scan3A_107  : i32 {
      %mul3A_122 = arith.constant 1 : i32
      %mul3A_123 = arith.muli %scan3A_121, %mul3A_122 : i32
      %add3A_124 = arith.constant 0 : i32
      %add3A_125 = arith.addi %add3A_124, %mul3A_123 : i32
      %mul3A_126 = arith.constant 32768 : i32
      %mul3A_127 = arith.muli %arg1, %mul3A_126 : i32
      %mul3A_128 = arith.constant 4096 : i32
      %mul3A_129 = arith.muli %add3A_125, %mul3A_128 : i32
      %add3A_130 = arith.addi %mul3A_127, %mul3A_129 : i32
      "tpu.region"() ({
        %run_scoped3A = tpu.sem_alloc : memref<!tpu.dma_semaphore, #tpu.memory_space<semaphore_mem>>
        %dma_start3A = tpu.memref_slice %arg2[%add3A_130, %add3A_103] : memref<524288x128xf32, #tpu.memory_space<hbm>> -> memref<4096x8xf32, #tpu.memory_space<hbm>>
        %dma_start3A_133 = tpu.memref_slice %arg2[%add3A_130, %add3A_103] : memref<524288x128xf32, #tpu.memory_space<hbm>> -> memref<4096x8xf32, #tpu.memory_space<hbm>>
        tpu.enqueue_dma source(%dma_start3A_133 : memref<4096x8xf32, #tpu.memory_space<hbm>>) target(%arg6 : memref<4096x8xf32, #tpu.memory_space<vmem>>) target_semaphore(%run_scoped3A : memref<!tpu.dma_semaphore, #tpu.memory_space<semaphore_mem>>)
        %dma_wait3A = tpu.memref_slice %arg2[%add3A_130, %add3A_103] : memref<524288x128xf32, #tpu.memory_space<hbm>> -> memref<4096x8xf32, #tpu.memory_space<hbm>>
        %dma_wait3A_134 = tpu.memref_slice %arg2[%add3A_130, %add3A_103] : memref<524288x128xf32, #tpu.memory_space<hbm>> -> memref<4096x8xf32, #tpu.memory_space<hbm>>
        tpu.wait_dma2 semaphore(%run_scoped3A : memref<!tpu.dma_semaphore, #tpu.memory_space<semaphore_mem>>) src(%dma_wait3A_134 : memref<4096x8xf32, #tpu.memory_space<hbm>>) dst(%arg6 : memref<4096x8xf32, #tpu.memory_space<vmem>>)
        tpu.yield
      }) : () -> ()
      %add3A_131 = arith.constant 0 : i32
      %add3A_132 = arith.addi %add3A_131, %add3A_130 : i32
      "tpu.region"() ({
        %run_scoped3A = tpu.sem_alloc : memref<!tpu.dma_semaphore, #tpu.memory_space<semaphore_mem>>
        %dma_start3A = tpu.memref_slice %arg3[%add3A_132] : memref<1048576xi32, #tpu.memory_space<hbm>> -> memref<4096xi32, #tpu.memory_space<hbm>>
        %dma_start3A_133 = tpu.memref_slice %arg3[%add3A_132] : memref<1048576xi32, #tpu.memory_space<hbm>> -> memref<4096xi32, #tpu.memory_space<hbm>>
        tpu.enqueue_dma source(%dma_start3A_133 : memref<4096xi32, #tpu.memory_space<hbm>>) target(%arg7 : memref<4096xi32, #tpu.memory_space<vmem>>) target_semaphore(%run_scoped3A : memref<!tpu.dma_semaphore, #tpu.memory_space<semaphore_mem>>)
        %dma_wait3A = tpu.memref_slice %arg3[%add3A_132] : memref<1048576xi32, #tpu.memory_space<hbm>> -> memref<4096xi32, #tpu.memory_space<hbm>>
        %dma_wait3A_134 = tpu.memref_slice %arg3[%add3A_132] : memref<1048576xi32, #tpu.memory_space<hbm>> -> memref<4096xi32, #tpu.memory_space<hbm>>
        tpu.wait_dma2 semaphore(%run_scoped3A : memref<!tpu.dma_semaphore, #tpu.memory_space<semaphore_mem>>) src(%dma_wait3A_134 : memref<4096xi32, #tpu.memory_space<hbm>>) dst(%arg7 : memref<4096xi32, #tpu.memory_space<vmem>>)
        tpu.yield
      }) : () -> ()
      "tpu.region"() ({
        %run_scoped3A = tpu.sem_alloc : memref<!tpu.dma_semaphore, #tpu.memory_space<semaphore_mem>>
        %dma_start3A = arith.constant 0 : i32
        %dma_start3A_133 = arith.constant 0 : i32
        %dma_start3A_134 = tpu.memref_slice %arg8[%dma_start3A, %dma_start3A_133] : memref<120832x8xf32, #tpu.memory_space<vmem_shared>> -> memref<120832x8xf32, #tpu.memory_space<vmem_shared>>
        tpu.enqueue_indirect_dma source(%arg6 : memref<4096x8xf32, #tpu.memory_space<vmem>>) target(%dma_start3A_134 : memref<120832x8xf32, #tpu.memory_space<vmem_shared>>) offsets(%arg7 : memref<4096xi32, #tpu.memory_space<vmem>>) semaphore(%run_scoped3A : memref<!tpu.dma_semaphore, #tpu.memory_space<semaphore_mem>>) {add = true}
        %dma_wait3A = arith.constant 0 : i32
        %dma_wait3A_135 = arith.constant 0 : i32
        %dma_wait3A_136 = tpu.memref_slice %arg8[%dma_wait3A, %dma_wait3A_135] : memref<120832x8xf32, #tpu.memory_space<vmem_shared>> -> memref<120832x8xf32, #tpu.memory_space<vmem_shared>>
        tpu.wait_indirect_dma semaphore(%run_scoped3A : memref<!tpu.dma_semaphore, #tpu.memory_space<semaphore_mem>>) src(%arg6 : memref<4096x8xf32, #tpu.memory_space<vmem>>) dst(%dma_wait3A_136 : memref<120832x8xf32, #tpu.memory_space<vmem_shared>>)
        tpu.yield
      }) : () -> ()
    }
    %scan3A_108 = arith.constant 8 : i32
    %add3A_109 = arith.constant 64 : i32
    %add3A_110 = arith.addi %add3A_109, %mul3A_100 : i32
    %scan3A_111 = arith.constant 0 : i32
    %scan3A_112 = arith.constant 8 : i32
    %scan3A_113 = arith.addi %scan3A_111, %scan3A_112 : i32
    %scan3A_114 = arith.constant 1 : i32
    scf.for %scan3A_121 = %scan3A_111 to %scan3A_113 step %scan3A_114  : i32 {
      %mul3A_122 = arith.constant 1 : i32
      %mul3A_123 = arith.muli %scan3A_121, %mul3A_122 : i32
      %add3A_124 = arith.constant 0 : i32
      %add3A_125 = arith.addi %add3A_124, %mul3A_123 : i32
      %mul3A_126 = arith.constant 32768 : i32
      %mul3A_127 = arith.muli %arg1, %mul3A_126 : i32
      %mul3A_128 = arith.constant 4096 : i32
      %mul3A_129 = arith.muli %add3A_125, %mul3A_128 : i32
      %add3A_130 = arith.addi %mul3A_127, %mul3A_129 : i32
      "tpu.region"() ({
        %run_scoped3A = tpu.sem_alloc : memref<!tpu.dma_semaphore, #tpu.memory_space<semaphore_mem>>
        %dma_start3A = tpu.memref_slice %arg2[%add3A_130, %add3A_110] : memref<524288x128xf32, #tpu.memory_space<hbm>> -> memref<4096x8xf32, #tpu.memory_space<hbm>>
        %dma_start3A_133 = tpu.memref_slice %arg2[%add3A_130, %add3A_110] : memref<524288x128xf32, #tpu.memory_space<hbm>> -> memref<4096x8xf32, #tpu.memory_space<hbm>>
        tpu.enqueue_dma source(%dma_start3A_133 : memref<4096x8xf32, #tpu.memory_space<hbm>>) target(%arg6 : memref<4096x8xf32, #tpu.memory_space<vmem>>) target_semaphore(%run_scoped3A : memref<!tpu.dma_semaphore, #tpu.memory_space<semaphore_mem>>)
        %dma_wait3A = tpu.memref_slice %arg2[%add3A_130, %add3A_110] : memref<524288x128xf32, #tpu.memory_space<hbm>> -> memref<4096x8xf32, #tpu.memory_space<hbm>>
        %dma_wait3A_134 = tpu.memref_slice %arg2[%add3A_130, %add3A_110] : memref<524288x128xf32, #tpu.memory_space<hbm>> -> memref<4096x8xf32, #tpu.memory_space<hbm>>
        tpu.wait_dma2 semaphore(%run_scoped3A : memref<!tpu.dma_semaphore, #tpu.memory_space<semaphore_mem>>) src(%dma_wait3A_134 : memref<4096x8xf32, #tpu.memory_space<hbm>>) dst(%arg6 : memref<4096x8xf32, #tpu.memory_space<vmem>>)
        tpu.yield
      }) : () -> ()
      %add3A_131 = arith.constant 524288 : i32
      %add3A_132 = arith.addi %add3A_131, %add3A_130 : i32
      "tpu.region"() ({
        %run_scoped3A = tpu.sem_alloc : memref<!tpu.dma_semaphore, #tpu.memory_space<semaphore_mem>>
        %dma_start3A = tpu.memref_slice %arg3[%add3A_132] : memref<1048576xi32, #tpu.memory_space<hbm>> -> memref<4096xi32, #tpu.memory_space<hbm>>
        %dma_start3A_133 = tpu.memref_slice %arg3[%add3A_132] : memref<1048576xi32, #tpu.memory_space<hbm>> -> memref<4096xi32, #tpu.memory_space<hbm>>
        tpu.enqueue_dma source(%dma_start3A_133 : memref<4096xi32, #tpu.memory_space<hbm>>) target(%arg7 : memref<4096xi32, #tpu.memory_space<vmem>>) target_semaphore(%run_scoped3A : memref<!tpu.dma_semaphore, #tpu.memory_space<semaphore_mem>>)
        %dma_wait3A = tpu.memref_slice %arg3[%add3A_132] : memref<1048576xi32, #tpu.memory_space<hbm>> -> memref<4096xi32, #tpu.memory_space<hbm>>
        %dma_wait3A_134 = tpu.memref_slice %arg3[%add3A_132] : memref<1048576xi32, #tpu.memory_space<hbm>> -> memref<4096xi32, #tpu.memory_space<hbm>>
        tpu.wait_dma2 semaphore(%run_scoped3A : memref<!tpu.dma_semaphore, #tpu.memory_space<semaphore_mem>>) src(%dma_wait3A_134 : memref<4096xi32, #tpu.memory_space<hbm>>) dst(%arg7 : memref<4096xi32, #tpu.memory_space<vmem>>)
        tpu.yield
      }) : () -> ()
      "tpu.region"() ({
        %run_scoped3A = tpu.sem_alloc : memref<!tpu.dma_semaphore, #tpu.memory_space<semaphore_mem>>
        %dma_start3A = arith.constant 0 : i32
        %dma_start3A_133 = arith.constant 0 : i32
        %dma_start3A_134 = tpu.memref_slice %arg8[%dma_start3A, %dma_start3A_133] : memref<120832x8xf32, #tpu.memory_space<vmem_shared>> -> memref<120832x8xf32, #tpu.memory_space<vmem_shared>>
        tpu.enqueue_indirect_dma source(%arg6 : memref<4096x8xf32, #tpu.memory_space<vmem>>) target(%dma_start3A_134 : memref<120832x8xf32, #tpu.memory_space<vmem_shared>>) offsets(%arg7 : memref<4096xi32, #tpu.memory_space<vmem>>) semaphore(%run_scoped3A : memref<!tpu.dma_semaphore, #tpu.memory_space<semaphore_mem>>) {add = true}
        %dma_wait3A = arith.constant 0 : i32
        %dma_wait3A_135 = arith.constant 0 : i32
        %dma_wait3A_136 = tpu.memref_slice %arg8[%dma_wait3A, %dma_wait3A_135] : memref<120832x8xf32, #tpu.memory_space<vmem_shared>> -> memref<120832x8xf32, #tpu.memory_space<vmem_shared>>
        tpu.wait_indirect_dma semaphore(%run_scoped3A : memref<!tpu.dma_semaphore, #tpu.memory_space<semaphore_mem>>) src(%arg6 : memref<4096x8xf32, #tpu.memory_space<vmem>>) dst(%dma_wait3A_136 : memref<120832x8xf32, #tpu.memory_space<vmem_shared>>)
        tpu.yield
      }) : () -> ()
    }
    %scan3A_115 = arith.constant 8 : i32
    %barrier3A_116 = arith.constant 0 : index
    tpu.barrier barrier_id(%barrier3A_116)
    %mul3A_117 = arith.constant 64 : i32
    %mul3A_118 = arith.muli %select_n3A, %mul3A_117 : i32
    %add3A_119 = arith.addi %mul3A_118, %mul3A_100 : i32
    "tpu.region"() ({
      %run_scoped3A = tpu.sem_alloc : memref<!tpu.dma_semaphore, #tpu.memory_space<semaphore_mem>>
      %dma_start3A = tpu.memref_slice %arg5[%sub3A_19, %add3A_119] : memref<60416x128xf32, #tpu.memory_space<hbm>> -> memref<7552x8xf32, #tpu.memory_space<hbm>>
      %dma_start3A_121 = arith.constant 0 : i32
      %dma_start3A_122 = tpu.memref_slice %arg8[%mul3A_0, %dma_start3A_121] : memref<120832x8xf32, #tpu.memory_space<vmem_shared>> -> memref<7552x8xf32, #tpu.memory_space<vmem_shared>>
      tpu.enqueue_dma source(%dma_start3A_122 : memref<7552x8xf32, #tpu.memory_space<vmem_shared>>) target(%dma_start3A : memref<7552x8xf32, #tpu.memory_space<hbm>>) target_semaphore(%run_scoped3A : memref<!tpu.dma_semaphore, #tpu.memory_space<semaphore_mem>>)
      %dma_wait3A = tpu.memref_slice %arg5[%sub3A_19, %add3A_119] : memref<60416x128xf32, #tpu.memory_space<hbm>> -> memref<7552x8xf32, #tpu.memory_space<hbm>>
      %dma_wait3A_123 = arith.constant 0 : i32
      %dma_wait3A_124 = tpu.memref_slice %arg8[%mul3A_0, %dma_wait3A_123] : memref<120832x8xf32, #tpu.memory_space<vmem_shared>> -> memref<7552x8xf32, #tpu.memory_space<vmem_shared>>
      tpu.wait_dma2 semaphore(%run_scoped3A : memref<!tpu.dma_semaphore, #tpu.memory_space<semaphore_mem>>) src(%dma_wait3A_124 : memref<7552x8xf32, #tpu.memory_space<vmem_shared>>) dst(%dma_wait3A : memref<7552x8xf32, #tpu.memory_space<hbm>>)
      tpu.yield
    }) : () -> ()
    %barrier3A_120 = arith.constant 0 : index
    tpu.barrier barrier_id(%barrier3A_120)
    return
  }
}

module attributes {stable_mosaic.version = 14 : i64} {
  func.func @_p3_body(%arg0: i32, %arg1: memref<128x128xf32, #tpu.memory_space<vmem>>, %arg2: memref<128x128xf32, #tpu.memory_space<vmem>>, %arg3: memref<128x128xf32, #tpu.memory_space<vmem>>, %arg4: memref<128x128xf32, #tpu.memory_space<vmem>>, %arg5: memref<8x64xf32, #tpu.memory_space<vmem>>, %arg6: memref<8x64xf32, #tpu.memory_space<vmem>>, %arg7: memref<1x64xf32, #tpu.memory_space<vmem>>, %arg8: memref<2048x128xf32, #tpu.memory_space<vmem>>) attributes {dimension_semantics = [#tpu.dimension_semantics<arbitrary>], iteration_bounds = array<i64: 256>, scalar_prefetch = 0 : i64, scratch_operands = 0 : i64, tpu.core_type = #tpu.core_type<tc>, window_params = [{transform_indices = @transform_0, window_bounds = array<i64: 128, 128>}, {transform_indices = @transform_1, window_bounds = array<i64: 128, 128>}, {transform_indices = @transform_2, window_bounds = array<i64: 128, 128>}, {transform_indices = @transform_3, window_bounds = array<i64: 128, 128>}, {pipeline_mode = #tpu.pipeline_mode<synchronous>, transform_indices = @transform_4, window_bounds = array<i64: 8, 64>}, {pipeline_mode = #tpu.pipeline_mode<synchronous>, transform_indices = @transform_5, window_bounds = array<i64: 8, 64>}, {pipeline_mode = #tpu.pipeline_mode<synchronous>, transform_indices = @transform_6, window_bounds = array<i64: 1, 64>}, {transform_indices = @transform_7, window_bounds = array<i64: 2048, 128>}]} {
    %get3A = arith.constant 0 : index
    %get3A_0 = arith.constant 0 : index
    %get3A_1 = vector.load %arg5[%get3A, %get3A_0] : memref<8x64xf32, #tpu.memory_space<vmem>>, vector<8x64xf32>
    %get3A_2 = arith.constant 0 : index
    %get3A_3 = arith.constant 0 : index
    %get3A_4 = vector.load %arg6[%get3A_2, %get3A_3] : memref<8x64xf32, #tpu.memory_space<vmem>>, vector<8x64xf32>
    %get3A_5 = arith.constant 0 : index
    %get3A_6 = arith.constant 0 : index
    %get3A_7 = vector.load %arg7[%get3A_5, %get3A_6] : memref<1x64xf32, #tpu.memory_space<vmem>>, vector<1x64xf32>
    %get3A_8 = arith.constant 0 : index
    %get3A_9 = arith.constant 0 : index
    %get3A_10 = vector.load %arg1[%get3A_8, %get3A_9] : memref<128x128xf32, #tpu.memory_space<vmem>>, vector<128x128xf32>
    %slice3A = vector.extract_strided_slice %get3A_10 {offsets = [0, 0], sizes = [128, 8], strides = [1, 1]} : vector<128x128xf32> to vector<128x8xf32>
    %slice3A_11 = vector.extract_strided_slice %get3A_10 {offsets = [0, 8], sizes = [128, 8], strides = [1, 1]} : vector<128x128xf32> to vector<128x8xf32>
    %slice3A_12 = vector.extract_strided_slice %get3A_10 {offsets = [0, 16], sizes = [128, 8], strides = [1, 1]} : vector<128x128xf32> to vector<128x8xf32>
    %slice3A_13 = vector.extract_strided_slice %get3A_10 {offsets = [0, 24], sizes = [128, 8], strides = [1, 1]} : vector<128x128xf32> to vector<128x8xf32>
    %slice3A_14 = vector.extract_strided_slice %get3A_10 {offsets = [0, 32], sizes = [128, 8], strides = [1, 1]} : vector<128x128xf32> to vector<128x8xf32>
    %slice3A_15 = vector.extract_strided_slice %get3A_10 {offsets = [0, 40], sizes = [128, 8], strides = [1, 1]} : vector<128x128xf32> to vector<128x8xf32>
    %slice3A_16 = vector.extract_strided_slice %get3A_10 {offsets = [0, 48], sizes = [128, 8], strides = [1, 1]} : vector<128x128xf32> to vector<128x8xf32>
    %slice3A_17 = vector.extract_strided_slice %get3A_10 {offsets = [0, 56], sizes = [128, 8], strides = [1, 1]} : vector<128x128xf32> to vector<128x8xf32>
    %slice3A_18 = vector.extract_strided_slice %get3A_10 {offsets = [0, 64], sizes = [128, 8], strides = [1, 1]} : vector<128x128xf32> to vector<128x8xf32>
    %slice3A_19 = vector.extract_strided_slice %get3A_10 {offsets = [0, 72], sizes = [128, 8], strides = [1, 1]} : vector<128x128xf32> to vector<128x8xf32>
    %slice3A_20 = vector.extract_strided_slice %get3A_10 {offsets = [0, 80], sizes = [128, 8], strides = [1, 1]} : vector<128x128xf32> to vector<128x8xf32>
    %slice3A_21 = vector.extract_strided_slice %get3A_10 {offsets = [0, 88], sizes = [128, 8], strides = [1, 1]} : vector<128x128xf32> to vector<128x8xf32>
    %slice3A_22 = vector.extract_strided_slice %get3A_10 {offsets = [0, 96], sizes = [128, 8], strides = [1, 1]} : vector<128x128xf32> to vector<128x8xf32>
    %slice3A_23 = vector.extract_strided_slice %get3A_10 {offsets = [0, 104], sizes = [128, 8], strides = [1, 1]} : vector<128x128xf32> to vector<128x8xf32>
    %slice3A_24 = vector.extract_strided_slice %get3A_10 {offsets = [0, 112], sizes = [128, 8], strides = [1, 1]} : vector<128x128xf32> to vector<128x8xf32>
    %slice3A_25 = vector.extract_strided_slice %get3A_10 {offsets = [0, 120], sizes = [128, 8], strides = [1, 1]} : vector<128x128xf32> to vector<128x8xf32>
    %concatenate3A = tpu.concatenate %slice3A, %slice3A_11, %slice3A_12, %slice3A_13, %slice3A_14, %slice3A_15, %slice3A_16, %slice3A_17, %slice3A_18, %slice3A_19, %slice3A_20, %slice3A_21, %slice3A_22, %slice3A_23, %slice3A_24, %slice3A_25 in 0 : vector<128x8xf32>, vector<128x8xf32>, vector<128x8xf32>, vector<128x8xf32>, vector<128x8xf32>, vector<128x8xf32>, vector<128x8xf32>, vector<128x8xf32>, vector<128x8xf32>, vector<128x8xf32>, vector<128x8xf32>, vector<128x8xf32>, vector<128x8xf32>, vector<128x8xf32>, vector<128x8xf32>, vector<128x8xf32> -> vector<2048x8xf32>
    %get3A_26 = arith.constant 0 : index
    %get3A_27 = arith.constant 0 : index
    %get3A_28 = vector.load %arg3[%get3A_26, %get3A_27] : memref<128x128xf32, #tpu.memory_space<vmem>>, vector<128x128xf32>
    %slice3A_29 = vector.extract_strided_slice %get3A_28 {offsets = [0, 0], sizes = [128, 8], strides = [1, 1]} : vector<128x128xf32> to vector<128x8xf32>
    %slice3A_30 = vector.extract_strided_slice %get3A_28 {offsets = [0, 8], sizes = [128, 8], strides = [1, 1]} : vector<128x128xf32> to vector<128x8xf32>
    %slice3A_31 = vector.extract_strided_slice %get3A_28 {offsets = [0, 16], sizes = [128, 8], strides = [1, 1]} : vector<128x128xf32> to vector<128x8xf32>
    %slice3A_32 = vector.extract_strided_slice %get3A_28 {offsets = [0, 24], sizes = [128, 8], strides = [1, 1]} : vector<128x128xf32> to vector<128x8xf32>
    %slice3A_33 = vector.extract_strided_slice %get3A_28 {offsets = [0, 32], sizes = [128, 8], strides = [1, 1]} : vector<128x128xf32> to vector<128x8xf32>
    %slice3A_34 = vector.extract_strided_slice %get3A_28 {offsets = [0, 40], sizes = [128, 8], strides = [1, 1]} : vector<128x128xf32> to vector<128x8xf32>
    %slice3A_35 = vector.extract_strided_slice %get3A_28 {offsets = [0, 48], sizes = [128, 8], strides = [1, 1]} : vector<128x128xf32> to vector<128x8xf32>
    %slice3A_36 = vector.extract_strided_slice %get3A_28 {offsets = [0, 56], sizes = [128, 8], strides = [1, 1]} : vector<128x128xf32> to vector<128x8xf32>
    %slice3A_37 = vector.extract_strided_slice %get3A_28 {offsets = [0, 64], sizes = [128, 8], strides = [1, 1]} : vector<128x128xf32> to vector<128x8xf32>
    %slice3A_38 = vector.extract_strided_slice %get3A_28 {offsets = [0, 72], sizes = [128, 8], strides = [1, 1]} : vector<128x128xf32> to vector<128x8xf32>
    %slice3A_39 = vector.extract_strided_slice %get3A_28 {offsets = [0, 80], sizes = [128, 8], strides = [1, 1]} : vector<128x128xf32> to vector<128x8xf32>
    %slice3A_40 = vector.extract_strided_slice %get3A_28 {offsets = [0, 88], sizes = [128, 8], strides = [1, 1]} : vector<128x128xf32> to vector<128x8xf32>
    %slice3A_41 = vector.extract_strided_slice %get3A_28 {offsets = [0, 96], sizes = [128, 8], strides = [1, 1]} : vector<128x128xf32> to vector<128x8xf32>
    %slice3A_42 = vector.extract_strided_slice %get3A_28 {offsets = [0, 104], sizes = [128, 8], strides = [1, 1]} : vector<128x128xf32> to vector<128x8xf32>
    %slice3A_43 = vector.extract_strided_slice %get3A_28 {offsets = [0, 112], sizes = [128, 8], strides = [1, 1]} : vector<128x128xf32> to vector<128x8xf32>
    %slice3A_44 = vector.extract_strided_slice %get3A_28 {offsets = [0, 120], sizes = [128, 8], strides = [1, 1]} : vector<128x128xf32> to vector<128x8xf32>
    %concatenate3A_45 = tpu.concatenate %slice3A_29, %slice3A_30, %slice3A_31, %slice3A_32, %slice3A_33, %slice3A_34, %slice3A_35, %slice3A_36, %slice3A_37, %slice3A_38, %slice3A_39, %slice3A_40, %slice3A_41, %slice3A_42, %slice3A_43, %slice3A_44 in 0 : vector<128x8xf32>, vector<128x8xf32>, vector<128x8xf32>, vector<128x8xf32>, vector<128x8xf32>, vector<128x8xf32>, vector<128x8xf32>, vector<128x8xf32>, vector<128x8xf32>, vector<128x8xf32>, vector<128x8xf32>, vector<128x8xf32>, vector<128x8xf32>, vector<128x8xf32>, vector<128x8xf32>, vector<128x8xf32> -> vector<2048x8xf32>
    %slice3A_46 = vector.extract_strided_slice %concatenate3A_45 {offsets = [0, 4], sizes = [2048, 1], strides = [1, 1]} : vector<2048x8xf32> to vector<2048x1xf32>
    %max3A = arith.constant 1.000000e+00 : f32
    %max3A_47 = vector.broadcast %max3A : f32 to vector<2048x1xf32>
    %max3A_48 = arith.maximumf %slice3A_46, %max3A_47 : vector<2048x1xf32>
    %div3A = vector.broadcast %max3A_48 : vector<2048x1xf32> to vector<2048x8xf32>
    %div3A_49 = arith.divf %concatenate3A_45, %div3A : vector<2048x8xf32>
    %dot_general3A = arith.constant dense<0.000000e+00> : vector<2048x64xf32>
    %dot_general3A_50 = tpu.matmul %concatenate3A, %get3A_1, %dot_general3A {dimension_numbers = #tpu.dot_dimension_numbers<[1], [0], [0], [1], [0, 0, 1, 1], [], []>, transpose_lhs_hint = false} : vector<2048x8xf32>, vector<8x64xf32>, vector<2048x64xf32> -> vector<2048x64xf32>
    %dot_general3A_51 = arith.constant dense<0.000000e+00> : vector<2048x64xf32>
    %dot_general3A_52 = tpu.matmul %div3A_49, %get3A_4, %dot_general3A_51 {dimension_numbers = #tpu.dot_dimension_numbers<[1], [0], [0], [1], [0, 0, 1, 1], [], []>, transpose_lhs_hint = false} : vector<2048x8xf32>, vector<8x64xf32>, vector<2048x64xf32> -> vector<2048x64xf32>
    %add3A = arith.addf %dot_general3A_50, %dot_general3A_52 : vector<2048x64xf32>
    %add3A_53 = vector.broadcast %get3A_7 : vector<1x64xf32> to vector<2048x64xf32>
    %add3A_54 = arith.addf %add3A, %add3A_53 : vector<2048x64xf32>
    %max3A_55 = arith.constant 0.000000e+00 : f32
    %max3A_56 = vector.broadcast %max3A_55 : f32 to vector<2048x64xf32>
    %max3A_57 = arith.maximumf %add3A_54, %max3A_56 : vector<2048x64xf32>
    %get3A_58 = arith.constant 0 : index
    %get3A_59 = arith.constant 0 : index
    %get3A_60 = vector.load %arg2[%get3A_58, %get3A_59] : memref<128x128xf32, #tpu.memory_space<vmem>>, vector<128x128xf32>
    %slice3A_61 = vector.extract_strided_slice %get3A_60 {offsets = [0, 0], sizes = [128, 8], strides = [1, 1]} : vector<128x128xf32> to vector<128x8xf32>
    %slice3A_62 = vector.extract_strided_slice %get3A_60 {offsets = [0, 8], sizes = [128, 8], strides = [1, 1]} : vector<128x128xf32> to vector<128x8xf32>
    %slice3A_63 = vector.extract_strided_slice %get3A_60 {offsets = [0, 16], sizes = [128, 8], strides = [1, 1]} : vector<128x128xf32> to vector<128x8xf32>
    %slice3A_64 = vector.extract_strided_slice %get3A_60 {offsets = [0, 24], sizes = [128, 8], strides = [1, 1]} : vector<128x128xf32> to vector<128x8xf32>
    %slice3A_65 = vector.extract_strided_slice %get3A_60 {offsets = [0, 32], sizes = [128, 8], strides = [1, 1]} : vector<128x128xf32> to vector<128x8xf32>
    %slice3A_66 = vector.extract_strided_slice %get3A_60 {offsets = [0, 40], sizes = [128, 8], strides = [1, 1]} : vector<128x128xf32> to vector<128x8xf32>
    %slice3A_67 = vector.extract_strided_slice %get3A_60 {offsets = [0, 48], sizes = [128, 8], strides = [1, 1]} : vector<128x128xf32> to vector<128x8xf32>
    %slice3A_68 = vector.extract_strided_slice %get3A_60 {offsets = [0, 56], sizes = [128, 8], strides = [1, 1]} : vector<128x128xf32> to vector<128x8xf32>
    %slice3A_69 = vector.extract_strided_slice %get3A_60 {offsets = [0, 64], sizes = [128, 8], strides = [1, 1]} : vector<128x128xf32> to vector<128x8xf32>
    %slice3A_70 = vector.extract_strided_slice %get3A_60 {offsets = [0, 72], sizes = [128, 8], strides = [1, 1]} : vector<128x128xf32> to vector<128x8xf32>
    %slice3A_71 = vector.extract_strided_slice %get3A_60 {offsets = [0, 80], sizes = [128, 8], strides = [1, 1]} : vector<128x128xf32> to vector<128x8xf32>
    %slice3A_72 = vector.extract_strided_slice %get3A_60 {offsets = [0, 88], sizes = [128, 8], strides = [1, 1]} : vector<128x128xf32> to vector<128x8xf32>
    %slice3A_73 = vector.extract_strided_slice %get3A_60 {offsets = [0, 96], sizes = [128, 8], strides = [1, 1]} : vector<128x128xf32> to vector<128x8xf32>
    %slice3A_74 = vector.extract_strided_slice %get3A_60 {offsets = [0, 104], sizes = [128, 8], strides = [1, 1]} : vector<128x128xf32> to vector<128x8xf32>
    %slice3A_75 = vector.extract_strided_slice %get3A_60 {offsets = [0, 112], sizes = [128, 8], strides = [1, 1]} : vector<128x128xf32> to vector<128x8xf32>
    %slice3A_76 = vector.extract_strided_slice %get3A_60 {offsets = [0, 120], sizes = [128, 8], strides = [1, 1]} : vector<128x128xf32> to vector<128x8xf32>
    %concatenate3A_77 = tpu.concatenate %slice3A_61, %slice3A_62, %slice3A_63, %slice3A_64, %slice3A_65, %slice3A_66, %slice3A_67, %slice3A_68, %slice3A_69, %slice3A_70, %slice3A_71, %slice3A_72, %slice3A_73, %slice3A_74, %slice3A_75, %slice3A_76 in 0 : vector<128x8xf32>, vector<128x8xf32>, vector<128x8xf32>, vector<128x8xf32>, vector<128x8xf32>, vector<128x8xf32>, vector<128x8xf32>, vector<128x8xf32>, vector<128x8xf32>, vector<128x8xf32>, vector<128x8xf32>, vector<128x8xf32>, vector<128x8xf32>, vector<128x8xf32>, vector<128x8xf32>, vector<128x8xf32> -> vector<2048x8xf32>
    %get3A_78 = arith.constant 0 : index
    %get3A_79 = arith.constant 0 : index
    %get3A_80 = vector.load %arg4[%get3A_78, %get3A_79] : memref<128x128xf32, #tpu.memory_space<vmem>>, vector<128x128xf32>
    %slice3A_81 = vector.extract_strided_slice %get3A_80 {offsets = [0, 0], sizes = [128, 8], strides = [1, 1]} : vector<128x128xf32> to vector<128x8xf32>
    %slice3A_82 = vector.extract_strided_slice %get3A_80 {offsets = [0, 8], sizes = [128, 8], strides = [1, 1]} : vector<128x128xf32> to vector<128x8xf32>
    %slice3A_83 = vector.extract_strided_slice %get3A_80 {offsets = [0, 16], sizes = [128, 8], strides = [1, 1]} : vector<128x128xf32> to vector<128x8xf32>
    %slice3A_84 = vector.extract_strided_slice %get3A_80 {offsets = [0, 24], sizes = [128, 8], strides = [1, 1]} : vector<128x128xf32> to vector<128x8xf32>
    %slice3A_85 = vector.extract_strided_slice %get3A_80 {offsets = [0, 32], sizes = [128, 8], strides = [1, 1]} : vector<128x128xf32> to vector<128x8xf32>
    %slice3A_86 = vector.extract_strided_slice %get3A_80 {offsets = [0, 40], sizes = [128, 8], strides = [1, 1]} : vector<128x128xf32> to vector<128x8xf32>
    %slice3A_87 = vector.extract_strided_slice %get3A_80 {offsets = [0, 48], sizes = [128, 8], strides = [1, 1]} : vector<128x128xf32> to vector<128x8xf32>
    %slice3A_88 = vector.extract_strided_slice %get3A_80 {offsets = [0, 56], sizes = [128, 8], strides = [1, 1]} : vector<128x128xf32> to vector<128x8xf32>
    %slice3A_89 = vector.extract_strided_slice %get3A_80 {offsets = [0, 64], sizes = [128, 8], strides = [1, 1]} : vector<128x128xf32> to vector<128x8xf32>
    %slice3A_90 = vector.extract_strided_slice %get3A_80 {offsets = [0, 72], sizes = [128, 8], strides = [1, 1]} : vector<128x128xf32> to vector<128x8xf32>
    %slice3A_91 = vector.extract_strided_slice %get3A_80 {offsets = [0, 80], sizes = [128, 8], strides = [1, 1]} : vector<128x128xf32> to vector<128x8xf32>
    %slice3A_92 = vector.extract_strided_slice %get3A_80 {offsets = [0, 88], sizes = [128, 8], strides = [1, 1]} : vector<128x128xf32> to vector<128x8xf32>
    %slice3A_93 = vector.extract_strided_slice %get3A_80 {offsets = [0, 96], sizes = [128, 8], strides = [1, 1]} : vector<128x128xf32> to vector<128x8xf32>
    %slice3A_94 = vector.extract_strided_slice %get3A_80 {offsets = [0, 104], sizes = [128, 8], strides = [1, 1]} : vector<128x128xf32> to vector<128x8xf32>
    %slice3A_95 = vector.extract_strided_slice %get3A_80 {offsets = [0, 112], sizes = [128, 8], strides = [1, 1]} : vector<128x128xf32> to vector<128x8xf32>
    %slice3A_96 = vector.extract_strided_slice %get3A_80 {offsets = [0, 120], sizes = [128, 8], strides = [1, 1]} : vector<128x128xf32> to vector<128x8xf32>
    %concatenate3A_97 = tpu.concatenate %slice3A_81, %slice3A_82, %slice3A_83, %slice3A_84, %slice3A_85, %slice3A_86, %slice3A_87, %slice3A_88, %slice3A_89, %slice3A_90, %slice3A_91, %slice3A_92, %slice3A_93, %slice3A_94, %slice3A_95, %slice3A_96 in 0 : vector<128x8xf32>, vector<128x8xf32>, vector<128x8xf32>, vector<128x8xf32>, vector<128x8xf32>, vector<128x8xf32>, vector<128x8xf32>, vector<128x8xf32>, vector<128x8xf32>, vector<128x8xf32>, vector<128x8xf32>, vector<128x8xf32>, vector<128x8xf32>, vector<128x8xf32>, vector<128x8xf32>, vector<128x8xf32> -> vector<2048x8xf32>
    %slice3A_98 = vector.extract_strided_slice %concatenate3A_97 {offsets = [0, 4], sizes = [2048, 1], strides = [1, 1]} : vector<2048x8xf32> to vector<2048x1xf32>
    %max3A_99 = arith.constant 1.000000e+00 : f32
    %max3A_100 = vector.broadcast %max3A_99 : f32 to vector<2048x1xf32>
    %max3A_101 = arith.maximumf %slice3A_98, %max3A_100 : vector<2048x1xf32>
    %div3A_102 = vector.broadcast %max3A_101 : vector<2048x1xf32> to vector<2048x8xf32>
    %div3A_103 = arith.divf %concatenate3A_97, %div3A_102 : vector<2048x8xf32>
    %dot_general3A_104 = arith.constant dense<0.000000e+00> : vector<2048x64xf32>
    %dot_general3A_105 = tpu.matmul %concatenate3A_77, %get3A_1, %dot_general3A_104 {dimension_numbers = #tpu.dot_dimension_numbers<[1], [0], [0], [1], [0, 0, 1, 1], [], []>, transpose_lhs_hint = false} : vector<2048x8xf32>, vector<8x64xf32>, vector<2048x64xf32> -> vector<2048x64xf32>
    %dot_general3A_106 = arith.constant dense<0.000000e+00> : vector<2048x64xf32>
    %dot_general3A_107 = tpu.matmul %div3A_103, %get3A_4, %dot_general3A_106 {dimension_numbers = #tpu.dot_dimension_numbers<[1], [0], [0], [1], [0, 0, 1, 1], [], []>, transpose_lhs_hint = false} : vector<2048x8xf32>, vector<8x64xf32>, vector<2048x64xf32> -> vector<2048x64xf32>
    %add3A_108 = arith.addf %dot_general3A_105, %dot_general3A_107 : vector<2048x64xf32>
    %add3A_109 = vector.broadcast %get3A_7 : vector<1x64xf32> to vector<2048x64xf32>
    %add3A_110 = arith.addf %add3A_108, %add3A_109 : vector<2048x64xf32>
    %max3A_111 = arith.constant 0.000000e+00 : f32
    %max3A_112 = vector.broadcast %max3A_111 : f32 to vector<2048x64xf32>
    %max3A_113 = arith.maximumf %add3A_110, %max3A_112 : vector<2048x64xf32>
    %concatenate3A_114 = tpu.concatenate %max3A_57, %max3A_113 in 1 : vector<2048x64xf32>, vector<2048x64xf32> -> vector<2048x128xf32>
    %swap3A = arith.constant 0 : index
    %swap3A_115 = arith.constant 0 : index
    %swap3A_116 = vector.load %arg8[%swap3A, %swap3A_115] : memref<2048x128xf32, #tpu.memory_space<vmem>>, vector<2048x128xf32>
    tpu.vector_store %arg8[%swap3A, %swap3A_115], %concatenate3A_114 {strides = array<i32>} : memref<2048x128xf32, #tpu.memory_space<vmem>>, vector<2048x128xf32>,
    return
  }
  func.func @transform_0(%arg0: i32) -> (i32, i32) {
    %c0_i32 = arith.constant 0 : i32
    %c0_i32_0 = arith.constant 0 : i32
    return %arg0, %c0_i32 : i32, i32
  }
  func.func @transform_1(%arg0: i32) -> (i32, i32) {
    %add3A = arith.constant 256 : i32
    %add3A_0 = arith.addi %arg0, %add3A : i32
    %c0_i32 = arith.constant 0 : i32
    %c0_i32_1 = arith.constant 0 : i32
    return %add3A_0, %c0_i32 : i32, i32
  }
  func.func @transform_2(%arg0: i32) -> (i32, i32) {
    %c0_i32 = arith.constant 0 : i32
    %c0_i32_0 = arith.constant 0 : i32
    return %arg0, %c0_i32 : i32, i32
  }
  func.func @transform_3(%arg0: i32) -> (i32, i32) {
    %add3A = arith.constant 256 : i32
    %add3A_0 = arith.addi %arg0, %add3A : i32
    %c0_i32 = arith.constant 0 : i32
    %c0_i32_1 = arith.constant 0 : i32
    return %add3A_0, %c0_i32 : i32, i32
  }
  func.func @transform_4(%arg0: i32) -> (i32, i32) {
    %c0_i32 = arith.constant 0 : i32
    %c0_i32_0 = arith.constant 0 : i32
    %c0_i32_1 = arith.constant 0 : i32
    return %c0_i32, %c0_i32_0 : i32, i32
  }
  func.func @transform_5(%arg0: i32) -> (i32, i32) {
    %c0_i32 = arith.constant 0 : i32
    %c0_i32_0 = arith.constant 0 : i32
    %c0_i32_1 = arith.constant 0 : i32
    return %c0_i32, %c0_i32_0 : i32, i32
  }
  func.func @transform_6(%arg0: i32) -> (i32, i32) {
    %c0_i32 = arith.constant 0 : i32
    %c0_i32_0 = arith.constant 0 : i32
    %c0_i32_1 = arith.constant 0 : i32
    return %c0_i32, %c0_i32_0 : i32, i32
  }
  func.func @transform_7(%arg0: i32) -> (i32, i32) {
    %c0_i32 = arith.constant 0 : i32
    %c0_i32_0 = arith.constant 0 : i32
    return %arg0, %c0_i32 : i32, i32
  }
}

module attributes {stable_mosaic.version = 14 : i64} {
  func.func @_p5_body(%arg0: i32, %arg1: memref<1024x128xf32, #tpu.memory_space<vmem>>, %arg2: memref<1024x8xf32, #tpu.memory_space<vmem>>, %arg3: memref<64x64xf32, #tpu.memory_space<vmem>>, %arg4: memref<1x64xf32, #tpu.memory_space<vmem>>, %arg5: memref<1024x64xf32, #tpu.memory_space<vmem>>) attributes {dimension_semantics = [#tpu.dimension_semantics<arbitrary>], iteration_bounds = array<i64: 118>, scalar_prefetch = 0 : i64, scratch_operands = 0 : i64, tpu.core_type = #tpu.core_type<tc>, window_params = [{transform_indices = @transform_0, window_bounds = array<i64: 1024, 128>}, {transform_indices = @transform_1, window_bounds = array<i64: 1024, 8>}, {pipeline_mode = #tpu.pipeline_mode<synchronous>, transform_indices = @transform_2, window_bounds = array<i64: 64, 64>}, {pipeline_mode = #tpu.pipeline_mode<synchronous>, transform_indices = @transform_3, window_bounds = array<i64: 1, 64>}, {transform_indices = @transform_4, window_bounds = array<i64: 1024, 64>}]} {
    %jit3A = arith.constant 59 : i32
    %div3A = arith.divsi %arg0, %jit3A : i32
    %sign3A = arith.constant 0 : i32
    %sign3A_0 = arith.cmpi sgt, %arg0, %sign3A : i32
    %sign3A_1 = arith.extui %sign3A_0 : i1 to i32
    %sign3A_2 = arith.constant 0 : i32
    %sign3A_3 = arith.cmpi slt, %arg0, %sign3A_2 : i32
    %sign3A_4 = arith.extui %sign3A_3 : i1 to i32
    %sign3A_5 = arith.subi %sign3A_1, %sign3A_4 : i32
    %sign3A_6 = arith.constant 0 : i32
    %sign3A_7 = arith.cmpi sgt, %jit3A, %sign3A_6 : i32
    %sign3A_8 = arith.extui %sign3A_7 : i1 to i32
    %sign3A_9 = arith.constant 0 : i32
    %sign3A_10 = arith.cmpi slt, %jit3A, %sign3A_9 : i32
    %sign3A_11 = arith.extui %sign3A_10 : i1 to i32
    %sign3A_12 = arith.subi %sign3A_8, %sign3A_11 : i32
    %ne3A = arith.cmpi ne, %sign3A_5, %sign3A_12 : i32
    %rem3A = arith.remsi %arg0, %jit3A : i32
    %ne3A_13 = arith.constant 0 : i32
    %ne3A_14 = arith.cmpi ne, %rem3A, %ne3A_13 : i32
    %and3A = arith.andi %ne3A, %ne3A_14 : i1
    %sub3A = arith.constant 1 : i32
    %sub3A_15 = arith.subi %div3A, %sub3A : i32
    %select_n3A = arith.select %and3A, %sub3A_15, %div3A : i32
    %get3A = arith.constant 0 : index
    %get3A_16 = arith.constant 0 : index
    %get3A_17 = vector.load %arg1[%get3A, %get3A_16] : memref<1024x128xf32, #tpu.memory_space<vmem>>, vector<1024x128xf32>
    %eq3A = arith.constant 0 : i32
    %eq3A_18 = arith.cmpi eq, %select_n3A, %eq3A : i32
    %slice3A = vector.extract_strided_slice %get3A_17 {offsets = [0, 0], sizes = [1024, 64], strides = [1, 1]} : vector<1024x128xf32> to vector<1024x64xf32>
    %slice3A_19 = vector.extract_strided_slice %get3A_17 {offsets = [0, 64], sizes = [1024, 64], strides = [1, 1]} : vector<1024x128xf32> to vector<1024x64xf32>
    %select_n3A_20 = arith.select %eq3A_18, %slice3A, %slice3A_19 : vector<1024x64xf32>
    %get3A_21 = arith.constant 0 : index
    %get3A_22 = arith.constant 0 : index
    %get3A_23 = vector.load %arg2[%get3A_21, %get3A_22] : memref<1024x8xf32, #tpu.memory_space<vmem>>, vector<1024x8xf32>
    %slice3A_24 = vector.extract_strided_slice %get3A_23 {offsets = [0, 4], sizes = [1024, 1], strides = [1, 1]} : vector<1024x8xf32> to vector<1024x1xf32>
    %max3A = arith.constant 1.000000e+00 : f32
    %max3A_25 = vector.broadcast %max3A : f32 to vector<1024x1xf32>
    %max3A_26 = arith.maximumf %slice3A_24, %max3A_25 : vector<1024x1xf32>
    %div3A_27 = vector.broadcast %max3A_26 : vector<1024x1xf32> to vector<1024x64xf32>
    %div3A_28 = arith.divf %select_n3A_20, %div3A_27 : vector<1024x64xf32>
    %get3A_29 = arith.constant 0 : index
    %get3A_30 = arith.constant 0 : index
    %get3A_31 = vector.load %arg3[%get3A_29, %get3A_30] : memref<64x64xf32, #tpu.memory_space<vmem>>, vector<64x64xf32>
    %dot_general3A = arith.constant dense<0.000000e+00> : vector<1024x64xf32>
    %dot_general3A_32 = tpu.matmul %div3A_28, %get3A_31, %dot_general3A {dimension_numbers = #tpu.dot_dimension_numbers<[1], [0], [0], [1], [0, 0, 1, 1], [], []>, transpose_lhs_hint = false} : vector<1024x64xf32>, vector<64x64xf32>, vector<1024x64xf32> -> vector<1024x64xf32>
    %get3A_33 = arith.constant 0 : index
    %get3A_34 = arith.constant 0 : index
    %get3A_35 = vector.load %arg4[%get3A_33, %get3A_34] : memref<1x64xf32, #tpu.memory_space<vmem>>, vector<1x64xf32>
    %add3A = vector.broadcast %get3A_35 : vector<1x64xf32> to vector<1024x64xf32>
    %add3A_36 = arith.addf %dot_general3A_32, %add3A : vector<1024x64xf32>
    %gt3A = arith.constant 0.000000e+00 : f32
    %gt3A_37 = vector.broadcast %gt3A : f32 to vector<1024x1xf32>
    %gt3A_38 = arith.cmpf ogt, %slice3A_24, %gt3A_37 : vector<1024x1xf32>
    %jit3A_39 = arith.constant 0.000000e+00 : f32
    %broadcast_in_dim3A = vector.shape_cast %gt3A_38 : vector<1024x1xi1> to vector<1024x1xi1>
    %broadcast_in_dim3A_40 = vector.broadcast %broadcast_in_dim3A : vector<1024x1xi1> to vector<1024x64xi1>
    %broadcast_in_dim3A_41 = vector.broadcast %jit3A_39 : f32 to vector<1024x64xf32>
    %select_n3A_42 = arith.select %broadcast_in_dim3A_40, %add3A_36, %broadcast_in_dim3A_41 : vector<1024x64xi1>, vector<1024x64xf32>
    %swap3A = arith.constant 0 : index
    %swap3A_43 = arith.constant 0 : index
    %swap3A_44 = vector.load %arg5[%swap3A, %swap3A_43] : memref<1024x64xf32, #tpu.memory_space<vmem>>, vector<1024x64xf32>
    tpu.vector_store %arg5[%swap3A, %swap3A_43], %select_n3A_42 {strides = array<i32>} : memref<1024x64xf32, #tpu.memory_space<vmem>>, vector<1024x64xf32>,
    return
  }
  func.func @transform_0(%arg0: i32) -> (i32, i32) {
    %jit3A = arith.constant 59 : i32
    %eq3A = arith.constant 0 : i32
    %eq3A_0 = arith.cmpi eq, %jit3A, %eq3A : i32
    %jit3A_1 = arith.constant 1 : i32
    %select_n3A = arith.select %eq3A_0, %jit3A_1, %jit3A : i32
    %rem3A = arith.remsi %arg0, %select_n3A : i32
    %ne3A = arith.constant 0 : i32
    %ne3A_2 = arith.cmpi ne, %rem3A, %ne3A : i32
    %lt3A = arith.constant 0 : i32
    %lt3A_3 = arith.cmpi slt, %rem3A, %lt3A : i32
    %lt3A_4 = arith.constant 0 : i32
    %lt3A_5 = arith.cmpi slt, %select_n3A, %lt3A_4 : i32
    %ne3A_6 = arith.xori %lt3A_3, %lt3A_5 : i1
    %and3A = arith.andi %ne3A_6, %ne3A_2 : i1
    %add3A = arith.addi %rem3A, %select_n3A : i32
    %select_n3A_7 = arith.select %and3A, %add3A, %rem3A : i32
    %c0_i32 = arith.constant 0 : i32
    %c0_i32_8 = arith.constant 0 : i32
    return %select_n3A_7, %c0_i32 : i32, i32
  }
  func.func @transform_1(%arg0: i32) -> (i32, i32) {
    %c0_i32 = arith.constant 0 : i32
    %c0_i32_0 = arith.constant 0 : i32
    return %arg0, %c0_i32 : i32, i32
  }
  func.func @transform_2(%arg0: i32) -> (i32, i32) {
    %c0_i32 = arith.constant 0 : i32
    %c0_i32_0 = arith.constant 0 : i32
    %c0_i32_1 = arith.constant 0 : i32
    return %c0_i32, %c0_i32_0 : i32, i32
  }
  func.func @transform_3(%arg0: i32) -> (i32, i32) {
    %c0_i32 = arith.constant 0 : i32
    %c0_i32_0 = arith.constant 0 : i32
    %c0_i32_1 = arith.constant 0 : i32
    return %c0_i32, %c0_i32_0 : i32, i32
  }
  func.func @transform_4(%arg0: i32) -> (i32, i32) {
    %c0_i32 = arith.constant 0 : i32
    %c0_i32_0 = arith.constant 0 : i32
    return %arg0, %c0_i32 : i32, i32
  }
}

</mosaic_0001>

<sc_bundles>
// kernel: kernel.10.cloned.1.call-start
scs
__scs_entry_jumppad:
0x0: {  	(pc) =	sbr.rel $0x88, $3  }
0x1: {  	(tag) =	ssettag $0x0;
	lr =	simm.s32 $0x1  }
0x2: {  	[smem:$0x3F98] =	sst lr;
	_ =	strace $0xD0000000  }
0x3: {  	_ = 	snop  }
0x4: {  	_ = 	snop  }
0x5: {  	_ = 	snop  }
0x6: {  	_ = 	snop  }
0x7: {  	_ = 	snop  }
__scs_overlays_trampoline_lowered:
0x8: {  	[smem:$0x3FA7] =	sst s0  }
0x9: {  	[smem:$0x3FA8] =	sst s1  }
0xa: {  	[smem:$0x3FA9] =	sst s2  }
0xb: {  	[smem:$0x3FAA] =	sst s3  }
0xc: {  	[smem:$0x3FAB] =	sst s4  }
0xd: {  	[smem:$0x3FAC] =	sst s5  }
0xe: {  	[smem:$0x3FAD] =	sst s6  }
0xf: {  	[smem:$0x3FAE] =	sst s7  }
0x10: {  	[smem:$0x3FAF] =	sst s8  }
0x11: {  	[smem:$0x3FB0] =	sst s9;
	s0 =	simm.s32 @!p0 $0x0  }
0x12: {  	s1 =	sld [smem:$0x3F96];
	s0 =	simm.s32 @p0 $0x1  }
0x13: {  	[smem:$0x3FB1] =	sst s0;
	s0 =	simm.s32 @!p1 $0x0  }
0x14: {  	s2 =	sld [smem:$0x3F95];
	s0 =	simm.s32 @p1 $0x1  }
0x15: {  	[smem:$0x3FB2] =	sst s0;
	s0 =	simm.s32 @!p2 $0x0  }
0x16: {  	s3 =	sld [smem:$0x3FDB];
	s0 =	simm.s32 @p2 $0x1  }
0x17: {  	s4 =	simm.s32 $0x1BF5;
	[smem:$0x3FB4] =	sst s0  }
0x18: {  	s0 =	sld [smem:$0x3F97];
	_ =	swait.ge [sflag:s4], $0x0  }
0x19: {  	s7 =	sld [smem:$0x3F98]  }
0x1a: {  	s8 =	sadd.s32 $0xFFFFE003, lr  }
0x1b: {  	s9 =	sadd.s32 $0xFFFFFEF7, lr;
	s5 =	simm.s32 $0xFFFFFFFF;
	p2 =	slt.u32 s8, $0xFFFFF086  }
0x1c: {  	p1 =	slt.u32 s9, $0xF7A;
	s5 =	simm.s32 @!p2 $0x0  }
0x1d: {  	s5 =	simm.s32 @p1 $0x1;
	p0 =	seq.s32 s7, s2  }
0x1e: {  	s7 =	smul.u32 @!p0 $0xF7A, s2;
	p2 =	seq.s32 @!p0 s5, $0x0  }
0x1f: {  	s9 =	smul.u32 $0xF7A, s1;
	s8 =	simm.s32 @!p0 $0x1BF5;
	p2 =	por !p2, p0  }
0x20: {  	[sflag:s8] =	ssyncset.s32 @!p0 $0xFFFFF086;
	s6 =	sadd.s32 @!p0 s3, s7;
	s7 =	simm.s32 @!p0 $0x108  }
0x21: {  	s3 =	sadd.s32 s3, s9;
	s6 =	sadd.s32 @!p0 $0x88, s6;
	s7 =	simm.s32 @p2 $0x1082  }
0x22: {  	[simem:s7], [sflag:s8] =	dma.local @!p0 [hbm:s6], $0xF7A  }
0x23: {  	s9 =	sor.u32 $0xD0000000, s2;
	s6 =	simm.s32 $0x108;
	_ =	swait.ge @!p0 [sflag:s8], $0x0  }
0x24: {  	s3 =	sadd.s32 $0x88, s3;
	s6 =	simm.s32 @!p1 $0x1082;
	[sflag:s4] =	ssyncset.s32 $0xFFFFF086  }
0x25: {  	[simem:s6], [sflag:s4] =	dma.local [hbm:s3], $0xF7A  }
0x26: {  	[smem:$0x3F98] =	sst s1;
	(tag) =	ssettag s2;
	_ =	strace s9  }
0x27: {  	s1 =	sld [smem:$0x3FA8]  }
0x28: {  	s2 =	sld [smem:$0x3FA9]  }
0x29: {  	s4 =	sld [smem:$0x3FAB]  }
0x2a: {  	p0 =	seq.s32 s5, $0x0;
	s5 =	sld [smem:$0x3FAC]  }
0x2b: {  	s6 =	sld [smem:$0x3FAD]  }
0x2c: {  	s7 =	sld [smem:$0x3FAE]  }
0x2d: {  	s3 =	simm.s32 $0x108;
	s8 =	sld [smem:$0x3FAF]  }
0x2e: {  	s3 =	simm.s32 @!p0 $0x1082;
	s9 =	sld [smem:$0x3FB0]  }
0x2f: {  	lr =	sadd.s32 s0, s3;
	s0 =	sld [smem:$0x3FA7]  }
0x30: {  	s3 =	sld [smem:$0x3FAA]  }
0x31: {  	[smem:$0x3FB3] =	sst s10  }
0x32: {  	s10 =	sld [smem:$0x3FB1];
	_ =	sdelay $0x3  }
0x33: {  	p0 =	seq.s32 s10, $0x1;
	s10 =	sld [smem:$0x3FB3];
	_ =	sdelay $0x3  }
0x34: {  	[smem:$0x3FB3] =	sst s10  }
0x35: {  	s10 =	sld [smem:$0x3FB2];
	_ =	sdelay $0x3  }
0x36: {  	p1 =	seq.s32 s10, $0x1;
	s10 =	sld [smem:$0x3FB3];
	_ =	sdelay $0x3  }
0x37: {  	[smem:$0x3FB3] =	sst s10  }
0x38: {  	s10 =	sld [smem:$0x3FB4]  }
0x39: {  	_ = 	snop;
	(pc) =	sbr.ind lr, $3  }
0x3a: {  	_ = 	snop  }
0x3b: {  	_ = 	snop  }
0x3c: {  	p2 =	seq.s32 s10, $0x1;
	s10 =	sld [smem:$0x3FB3]  }
0x3d: {  	_ =	shalt  }
0x3e: {  	_ =	shalt  }
0x3f: {  	_ =	shalt  }
0x40: {  	_ =	shalt  }
0x41: {  	_ =	shalt  }
0x42: {  	_ =	shalt  }
0x43: {  	_ =	shalt  }
0x44: {  	_ =	shalt  }
0x45: {  	_ =	shalt  }
0x46: {  	_ =	shalt  }
0x47: {  	_ =	shalt  }
0x48: {  	_ =	shalt  }
0x49: {  	_ =	shalt  }
0x4a: {  	_ =	shalt  }
0x4b: {  	_ =	shalt  }
0x4c: {  	_ =	shalt  }
0x4d: {  	_ =	shalt  }
0x4e: {  	_ =	shalt  }
0x4f: {  	_ =	shalt  }
0x50: {  	_ =	shalt  }
0x51: {  	_ =	shalt  }
0x52: {  	_ =	shalt  }
0x53: {  	_ =	shalt  }
0x54: {  	_ =	shalt  }
0x55: {  	_ =	shalt  }
0x56: {  	_ =	shalt  }
0x57: {  	_ =	shalt  }
0x58: {  	_ =	shalt  }
0x59: {  	_ =	shalt  }
0x5a: {  	_ =	shalt  }
0x5b: {  	_ =	shalt  }
0x5c: {  	_ =	shalt  }
0x5d: {  	_ =	shalt  }
0x5e: {  	_ =	shalt  }
0x5f: {  	_ =	shalt  }
0x60: {  	_ =	shalt  }
0x61: {  	_ =	shalt  }
0x62: {  	_ =	shalt  }
0x63: {  	_ =	shalt  }
0x64: {  	_ =	shalt  }
0x65: {  	_ =	shalt  }
0x66: {  	_ =	shalt  }
0x67: {  	_ =	shalt  }
0x68: {  	_ =	shalt  }
0x69: {  	_ =	shalt  }
0x6a: {  	_ =	shalt  }
0x6b: {  	_ =	shalt  }
0x6c: {  	_ =	shalt  }
0x6d: {  	_ =	shalt  }
0x6e: {  	_ =	shalt  }
0x6f: {  	_ =	shalt  }
0x70: {  	_ =	shalt  }
0x71: {  	_ =	shalt  }
0x72: {  	_ =	shalt  }
0x73: {  	_ =	shalt  }
0x74: {  	_ =	shalt  }
0x75: {  	_ =	shalt  }
0x76: {  	_ =	shalt  }
0x77: {  	_ =	shalt  }
0x78: {  	_ =	shalt  }
0x79: {  	_ =	shalt  }
0x7a: {  	_ =	shalt  }
0x7b: {  	_ =	shalt  }
0x7c: {  	_ =	shalt  }
0x7d: {  	_ =	shalt  }
0x7e: {  	_ =	shalt  }
0x7f: {  	_ =	shalt  }
0x80: {  	_ =	shalt  }
0x81: {  	_ =	shalt  }
0x82: {  	_ =	shalt  }
0x83: {  	_ =	shalt  }
0x84: {  	_ =	shalt  }
0x85: {  	_ =	shalt  }
0x86: {  	_ =	shalt  }
0x87: {  	_ =	shalt  }
.Lfunc_end0:
.L_simem_size_0:
called_computation.4_lowered:
.L_overlay_start_0:
0x88: {  	s2 =	sld [smem:$0x3FD9]  }
0x89: {  	s3 =	sld [smem:$0x3FFE];
	_ =	sdelay $0x1  }
0x8a: {  	s1 =	srdreg.scid  }
0x8b: {  	s0 =	sand.u32 $0x1, s1  }
0x8c: {  	s14 =	sshll.u32 s0, $0xA;
	s2 =	sadd.s32 s3, s2  }
0x8d: {  	s2 =	sadd.s32 s2, s14  }
0x8e: {  	[smem:$0x3FBF] =	sst s2  }
0x8f: {  	_ = 	snop  }
0x90: {  	s2 =	sld [smem:$0x3FD0];
	_ =	sdelay $0x2  }
0x91: {  	s15 =	simm.s32 $0xB;
	s4 =	simm.s32 $0x10  }
0x92: {  	[smem:s4], [sflag:s15] =	dma.local [hbm:s2], $0x1  }
0x93: {  	_ =	swait.eq [sflag:s15], $0x1  }
0x94: {  	[sflag:s15] =	ssyncset.done $0x0  }
0x95: {  	[sflag:s15] =	ssyncadd.s32 $0xFFFFFFFF  }
0x96: {  	s16 =	sld [smem:$0x10];
	(tm) =	ssettm $0x1  }
0x97: {  	s17 =	sld [smem:$0x3FFB];
	_ =	sdelay $0x3  }
0x98: {  	_ =	strace s17  }
0x99: {  	s3 =	sld [smem:$0x3FFC];
	_ =	sdelay $0x3  }
0x9a: {  	_ =	strace s3  }
0x9b: {  	s3 =	sld [smem:$0x3FFD];
	_ =	sdelay $0x3  }
0x9c: {  	_ =	strace s3  }
0x9d: {  	_ =	strace $0x8FFFFFFF  }
0x9e: {  	s18 =	sld [smem:$0x3FDB];
	_ =	sdelay $0x1  }
0x9f: {  	s19 =	simm.s32 $_scs_section_size  }
0xa0: {  	s5 =	simm.s32 $_size__tile_overlayer_lowered;
	s6 =	simm.s32 $_tile_overlayer_lowered  }
0xa1: {  	s22 =	simm.s32 $0x1BFF;
	s21 =	sshll.u32 s6, $0x1;
	s3 =	sadd.s32 s19, s18  }
0xa2: {  	s7 =	simm.s32 $0x0;
	s20 =	sshll.u32 s5, $0x1;
	s5 =	sadd.s32 s21, s3  }
0xa3: {  	[timem:s7], [sflag:s22] =	dma.local [hbm:s5], s20  }
0xa4: {  	_ =	swait.ge [sflag:s22], s20  }
0xa5: {  	s4 =	ssub.s32 $0x0, s20;
	[sflag:s22] =	ssyncset.done $0x0  }
0xa6: {  	[sflag:s22] =	ssyncadd.s32 s4;
	_ =	sdelay $0x1  }
0xa7: {  	s23 =	simm.s32 $0x1B8B  }
0xa8: {  	_ =	swait.ge [sflag:s23], $0x1  }
0xa9: {  	[sflag:s23] =	ssyncset.done $0x0  }
0xaa: {  	s25 =	simm.s32 $0x1B8E;
	s24 =	sld [smem:$0x3FFE];
	[sflag:s23] =	ssyncadd.s32 $0xFFFFFFFF  }
0xab: {  	s26 =	simm.s32 $execute0_lowered;
	[smem:$0x3FD2] =	sst s25  }
0xac: {  	s5 =	sshll.u32 s26, $0x1;
	_ =	strace $0x80000052;
	[dreg:$0x1] =	wrdreg $0xFFFFFFFF  }
0xad: {  	s28 =	simm.s32 $_size_execute0_lowered;
	s3 =	sadd.s32 s3, s5;
	[dreg:$0x0] =	wrdreg $0x0  }
0xae: {  	s5 =	sshll.u32 s28, $0x1;
	[dreg:$0x2] =	wrdreg s3  }
0xaf: {  	[dreg:$0x3] =	wrdreg s5  }
0xb0: {  	[dreg:$0x4] =	wrdreg $0xC0  }
0xb1: {  	_ =	task [dreg:s7], $0x5FFFF  }
0xb2: {  	[dreg:$0x1] =	wrdreg $0xFFFFFFFF  }
0xb3: {  	[dreg:$0x0] =	wrdreg $0x60  }
0xb4: {  	[dreg:$0x2] =	wrdreg s24  }
0xb5: {  	[dreg:$0x3] =	wrdreg s16  }
0xb6: {  	[dreg:$0x4] =	wrdreg $0x90000  }
0xb7: {  	[dreg:$0x5] =	wrdreg $0x9  }
0xb8: {  	_ =	task.clear_ibuf [dreg:s7], $0x6FFFF;
	_ =	strace $0x90000052  }
0xb9: {  	s29 =	simm.s32 $0x9;
	_ =	strace $0x80000054  }
0xba: {  	_ =	swait.ge [sflag:s29], $0x1  }
0xbb: {  	[sflag:s29] =	ssyncadd.s32 $0xFFFFFFFF  }
0xbc: {  	_ =	strace $0x90000054  }
0xbd: {  	_ =	sfence  }
0xbe: {  	s30 =	sld [smem:$0x0];
	_ =	sdelay $0x2  }
0xbf: {  	s31 =	sshll.u32 s1, $0xD;
	s1 =	sshrl.u32 s1, $0x2  }
0xc0: {  	s3 =	sand.u32 $0x4000, s31;
	s1 =	sadd.s32 s1, s30  }
0xc1: {  	s0 =	sor.u32 s3, s0;
	s1 =	sshll.u32 s1, $0x11  }
0xc2: {  	s0 =	sor.u32 s1, s0  }
0xc3: {  	s0 =	sadd.s32 $0x8F2B, s0  }
0xc4: {  	[sflag:s0] =	ssyncadd.remote.s32 $0x1  }
0xc5: {  	_ =	sfence.sel $0xFFFF  }
0xc6: {  	[dreg:$0x0] =	wrdreg $0xFFFFFFFF;
	(pc) =	sbr.abs _section_cstart, $3  }
0xc7: {  	[dreg:$0x1] =	wrdreg $0xFFFFFFFF  }
0xc8: {  	_ =	task.clear_ibuf [dreg:s7], $0x2FFFF;
	_ =	strace $0x9FFFFFFF  }
0xc9: {  	(tm) =	ssettm $0x7FFFFFFF  }
tec
execute0_lowered:
.L_overlay_start_1:
0x0: {  	(tag) =	ssettag $0x1  }
0x1: {  	s0 =	rddreg [dreg:$0x0]  }
0x2: {  	s2 =	rddreg [dreg:$0x1]  }
0x3: {  	s1 =	rddreg [dreg:$0x2];
	s3 =	simm.s32 $0x0  }
0x4: {  	s14 =	stileid.u32;
	s5 =	srdreg.scid;
	s28 =	simm.s32 $0x10  }
0x5: {  	s29 =	simm.s32 $0x0;
	[smem:$0x7FF] =	sst s3;
	s4 =	smul.u32 $0xEC00, s14  }
0x6: {  	s21 =	sadd.s32 $0x33F000, s0;
	s5 =	sand.u32 $0x1, s5;
	s6 =	smul.u32 $0x1D80, s14  }
0x7: {  	s7 =	sshrl.u32 s14, $0x3;
	s23 =	sshll.u32 s14, $0x6;
	s13 =	sshll.u32 s14, $0x16  }
0x8: {  	s18 =	sshll.u32 s14, $0xC;
	_ =	strace $0x80000053;
	s9 =	ssub.s32 $0x2, s5  }
0x9: {  	s10 =	smul.u32 $0xFFFF1400, s7;
	s12 =	sshll.u32 s5, $0x5;
	s20 =	sshll.u32 s7, $0x6  }
0xa: {  	s8 =	sshrl.u32 s4, $0x3;
	s11 =	sshrl.u32 s9, $0x1;
	s4 =	sadd.s32 s4, s1  }
0xb: {  	s8 =	sadd.s32 s8, s0;
	s0 =	sadd.s32 $0x221800, s0;
	s11 =	ssub.s32 s9, s11  }
0xc: {  	s6 =	sadd.s32 s6, s10;
	[dreg:$0x4] =	wrdreg s4;
	s4 =	sor.u32 s20, s12  }
0xd: {  	s22 =	sshll.u32 s6, $0x7;
	s5 =	sadd.s32 $0x204000, s8;
	s6 =	sor.u32 $0x1C01, s23  }
0xe: {  	s11 =	smax.u32 s11, $0x1;
	s24 =	sor.u32 s20, s22;
	s4 =	sor.u32 s22, s4  }
0xf: {  	s8 =	sor.u32 s12, s24;
	s30 =	sor.u32 $0x10, s4;
	s4 =	sor.u32 $0x18, s4  }
0x10: {  	s25 =	sshrl.u32 s8, $0x3;
	s8 =	sor.u32 $0x8, s8;
	s9 =	sshrl.u32 s30, $0x3  }
0x11: {  	s4 =	sshrl.u32 s4, $0x3;
	s26 =	sadd.s32 s0, s25;
	s8 =	sshrl.u32 s8, $0x3  }
0x12: {  	s9 =	sadd.s32 s0, s9;
	s10 =	sadd.s32 s0, s4;
	[dreg:$0x5] =	wrdreg s26  }
0x13: {  	s31 =	sadd.s32 s0, s8;
	s8 =	sor.u32 s12, s13;
	s12 =	sadd.s32 s18, s2  }
0x14: {  	[dreg:$0x6] =	wrdreg s31;
	s13 =	sshrl.u32 s8, $0x3;
	s19 =	sor.u32 $0x40, s8  }
0x15: {  	s15 =	sadd.s32 $0x10000, s12;
	s22 =	sor.u32 $0x8, s8;
	s23 =	sor.u32 $0x48, s8  }
0x16: {  	s17 =	sor.u32 $0x10, s8;
	s26 =	sor.u32 $0x50, s8;
	s30 =	sor.u32 $0x18, s8  }
0x17: {  	s0 =	sor.u32 $0x58, s8;
	s2 =	sadd.s32 s13, s21;
	s20 =	sshrl.u32 s19, $0x3  }
0x18: {  	s4 =	sshrl.u32 s22, $0x3;
	s24 =	sshrl.u32 s23, $0x3;
	s25 =	sshrl.u32 s17, $0x3  }
0x19: {  	s31 =	sshrl.u32 s30, $0x3;
	s0 =	sshrl.u32 s0, $0x3;
	s22 =	simm.s32 $0x1  }
0x1a: {  	s23 =	simm.s32 $0x8;
	s14 =	sadd.s32 s20, s21;
	s16 =	sadd.s32 s4, s21  }
0x1b: {  	s17 =	sadd.s32 s24, s21;
	s18 =	sadd.s32 s25, s21;
	s4 =	sshrl.u32 s26, $0x3  }
0x1c: {  	s20 =	sadd.s32 s31, s21;
	s24 =	simm.s32 $0x80;
	s25 =	simm.s32 $0x8000  }
0x1d: {  	s26 =	simm.s32 $0x1000;
	s19 =	sadd.s32 s4, s21;
	s21 =	sadd.s32 s0, s21  }
.LBB2_1:
0x1e: {  	s0 =	rddreg [dreg:$0x4]  }
0x1f: {  	s30 =	sshrl.u32 s0, $0x3  }
0x20: {  	[spmem:s30], [sflag:s6] =	dma.local [hbm:s5], $0x1D80  }
0x21: {  	_ =	swait.ge [sflag:s22], $0x1D80  }
0x22: {  	[sflag:s22] =	ssyncset.done $0x0  }
0x23: {  	[sflag:s22] =	ssyncadd.s32 $0xFFFFE280  }
0x24: {  	[bflag:$0x0] =	sbarrier.arrive $0xFFFF  }
0x25: {  	[tilespmem:s3], [sflag:$0x1] =	stream.strided.gather [hbm4b:s2+s23], $0x8000, s24, s23, $0x38;
	[tilespmem:$0x17C00] =	vst v63  }
0x26: {  	_ =	swait.ge [sflag:s22], $0x8000  }
0x27: {  	[sflag:s22] =	ssyncset.done $0x0  }
0x28: {  	s13 =	sadd.s32 $0x0, s12;
	[sflag:s22] =	ssyncadd.s32 $0xFFFF8000  }
0x29: {  	[tilespmem:s25], [sflag:$0x1] =	stream.linear.gather [hbm4b:s13+s3], $0x1000, $0x38;
	[tilespmem:$0x17C00] =	vst v63  }
0x2a: {  	_ =	swait.ge [sflag:s22], $0x1000  }
0x2b: {  	[sflag:s22] =	ssyncset.done $0x0  }
0x2c: {  	[sflag:s22] =	ssyncadd.s32 $0xFFFFF000  }
0x2d: {  	[spmem:s1] =	stream.indirect.scatter.add.f32 [tilespmem:s3], [sflag:$0x1], $0x8, s25, s26, $0xb8;
	[tilespmem:$0x17C00] =	vst v63  }
0x2e: {  	s31 =	simm.s32 $0x200;
	_ =	swait.ge [sflag:s22], $0x8000  }
0x2f: {  	s4 =	simm.s32 $0x400;
	s13 =	smov.u32 s2;
	[sflag:s22] =	ssyncset.done $0x0  }
.LBB2_2:
0x30: {  	s0 =	simm.s32 $0x0  }
0x31: {  	[sflag:s22] =	ssyncadd.s32 $0xFFFF8000;
	s13 =	sadd.s32 $0x10000, s13;
	s7 =	smov.u32 s4  }
0x32: {  	[tilespmem:s0], [sflag:$0x1] =	stream.strided.gather [hbm4b:s13+s23], $0x8000, s24, s23, $0x38;
	[tilespmem:$0x17C00] =	vst v63  }
0x33: {  	p0 =	sne.s32 s4, $0xE00;
	s4 =	sadd.s32 $0x200, s4;
	_ =	swait.ge [sflag:s22], $0x8000  }
0x34: {  	[sflag:s22] =	ssyncset.done $0x0  }
0x35: {  	s8 =	sadd.s32 s31, s12;
	s31 =	smov.u32 s7;
	[sflag:s22] =	ssyncadd.s32 $0xFFFF8000  }
0x36: {  	[tilespmem:s25], [sflag:$0x1] =	stream.linear.gather [hbm4b:s8+s0], $0x1000, $0x38;
	[tilespmem:$0x17C00] =	vst v63  }
0x37: {  	_ =	swait.ge [sflag:s22], $0x1000  }
.Ltmp0:
0x38: {  	[sflag:s22] =	ssyncset.done $0x0;
	(pc) =	sbr.rel @p0 .LBB2_2-.Ltmp0, $4  }
0x39: {  	[sflag:s22] =	ssyncadd.s32 $0xFFFFF000  }
0x3a: {  	[spmem:s1] =	stream.indirect.scatter.add.f32 [tilespmem:s0], [sflag:$0x1], $0x8, s25, s26, $0xb8;
	[tilespmem:$0x17C00] =	vst v63  }
0x3b: {  	_ =	swait.ge [sflag:s22], $0x8000  }
0x3c: {  	[sflag:s22] =	ssyncset.done $0x0  }
0x3d: {  	[sflag:s22] =	ssyncadd.s32 $0xFFFF8000;
	s4 =	sadd.s32 $0x10000, s13  }
0x3e: {  	[tilespmem:s0], [sflag:$0x1] =	stream.strided.gather [hbm4b:s4+s23], $0x8000, s24, s23, $0x38;
	[tilespmem:$0x17C00] =	vst v63  }
0x3f: {  	_ =	swait.ge [sflag:s22], $0x8000  }
0x40: {  	[sflag:s22] =	ssyncset.done $0x0  }
0x41: {  	s13 =	sadd.s32 s31, s12;
	[sflag:s22] =	ssyncadd.s32 $0xFFFF8000  }
0x42: {  	[tilespmem:s25], [sflag:$0x1] =	stream.linear.gather [hbm4b:s13+s0], $0x1000, $0x38;
	[tilespmem:$0x17C00] =	vst v63  }
0x43: {  	_ =	swait.ge [sflag:s22], $0x1000  }
0x44: {  	[sflag:s22] =	ssyncset.done $0x0  }
0x45: {  	[sflag:s22] =	ssyncadd.s32 $0xFFFFF000  }
0x46: {  	[spmem:s1] =	stream.indirect.scatter.add.f32 [tilespmem:s0], [sflag:$0x1], $0x8, s25, s26, $0xb8;
	[tilespmem:$0x17C00] =	vst v63  }
0x47: {  	_ =	swait.ge [sflag:s22], $0x8000  }
0x48: {  	[sflag:s22] =	ssyncset.done $0x0  }
0x49: {  	[sflag:s22] =	ssyncadd.s32 $0xFFFF8000  }
0x4a: {  	[tilespmem:s3], [sflag:$0x1] =	stream.strided.gather [hbm4b:s14+s23], $0x8000, s24, s23, $0x38;
	[tilespmem:$0x17C00] =	vst v63  }
0x4b: {  	_ =	swait.ge [sflag:s22], $0x8000  }
0x4c: {  	[sflag:s22] =	ssyncset.done $0x0  }
0x4d: {  	s31 =	sadd.s32 $0x0, s15;
	[sflag:s22] =	ssyncadd.s32 $0xFFFF8000  }
0x4e: {  	[tilespmem:s25], [sflag:$0x1] =	stream.linear.gather [hbm4b:s31+s3], $0x1000, $0x38;
	[tilespmem:$0x17C00] =	vst v63  }
0x4f: {  	p0 =	por $0x1, $0x1;
	_ =	swait.ge [sflag:s22], $0x1000  }
.Ltmp1:
0x50: {  	[sflag:s22] =	ssyncset.done $0x0;
	(pc) =	sbr.rel @!p0 .LBB2_5-.Ltmp1, $4  }
0x51: {  	[sflag:s22] =	ssyncadd.s32 $0xFFFFF000  }
0x52: {  	[spmem:s1] =	stream.indirect.scatter.add.f32 [tilespmem:s3], [sflag:$0x1], $0x8, s25, s26, $0xb8;
	[tilespmem:$0x17C00] =	vst v63  }
0x53: {  	_ =	swait.ge [sflag:s22], $0x8000  }
0x54: {  	s4 =	smov.u32 s14;
	s0 =	simm.s32 $0x200;
	[sflag:s22] =	ssyncset.done $0x0  }
.LBB2_4:
0x55: {  	p0 =	sne.s32 s0, $0xE00;
	[sflag:s22] =	ssyncadd.s32 $0xFFFF8000;
	s4 =	sadd.s32 $0x10000, s4  }
0x56: {  	[tilespmem:s3], [sflag:$0x1] =	stream.strided.gather [hbm4b:s4+s23], $0x8000, s24, s23, $0x38;
	[tilespmem:$0x17C00] =	vst v63  }
0x57: {  	s7 =	smov.u32 s0;
	s0 =	sadd.s32 $0x200, s0;
	_ =	swait.ge [sflag:s22], $0x8000  }
0x58: {  	[sflag:s22] =	ssyncset.done $0x0  }
0x59: {  	s7 =	sadd.s32 s7, s15;
	[sflag:s22] =	ssyncadd.s32 $0xFFFF8000  }
0x5a: {  	[tilespmem:s25], [sflag:$0x1] =	stream.linear.gather [hbm4b:s7+s3], $0x1000, $0x38;
	[tilespmem:$0x17C00] =	vst v63  }
0x5b: {  	_ =	swait.ge [sflag:s22], $0x1000  }
.Ltmp2:
0x5c: {  	[sflag:s22] =	ssyncset.done $0x0;
	(pc) =	sbr.rel @p0 .LBB2_4-.Ltmp2, $4  }
0x5d: {  	[sflag:s22] =	ssyncadd.s32 $0xFFFFF000  }
0x5e: {  	[spmem:s1] =	stream.indirect.scatter.add.f32 [tilespmem:s3], [sflag:$0x1], $0x8, s25, s26, $0xb8;
	[tilespmem:$0x17C00] =	vst v63  }
0x5f: {  	_ =	swait.ge [sflag:s22], $0x8000  }
0x60: {  	[sflag:s22] =	ssyncset.done $0x0  }
.LBB2_5:
0x61: {  	[sflag:s22] =	ssyncadd.s32 $0xFFFF8000  }
0x62: {  	[bflag:$0x0] =	sbarrier.arrive $0xFFFF  }
0x63: {  	s0 =	rddreg [dreg:$0x5]  }
0x64: {  	[hbm:s0@s28], [sflag:s6] =	dma.strided [spmem:s30@s22], $0x1D80, s22, $0x1   }
0x65: {  	_ =	swait.ge [sflag:s22], $0x1D80  }
0x66: {  	[sflag:s22] =	ssyncset.done $0x0  }
0x67: {  	[sflag:s22] =	ssyncadd.s32 $0xFFFFE280  }
0x68: {  	[bflag:$0x0] =	sbarrier.arrive $0xFFFF  }
0x69: {  	[spmem:s30], [sflag:s6] =	dma.local [hbm:s5], $0x1D80  }
0x6a: {  	_ =	swait.ge [sflag:s22], $0x1D80  }
0x6b: {  	[sflag:s22] =	ssyncset.done $0x0  }
0x6c: {  	[sflag:s22] =	ssyncadd.s32 $0xFFFFE280  }
0x6d: {  	s31 =	simm.s32 $0x0;
	[bflag:$0x0] =	sbarrier.arrive $0xFFFF  }
0x6e: {  	[tilespmem:s31], [sflag:$0x1] =	stream.strided.gather [hbm4b:s16+s23], $0x8000, s24, s23, $0x38;
	[tilespmem:$0x17C00] =	vst v63  }
0x6f: {  	_ =	swait.ge [sflag:s22], $0x8000  }
0x70: {  	[sflag:s22] =	ssyncset.done $0x0  }
0x71: {  	s13 =	sadd.s32 $0x0, s12;
	[sflag:s22] =	ssyncadd.s32 $0xFFFF8000  }
0x72: {  	[tilespmem:s25], [sflag:$0x1] =	stream.linear.gather [hbm4b:s13+s31], $0x1000, $0x38;
	[tilespmem:$0x17C00] =	vst v63  }
0x73: {  	_ =	swait.ge [sflag:s22], $0x1000  }
0x74: {  	[sflag:s22] =	ssyncset.done $0x0  }
0x75: {  	[sflag:s22] =	ssyncadd.s32 $0xFFFFF000  }
0x76: {  	[spmem:s1] =	stream.indirect.scatter.add.f32 [tilespmem:s31], [sflag:$0x1], $0x8, s25, s26, $0xb8;
	[tilespmem:$0x17C00] =	vst v63  }
0x77: {  	_ =	swait.ge [sflag:s22], $0x8000  }
0x78: {  	s4 =	smov.u32 s16;
	s0 =	simm.s32 $0x200;
	[sflag:s22] =	ssyncset.done $0x0  }
.LBB2_6:
0x79: {  	p0 =	sne.s32 s0, $0xE00;
	[sflag:s22] =	ssyncadd.s32 $0xFFFF8000;
	s4 =	sadd.s32 $0x10000, s4  }
0x7a: {  	[tilespmem:s31], [sflag:$0x1] =	stream.strided.gather [hbm4b:s4+s23], $0x8000, s24, s23, $0x38;
	[tilespmem:$0x17C00] =	vst v63  }
0x7b: {  	s7 =	smov.u32 s0;
	s0 =	sadd.s32 $0x200, s0;
	_ =	swait.ge [sflag:s22], $0x8000  }
0x7c: {  	[sflag:s22] =	ssyncset.done $0x0  }
0x7d: {  	s7 =	sadd.s32 s7, s12;
	[sflag:s22] =	ssyncadd.s32 $0xFFFF8000  }
0x7e: {  	[tilespmem:s25], [sflag:$0x1] =	stream.linear.gather [hbm4b:s7+s31], $0x1000, $0x38;
	[tilespmem:$0x17C00] =	vst v63  }
0x7f: {  	_ =	swait.ge [sflag:s22], $0x1000  }
.Ltmp3:
0x80: {  	[sflag:s22] =	ssyncset.done $0x0;
	(pc) =	sbr.rel @p0 .LBB2_6-.Ltmp3, $4  }
0x81: {  	[sflag:s22] =	ssyncadd.s32 $0xFFFFF000  }
0x82: {  	[spmem:s1] =	stream.indirect.scatter.add.f32 [tilespmem:s31], [sflag:$0x1], $0x8, s25, s26, $0xb8;
	[tilespmem:$0x17C00] =	vst v63  }
0x83: {  	_ =	swait.ge [sflag:s22], $0x8000  }
0x84: {  	[sflag:s22] =	ssyncset.done $0x0  }
0x85: {  	[sflag:s22] =	ssyncadd.s32 $0xFFFF8000  }
0x86: {  	[tilespmem:s3], [sflag:$0x1] =	stream.strided.gather [hbm4b:s17+s23], $0x8000, s24, s23, $0x38;
	[tilespmem:$0x17C00] =	vst v63  }
0x87: {  	_ =	swait.ge [sflag:s22], $0x8000  }
0x88: {  	[sflag:s22] =	ssyncset.done $0x0  }
0x89: {  	s0 =	sadd.s32 $0x0, s15;
	[sflag:s22] =	ssyncadd.s32 $0xFFFF8000  }
0x8a: {  	[tilespmem:s25], [sflag:$0x1] =	stream.linear.gather [hbm4b:s0+s3], $0x1000, $0x38;
	[tilespmem:$0x17C00] =	vst v63  }
0x8b: {  	_ =	swait.ge [sflag:s22], $0x1000  }
0x8c: {  	[sflag:s22] =	ssyncset.done $0x0  }
0x8d: {  	[sflag:s22] =	ssyncadd.s32 $0xFFFFF000  }
0x8e: {  	[spmem:s1] =	stream.indirect.scatter.add.f32 [tilespmem:s3], [sflag:$0x1], $0x8, s25, s26, $0xb8;
	[tilespmem:$0x17C00] =	vst v63  }
0x8f: {  	_ =	swait.ge [sflag:s22], $0x8000  }
0x90: {  	s4 =	smov.u32 s17;
	s0 =	simm.s32 $0x200;
	[sflag:s22] =	ssyncset.done $0x0  }
.LBB2_8:
0x91: {  	p0 =	sne.s32 s0, $0xE00;
	[sflag:s22] =	ssyncadd.s32 $0xFFFF8000;
	s4 =	sadd.s32 $0x10000, s4  }
0x92: {  	[tilespmem:s3], [sflag:$0x1] =	stream.strided.gather [hbm4b:s4+s23], $0x8000, s24, s23, $0x38;
	[tilespmem:$0x17C00] =	vst v63  }
0x93: {  	s7 =	smov.u32 s0;
	s0 =	sadd.s32 $0x200, s0;
	_ =	swait.ge [sflag:s22], $0x8000  }
0x94: {  	[sflag:s22] =	ssyncset.done $0x0  }
0x95: {  	s7 =	sadd.s32 s7, s15;
	[sflag:s22] =	ssyncadd.s32 $0xFFFF8000  }
0x96: {  	[tilespmem:s25], [sflag:$0x1] =	stream.linear.gather [hbm4b:s7+s3], $0x1000, $0x38;
	[tilespmem:$0x17C00] =	vst v63  }
0x97: {  	_ =	swait.ge [sflag:s22], $0x1000  }
.Ltmp4:
0x98: {  	[sflag:s22] =	ssyncset.done $0x0;
	(pc) =	sbr.rel @p0 .LBB2_8-.Ltmp4, $4  }
0x99: {  	[sflag:s22] =	ssyncadd.s32 $0xFFFFF000  }
0x9a: {  	[spmem:s1] =	stream.indirect.scatter.add.f32 [tilespmem:s3], [sflag:$0x1], $0x8, s25, s26, $0xb8;
	[tilespmem:$0x17C00] =	vst v63  }
0x9b: {  	_ =	swait.ge [sflag:s22], $0x8000  }
0x9c: {  	[sflag:s22] =	ssyncset.done $0x0  }
0x9d: {  	[sflag:s22] =	ssyncadd.s32 $0xFFFF8000  }
0x9e: {  	[bflag:$0x0] =	sbarrier.arrive $0xFFFF  }
0x9f: {  	s0 =	rddreg [dreg:$0x6]  }
0xa0: {  	[hbm:s0@s28], [sflag:s6] =	dma.strided [spmem:s30@s22], $0x1D80, s22, $0x1   }
0xa1: {  	_ =	swait.ge [sflag:s22], $0x1D80  }
0xa2: {  	[sflag:s22] =	ssyncset.done $0x0  }
0xa3: {  	[sflag:s22] =	ssyncadd.s32 $0xFFFFE280  }
0xa4: {  	[bflag:$0x0] =	sbarrier.arrive $0xFFFF  }
0xa5: {  	[spmem:s30], [sflag:s6] =	dma.local [hbm:s5], $0x1D80  }
0xa6: {  	_ =	swait.ge [sflag:s22], $0x1D80  }
0xa7: {  	[sflag:s22] =	ssyncset.done $0x0  }
0xa8: {  	[sflag:s22] =	ssyncadd.s32 $0xFFFFE280  }
0xa9: {  	s31 =	simm.s32 $0x0;
	[bflag:$0x0] =	sbarrier.arrive $0xFFFF  }
0xaa: {  	[tilespmem:s31], [sflag:$0x1] =	stream.strided.gather [hbm4b:s18+s23], $0x8000, s24, s23, $0x38;
	[tilespmem:$0x17C00] =	vst v63  }
0xab: {  	_ =	swait.ge [sflag:s22], $0x8000  }
0xac: {  	[sflag:s22] =	ssyncset.done $0x0  }
0xad: {  	s13 =	sadd.s32 $0x0, s12;
	[sflag:s22] =	ssyncadd.s32 $0xFFFF8000  }
0xae: {  	[tilespmem:s25], [sflag:$0x1] =	stream.linear.gather [hbm4b:s13+s31], $0x1000, $0x38;
	[tilespmem:$0x17C00] =	vst v63  }
0xaf: {  	_ =	swait.ge [sflag:s22], $0x1000  }
0xb0: {  	[sflag:s22] =	ssyncset.done $0x0  }
0xb1: {  	[sflag:s22] =	ssyncadd.s32 $0xFFFFF000  }
0xb2: {  	[spmem:s1] =	stream.indirect.scatter.add.f32 [tilespmem:s31], [sflag:$0x1], $0x8, s25, s26, $0xb8;
	[tilespmem:$0x17C00] =	vst v63  }
0xb3: {  	_ =	swait.ge [sflag:s22], $0x8000  }
0xb4: {  	s4 =	smov.u32 s18;
	s0 =	simm.s32 $0x200;
	[sflag:s22] =	ssyncset.done $0x0  }
.LBB2_10:
0xb5: {  	p0 =	sne.s32 s0, $0xE00;
	[sflag:s22] =	ssyncadd.s32 $0xFFFF8000;
	s4 =	sadd.s32 $0x10000, s4  }
0xb6: {  	[tilespmem:s31], [sflag:$0x1] =	stream.strided.gather [hbm4b:s4+s23], $0x8000, s24, s23, $0x38;
	[tilespmem:$0x17C00] =	vst v63  }
0xb7: {  	s7 =	smov.u32 s0;
	s0 =	sadd.s32 $0x200, s0;
	_ =	swait.ge [sflag:s22], $0x8000  }
0xb8: {  	[sflag:s22] =	ssyncset.done $0x0  }
0xb9: {  	s7 =	sadd.s32 s7, s12;
	[sflag:s22] =	ssyncadd.s32 $0xFFFF8000  }
0xba: {  	[tilespmem:s25], [sflag:$0x1] =	stream.linear.gather [hbm4b:s7+s31], $0x1000, $0x38;
	[tilespmem:$0x17C00] =	vst v63  }
0xbb: {  	_ =	swait.ge [sflag:s22], $0x1000  }
.Ltmp5:
0xbc: {  	[sflag:s22] =	ssyncset.done $0x0;
	(pc) =	sbr.rel @p0 .LBB2_10-.Ltmp5, $4  }
0xbd: {  	[sflag:s22] =	ssyncadd.s32 $0xFFFFF000  }
0xbe: {  	[spmem:s1] =	stream.indirect.scatter.add.f32 [tilespmem:s31], [sflag:$0x1], $0x8, s25, s26, $0xb8;
	[tilespmem:$0x17C00] =	vst v63  }
0xbf: {  	_ =	swait.ge [sflag:s22], $0x8000  }
0xc0: {  	[sflag:s22] =	ssyncset.done $0x0  }
0xc1: {  	[sflag:s22] =	ssyncadd.s32 $0xFFFF8000  }
0xc2: {  	[tilespmem:s3], [sflag:$0x1] =	stream.strided.gather [hbm4b:s19+s23], $0x8000, s24, s23, $0x38;
	[tilespmem:$0x17C00] =	vst v63  }
0xc3: {  	_ =	swait.ge [sflag:s22], $0x8000  }
0xc4: {  	[sflag:s22] =	ssyncset.done $0x0  }
0xc5: {  	s0 =	sadd.s32 $0x0, s15;
	[sflag:s22] =	ssyncadd.s32 $0xFFFF8000  }
0xc6: {  	[tilespmem:s25], [sflag:$0x1] =	stream.linear.gather [hbm4b:s0+s3], $0x1000, $0x38;
	[tilespmem:$0x17C00] =	vst v63  }
0xc7: {  	_ =	swait.ge [sflag:s22], $0x1000  }
0xc8: {  	[sflag:s22] =	ssyncset.done $0x0  }
0xc9: {  	[sflag:s22] =	ssyncadd.s32 $0xFFFFF000  }
0xca: {  	[spmem:s1] =	stream.indirect.scatter.add.f32 [tilespmem:s3], [sflag:$0x1], $0x8, s25, s26, $0xb8;
	[tilespmem:$0x17C00] =	vst v63  }
0xcb: {  	_ =	swait.ge [sflag:s22], $0x8000  }
0xcc: {  	s4 =	smov.u32 s19;
	s0 =	simm.s32 $0x200;
	[sflag:s22] =	ssyncset.done $0x0  }
.LBB2_12:
0xcd: {  	p0 =	sne.s32 s0, $0xE00;
	[sflag:s22] =	ssyncadd.s32 $0xFFFF8000;
	s4 =	sadd.s32 $0x10000, s4  }
0xce: {  	[tilespmem:s3], [sflag:$0x1] =	stream.strided.gather [hbm4b:s4+s23], $0x8000, s24, s23, $0x38;
	[tilespmem:$0x17C00] =	vst v63  }
0xcf: {  	s7 =	smov.u32 s0;
	s0 =	sadd.s32 $0x200, s0;
	_ =	swait.ge [sflag:s22], $0x8000  }
0xd0: {  	[sflag:s22] =	ssyncset.done $0x0  }
0xd1: {  	s7 =	sadd.s32 s7, s15;
	[sflag:s22] =	ssyncadd.s32 $0xFFFF8000  }
0xd2: {  	[tilespmem:s25], [sflag:$0x1] =	stream.linear.gather [hbm4b:s7+s3], $0x1000, $0x38;
	[tilespmem:$0x17C00] =	vst v63  }
0xd3: {  	_ =	swait.ge [sflag:s22], $0x1000  }
.Ltmp6:
0xd4: {  	[sflag:s22] =	ssyncset.done $0x0;
	(pc) =	sbr.rel @p0 .LBB2_12-.Ltmp6, $4  }
0xd5: {  	[sflag:s22] =	ssyncadd.s32 $0xFFFFF000  }
0xd6: {  	[spmem:s1] =	stream.indirect.scatter.add.f32 [tilespmem:s3], [sflag:$0x1], $0x8, s25, s26, $0xb8;
	[tilespmem:$0x17C00] =	vst v63  }
0xd7: {  	_ =	swait.ge [sflag:s22], $0x8000  }
0xd8: {  	[sflag:s22] =	ssyncset.done $0x0  }
0xd9: {  	[sflag:s22] =	ssyncadd.s32 $0xFFFF8000  }
0xda: {  	[bflag:$0x0] =	sbarrier.arrive $0xFFFF  }
0xdb: {  	[hbm:s9@s28], [sflag:s6] =	dma.strided [spmem:s30@s22], $0x1D80, s22, $0x1   }
0xdc: {  	_ =	swait.ge [sflag:s22], $0x1D80  }
0xdd: {  	[sflag:s22] =	ssyncset.done $0x0  }
0xde: {  	[sflag:s22] =	ssyncadd.s32 $0xFFFFE280  }
0xdf: {  	[bflag:$0x0] =	sbarrier.arrive $0xFFFF  }
0xe0: {  	[spmem:s30], [sflag:s6] =	dma.local [hbm:s5], $0x1D80  }
0xe1: {  	_ =	swait.ge [sflag:s22], $0x1D80  }
0xe2: {  	[sflag:s22] =	ssyncset.done $0x0  }
0xe3: {  	[sflag:s22] =	ssyncadd.s32 $0xFFFFE280  }
0xe4: {  	s31 =	simm.s32 $0x0;
	[bflag:$0x0] =	sbarrier.arrive $0xFFFF  }
0xe5: {  	[tilespmem:s31], [sflag:$0x1] =	stream.strided.gather [hbm4b:s20+s23], $0x8000, s24, s23, $0x38;
	[tilespmem:$0x17C00] =	vst v63  }
0xe6: {  	_ =	swait.ge [sflag:s22], $0x8000  }
0xe7: {  	[sflag:s22] =	ssyncset.done $0x0  }
0xe8: {  	s0 =	sadd.s32 $0x0, s12;
	[sflag:s22] =	ssyncadd.s32 $0xFFFF8000  }
0xe9: {  	[tilespmem:s25], [sflag:$0x1] =	stream.linear.gather [hbm4b:s0+s31], $0x1000, $0x38;
	[tilespmem:$0x17C00] =	vst v63  }
0xea: {  	_ =	swait.ge [sflag:s22], $0x1000  }
0xeb: {  	[sflag:s22] =	ssyncset.done $0x0  }
0xec: {  	[sflag:s22] =	ssyncadd.s32 $0xFFFFF000  }
0xed: {  	[spmem:s1] =	stream.indirect.scatter.add.f32 [tilespmem:s31], [sflag:$0x1], $0x8, s25, s26, $0xb8;
	[tilespmem:$0x17C00] =	vst v63  }
0xee: {  	_ =	swait.ge [sflag:s22], $0x8000  }
0xef: {  	s4 =	smov.u32 s20;
	s0 =	simm.s32 $0x200;
	[sflag:s22] =	ssyncset.done $0x0  }
.LBB2_14:
0xf0: {  	p0 =	sne.s32 s0, $0xE00;
	[sflag:s22] =	ssyncadd.s32 $0xFFFF8000;
	s4 =	sadd.s32 $0x10000, s4  }
0xf1: {  	[tilespmem:s31], [sflag:$0x1] =	stream.strided.gather [hbm4b:s4+s23], $0x8000, s24, s23, $0x38;
	[tilespmem:$0x17C00] =	vst v63  }
0xf2: {  	s7 =	smov.u32 s0;
	s0 =	sadd.s32 $0x200, s0;
	_ =	swait.ge [sflag:s22], $0x8000  }
0xf3: {  	[sflag:s22] =	ssyncset.done $0x0  }
0xf4: {  	s7 =	sadd.s32 s7, s12;
	[sflag:s22] =	ssyncadd.s32 $0xFFFF8000  }
0xf5: {  	[tilespmem:s25], [sflag:$0x1] =	stream.linear.gather [hbm4b:s7+s31], $0x1000, $0x38;
	[tilespmem:$0x17C00] =	vst v63  }
0xf6: {  	_ =	swait.ge [sflag:s22], $0x1000  }
.Ltmp7:
0xf7: {  	[sflag:s22] =	ssyncset.done $0x0;
	(pc) =	sbr.rel @p0 .LBB2_14-.Ltmp7, $4  }
0xf8: {  	[sflag:s22] =	ssyncadd.s32 $0xFFFFF000  }
0xf9: {  	[spmem:s1] =	stream.indirect.scatter.add.f32 [tilespmem:s31], [sflag:$0x1], $0x8, s25, s26, $0xb8;
	[tilespmem:$0x17C00] =	vst v63  }
0xfa: {  	_ =	swait.ge [sflag:s22], $0x8000  }
0xfb: {  	[sflag:s22] =	ssyncset.done $0x0  }
0xfc: {  	[sflag:s22] =	ssyncadd.s32 $0xFFFF8000  }
0xfd: {  	[tilespmem:s3], [sflag:$0x1] =	stream.strided.gather [hbm4b:s21+s23], $0x8000, s24, s23, $0x38;
	[tilespmem:$0x17C00] =	vst v63  }
0xfe: {  	_ =	swait.ge [sflag:s22], $0x8000  }
0xff: {  	[sflag:s22] =	ssyncset.done $0x0  }
0x100: {  	s0 =	sadd.s32 $0x0, s15;
	[sflag:s22] =	ssyncadd.s32 $0xFFFF8000  }
0x101: {  	[tilespmem:s25], [sflag:$0x1] =	stream.linear.gather [hbm4b:s0+s3], $0x1000, $0x38;
	[tilespmem:$0x17C00] =	vst v63  }
0x102: {  	_ =	swait.ge [sflag:s22], $0x1000  }
0x103: {  	[sflag:s22] =	ssyncset.done $0x0  }
0x104: {  	[sflag:s22] =	ssyncadd.s32 $0xFFFFF000  }
0x105: {  	[spmem:s1] =	stream.indirect.scatter.add.f32 [tilespmem:s3], [sflag:$0x1], $0x8, s25, s26, $0xb8;
	[tilespmem:$0x17C00] =	vst v63  }
0x106: {  	_ =	swait.ge [sflag:s22], $0x8000  }
0x107: {  	s4 =	smov.u32 s21;
	s0 =	simm.s32 $0x200;
	[sflag:s22] =	ssyncset.done $0x0  }
.LBB2_16:
0x108: {  	p0 =	sne.s32 s0, $0xE00;
	[sflag:s22] =	ssyncadd.s32 $0xFFFF8000;
	s4 =	sadd.s32 $0x10000, s4  }
0x109: {  	[tilespmem:s3], [sflag:$0x1] =	stream.strided.gather [hbm4b:s4+s23], $0x8000, s24, s23, $0x38;
	[tilespmem:$0x17C00] =	vst v63  }
0x10a: {  	s7 =	smov.u32 s0;
	s0 =	sadd.s32 $0x200, s0;
	_ =	swait.ge [sflag:s22], $0x8000  }
0x10b: {  	[sflag:s22] =	ssyncset.done $0x0  }
0x10c: {  	s7 =	sadd.s32 s7, s15;
	[sflag:s22] =	ssyncadd.s32 $0xFFFF8000  }
0x10d: {  	[tilespmem:s25], [sflag:$0x1] =	stream.linear.gather [hbm4b:s7+s3], $0x1000, $0x38;
	[tilespmem:$0x17C00] =	vst v63  }
0x10e: {  	_ =	swait.ge [sflag:s22], $0x1000  }
.Ltmp8:
0x10f: {  	[sflag:s22] =	ssyncset.done $0x0;
	(pc) =	sbr.rel @p0 .LBB2_16-.Ltmp8, $4  }
0x110: {  	[sflag:s22] =	ssyncadd.s32 $0xFFFFF000  }
0x111: {  	[spmem:s1] =	stream.indirect.scatter.add.f32 [tilespmem:s3], [sflag:$0x1], $0x8, s25, s26, $0xb8;
	[tilespmem:$0x17C00] =	vst v63  }
0x112: {  	_ =	swait.ge [sflag:s22], $0x8000  }
0x113: {  	[sflag:s22] =	ssyncset.done $0x0  }
0x114: {  	[sflag:s22] =	ssyncadd.s32 $0xFFFF8000;
	s29 =	sadd.s32 $0x1, s29  }
0x115: {  	[bflag:$0x0] =	sbarrier.arrive $0xFFFF;
	p0 =	sne.s32 s29, s11  }
0x116: {  	[hbm:s10@s28], [sflag:s6] =	dma.strided [spmem:s30@s22], $0x1D80, s22, $0x1   }
.Ltmp9:
0x117: {  	_ =	swait.ge [sflag:s22], $0x1D80;
	(pc) =	sbr.rel @p0 .LBB2_1-.Ltmp9, $3  }
0x118: {  	[sflag:s22] =	ssyncset.done $0x0  }
0x119: {  	[sflag:s22] =	ssyncadd.s32 $0xFFFFE280  }
0x11a: {  	[bflag:$0x0] =	sbarrier.arrive $0xFFFF;
	_ =	sdelay $0x1  }
0x11b: {  	_ =	sfence.sel $0x180000  }
0x11c: {  	[bflag:$0x0] =	sbarrier.arrive $0xFFFF  }
0x11d: {  	_ =	strace $0x90000053  }
0x11e: {  	s0 =	stileid.u32;
	[bflag:$0x2] =	sbarrier.arrive $0xFFFF  }
0x11f: {  	p0 =	sne.s32 s0, $0x0;
	s0 =	rddreg [dreg:$0x3]  }
0x120: {  	s0 =	sadd.s32 @!p0 $0x100000, s0  }
0x121: {  	[sflag:s0] =	ssyncadd.tile.s32 @!p0 $0x1;
	_ =	shalt  }
.Lfunc_end2:
_tile_overlayer_lowered:
.L_overlay_start_2:
0x122: {  	(tag) =	ssettag $0x2  }
0x123: {  	s0 =	rddreg [dreg:$0x0];
	s2 =	stileid.u32  }
0x124: {  	s1 =	rddreg [dreg:$0x1];
	p0 =	sne.s32 s2, $0x0  }
0x125: {  	s3 =	rddreg [dreg:$0x2];
	[bflag:$0x3] =	sbarrier.arrive $0xFFFF;
	s2 =	simm.s32 @!p0 $0x1C01  }
0x126: {  	[timem:s3], [sflag:s2] =	dma.local @!p0 [hbm:s0], s1  }
0x127: {  	s0 =	simm.s32 @!p0 $0x1  }
0x128: {  	_ =	swait.ge @!p0 [sflag:s0], s1  }
0x129: {  	s1 =	ssub.s32 @!p0 $0x0, s1;
	[sflag:s0] =	ssyncset.done @!p0 $0x0  }
0x12a: {  	[sflag:s0] =	ssyncadd.s32 @!p0 s1  }
0x12b: {  	[bflag:$0x3] =	sbarrier.arrive $0xFFFF  }
0x12c: {  	_ =	shalt  }

// kernel: kernel.13.cloned.1.call-start
scs
__scs_entry_jumppad:
0x0: {  	(pc) =	sbr.rel $0x88, $3  }
0x1: {  	(tag) =	ssettag $0x0;
	lr =	simm.s32 $0x1  }
0x2: {  	[smem:$0x3F98] =	sst lr;
	_ =	strace $0xD0000000  }
0x3: {  	_ = 	snop  }
0x4: {  	_ = 	snop  }
0x5: {  	_ = 	snop  }
0x6: {  	_ = 	snop  }
0x7: {  	_ = 	snop  }
__scs_overlays_trampoline_lowered:
0x8: {  	[smem:$0x3FA7] =	sst s0  }
0x9: {  	[smem:$0x3FA8] =	sst s1  }
0xa: {  	[smem:$0x3FA9] =	sst s2  }
0xb: {  	[smem:$0x3FAA] =	sst s3  }
0xc: {  	[smem:$0x3FAB] =	sst s4  }
0xd: {  	[smem:$0x3FAC] =	sst s5  }
0xe: {  	[smem:$0x3FAD] =	sst s6  }
0xf: {  	[smem:$0x3FAE] =	sst s7  }
0x10: {  	[smem:$0x3FAF] =	sst s8  }
0x11: {  	[smem:$0x3FB0] =	sst s9;
	s0 =	simm.s32 @!p0 $0x0  }
0x12: {  	s1 =	sld [smem:$0x3F96];
	s0 =	simm.s32 @p0 $0x1  }
0x13: {  	[smem:$0x3FB1] =	sst s0;
	s0 =	simm.s32 @!p1 $0x0  }
0x14: {  	s2 =	sld [smem:$0x3F95];
	s0 =	simm.s32 @p1 $0x1  }
0x15: {  	[smem:$0x3FB2] =	sst s0;
	s0 =	simm.s32 @!p2 $0x0  }
0x16: {  	s3 =	sld [smem:$0x3FDB];
	s0 =	simm.s32 @p2 $0x1  }
0x17: {  	s4 =	simm.s32 $0x1BF5;
	[smem:$0x3FB4] =	sst s0  }
0x18: {  	s0 =	sld [smem:$0x3F97];
	_ =	swait.ge [sflag:s4], $0x0  }
0x19: {  	s7 =	sld [smem:$0x3F98]  }
0x1a: {  	s8 =	sadd.s32 $0xFFFFE003, lr  }
0x1b: {  	s9 =	sadd.s32 $0xFFFFFEF7, lr;
	s5 =	simm.s32 $0xFFFFFFFF;
	p2 =	slt.u32 s8, $0xFFFFF086  }
0x1c: {  	p1 =	slt.u32 s9, $0xF7A;
	s5 =	simm.s32 @!p2 $0x0  }
0x1d: {  	s5 =	simm.s32 @p1 $0x1;
	p0 =	seq.s32 s7, s2  }
0x1e: {  	s7 =	smul.u32 @!p0 $0xF7A, s2;
	p2 =	seq.s32 @!p0 s5, $0x0  }
0x1f: {  	s9 =	smul.u32 $0xF7A, s1;
	s8 =	simm.s32 @!p0 $0x1BF5;
	p2 =	por !p2, p0  }
0x20: {  	[sflag:s8] =	ssyncset.s32 @!p0 $0xFFFFF086;
	s6 =	sadd.s32 @!p0 s3, s7;
	s7 =	simm.s32 @!p0 $0x108  }
0x21: {  	s3 =	sadd.s32 s3, s9;
	s6 =	sadd.s32 @!p0 $0x88, s6;
	s7 =	simm.s32 @p2 $0x1082  }
0x22: {  	[simem:s7], [sflag:s8] =	dma.local @!p0 [hbm:s6], $0xF7A  }
0x23: {  	s9 =	sor.u32 $0xD0000000, s2;
	s6 =	simm.s32 $0x108;
	_ =	swait.ge @!p0 [sflag:s8], $0x0  }
0x24: {  	s3 =	sadd.s32 $0x88, s3;
	s6 =	simm.s32 @!p1 $0x1082;
	[sflag:s4] =	ssyncset.s32 $0xFFFFF086  }
0x25: {  	[simem:s6], [sflag:s4] =	dma.local [hbm:s3], $0xF7A  }
0x26: {  	[smem:$0x3F98] =	sst s1;
	(tag) =	ssettag s2;
	_ =	strace s9  }
0x27: {  	s1 =	sld [smem:$0x3FA8]  }
0x28: {  	s2 =	sld [smem:$0x3FA9]  }
0x29: {  	s4 =	sld [smem:$0x3FAB]  }
0x2a: {  	p0 =	seq.s32 s5, $0x0;
	s5 =	sld [smem:$0x3FAC]  }
0x2b: {  	s6 =	sld [smem:$0x3FAD]  }
0x2c: {  	s7 =	sld [smem:$0x3FAE]  }
0x2d: {  	s3 =	simm.s32 $0x108;
	s8 =	sld [smem:$0x3FAF]  }
0x2e: {  	s3 =	simm.s32 @!p0 $0x1082;
	s9 =	sld [smem:$0x3FB0]  }
0x2f: {  	lr =	sadd.s32 s0, s3;
	s0 =	sld [smem:$0x3FA7]  }
0x30: {  	s3 =	sld [smem:$0x3FAA]  }
0x31: {  	[smem:$0x3FB3] =	sst s10  }
0x32: {  	s10 =	sld [smem:$0x3FB1];
	_ =	sdelay $0x3  }
0x33: {  	p0 =	seq.s32 s10, $0x1;
	s10 =	sld [smem:$0x3FB3];
	_ =	sdelay $0x3  }
0x34: {  	[smem:$0x3FB3] =	sst s10  }
0x35: {  	s10 =	sld [smem:$0x3FB2];
	_ =	sdelay $0x3  }
0x36: {  	p1 =	seq.s32 s10, $0x1;
	s10 =	sld [smem:$0x3FB3];
	_ =	sdelay $0x3  }
0x37: {  	[smem:$0x3FB3] =	sst s10  }
0x38: {  	s10 =	sld [smem:$0x3FB4]  }
0x39: {  	_ = 	snop;
	(pc) =	sbr.ind lr, $3  }
0x3a: {  	_ = 	snop  }
0x3b: {  	_ = 	snop  }
0x3c: {  	p2 =	seq.s32 s10, $0x1;
	s10 =	sld [smem:$0x3FB3]  }
0x3d: {  	_ =	shalt  }
0x3e: {  	_ =	shalt  }
0x3f: {  	_ =	shalt  }
0x40: {  	_ =	shalt  }
0x41: {  	_ =	shalt  }
0x42: {  	_ =	shalt  }
0x43: {  	_ =	shalt  }
0x44: {  	_ =	shalt  }
0x45: {  	_ =	shalt  }
0x46: {  	_ =	shalt  }
0x47: {  	_ =	shalt  }
0x48: {  	_ =	shalt  }
0x49: {  	_ =	shalt  }
0x4a: {  	_ =	shalt  }
0x4b: {  	_ =	shalt  }
0x4c: {  	_ =	shalt  }
0x4d: {  	_ =	shalt  }
0x4e: {  	_ =	shalt  }
0x4f: {  	_ =	shalt  }
0x50: {  	_ =	shalt  }
0x51: {  	_ =	shalt  }
0x52: {  	_ =	shalt  }
0x53: {  	_ =	shalt  }
0x54: {  	_ =	shalt  }
0x55: {  	_ =	shalt  }
0x56: {  	_ =	shalt  }
0x57: {  	_ =	shalt  }
0x58: {  	_ =	shalt  }
0x59: {  	_ =	shalt  }
0x5a: {  	_ =	shalt  }
0x5b: {  	_ =	shalt  }
0x5c: {  	_ =	shalt  }
0x5d: {  	_ =	shalt  }
0x5e: {  	_ =	shalt  }
0x5f: {  	_ =	shalt  }
0x60: {  	_ =	shalt  }
0x61: {  	_ =	shalt  }
0x62: {  	_ =	shalt  }
0x63: {  	_ =	shalt  }
0x64: {  	_ =	shalt  }
0x65: {  	_ =	shalt  }
0x66: {  	_ =	shalt  }
0x67: {  	_ =	shalt  }
0x68: {  	_ =	shalt  }
0x69: {  	_ =	shalt  }
0x6a: {  	_ =	shalt  }
0x6b: {  	_ =	shalt  }
0x6c: {  	_ =	shalt  }
0x6d: {  	_ =	shalt  }
0x6e: {  	_ =	shalt  }
0x6f: {  	_ =	shalt  }
0x70: {  	_ =	shalt  }
0x71: {  	_ =	shalt  }
0x72: {  	_ =	shalt  }
0x73: {  	_ =	shalt  }
0x74: {  	_ =	shalt  }
0x75: {  	_ =	shalt  }
0x76: {  	_ =	shalt  }
0x77: {  	_ =	shalt  }
0x78: {  	_ =	shalt  }
0x79: {  	_ =	shalt  }
0x7a: {  	_ =	shalt  }
0x7b: {  	_ =	shalt  }
0x7c: {  	_ =	shalt  }
0x7d: {  	_ =	shalt  }
0x7e: {  	_ =	shalt  }
0x7f: {  	_ =	shalt  }
0x80: {  	_ =	shalt  }
0x81: {  	_ =	shalt  }
0x82: {  	_ =	shalt  }
0x83: {  	_ =	shalt  }
0x84: {  	_ =	shalt  }
0x85: {  	_ =	shalt  }
0x86: {  	_ =	shalt  }
0x87: {  	_ =	shalt  }
.Lfunc_end0:
.L_simem_size_0:
called_computation.5_lowered:
.L_overlay_start_0:
0x88: {  	s2 =	sld [smem:$0x3FD9]  }
0x89: {  	s3 =	sld [smem:$0x3FFE];
	_ =	sdelay $0x1  }
0x8a: {  	s1 =	srdreg.scid  }
0x8b: {  	s0 =	sand.u32 $0x1, s1  }
0x8c: {  	s14 =	sshll.u32 s0, $0xA;
	s2 =	sadd.s32 s3, s2  }
0x8d: {  	s2 =	sadd.s32 s2, s14  }
0x8e: {  	[smem:$0x3FBF] =	sst s2  }
0x8f: {  	_ = 	snop  }
0x90: {  	s2 =	sld [smem:$0x3FD0];
	_ =	sdelay $0x2  }
0x91: {  	s15 =	simm.s32 $0xB;
	s4 =	simm.s32 $0x10  }
0x92: {  	[smem:s4], [sflag:s15] =	dma.local [hbm:s2], $0x1  }
0x93: {  	_ =	swait.eq [sflag:s15], $0x1  }
0x94: {  	[sflag:s15] =	ssyncset.done $0x0  }
0x95: {  	s16 =	sld [smem:$0x11];
	[sflag:s15] =	ssyncadd.s32 $0xFFFFFFFF  }
0x96: {  	s17 =	sld [smem:$0x13];
	(tm) =	ssettm $0x1  }
0x97: {  	s18 =	sld [smem:$0x3FFB];
	_ =	sdelay $0x3  }
0x98: {  	_ =	strace s18  }
0x99: {  	s4 =	sld [smem:$0x3FFC];
	_ =	sdelay $0x3  }
0x9a: {  	_ =	strace s4  }
0x9b: {  	s4 =	sld [smem:$0x3FFD];
	_ =	sdelay $0x3  }
0x9c: {  	_ =	strace s4  }
0x9d: {  	_ =	strace $0x8FFFFFFF  }
0x9e: {  	s19 =	sld [smem:$0x3FDB];
	_ =	sdelay $0x1  }
0x9f: {  	s5 =	simm.s32 $_scs_section_size  }
0xa0: {  	s6 =	simm.s32 $_size__tile_overlayer_lowered;
	s7 =	simm.s32 $_tile_overlayer_lowered  }
0xa1: {  	s22 =	simm.s32 $0x1BFF;
	s21 =	sshll.u32 s7, $0x1;
	s4 =	sadd.s32 s5, s19  }
0xa2: {  	s8 =	simm.s32 $0x0;
	s20 =	sshll.u32 s6, $0x1;
	s6 =	sadd.s32 s21, s4  }
0xa3: {  	[timem:s8], [sflag:s22] =	dma.local [hbm:s6], s20  }
0xa4: {  	_ =	swait.ge [sflag:s22], s20  }
0xa5: {  	s5 =	ssub.s32 $0x0, s20;
	[sflag:s22] =	ssyncset.done $0x0  }
0xa6: {  	[sflag:s22] =	ssyncadd.s32 s5;
	_ =	sdelay $0x1  }
0xa7: {  	s23 =	simm.s32 $0x1B8B  }
0xa8: {  	_ =	swait.ge [sflag:s23], $0x1  }
0xa9: {  	[sflag:s23] =	ssyncset.done $0x0  }
0xaa: {  	s25 =	simm.s32 $0x1B8E;
	s24 =	sld [smem:$0x3FFE];
	[sflag:s23] =	ssyncadd.s32 $0xFFFFFFFF  }
0xab: {  	s26 =	simm.s32 $execute0_lowered;
	[smem:$0x3FD2] =	sst s25  }
0xac: {  	s6 =	sshll.u32 s26, $0x1;
	_ =	strace $0x80000055;
	[dreg:$0x1] =	wrdreg $0xFFFFFFFF  }
0xad: {  	s28 =	simm.s32 $_size_execute0_lowered;
	s4 =	sadd.s32 s4, s6;
	[dreg:$0x0] =	wrdreg $0x0  }
0xae: {  	s6 =	sshll.u32 s28, $0x1;
	[dreg:$0x2] =	wrdreg s4  }
0xaf: {  	[dreg:$0x3] =	wrdreg s6  }
0xb0: {  	[dreg:$0x4] =	wrdreg $0xC0  }
0xb1: {  	_ =	task [dreg:s8], $0x5FFFF  }
0xb2: {  	[dreg:$0x1] =	wrdreg $0xFFFFFFFF  }
0xb3: {  	[dreg:$0x0] =	wrdreg $0x60  }
0xb4: {  	[dreg:$0x2] =	wrdreg s24  }
0xb5: {  	[dreg:$0x3] =	wrdreg s16  }
0xb6: {  	[dreg:$0x4] =	wrdreg s17  }
0xb7: {  	[dreg:$0x5] =	wrdreg $0x9  }
0xb8: {  	_ =	task.clear_ibuf [dreg:s8], $0x6FFFF;
	_ =	strace $0x90000055  }
0xb9: {  	s29 =	simm.s32 $0x9;
	_ =	strace $0x80000057  }
0xba: {  	_ =	swait.ge [sflag:s29], $0x1  }
0xbb: {  	[sflag:s29] =	ssyncadd.s32 $0xFFFFFFFF  }
0xbc: {  	_ =	strace $0x90000057  }
0xbd: {  	_ =	sfence  }
0xbe: {  	s30 =	sld [smem:$0x0];
	_ =	sdelay $0x2  }
0xbf: {  	s31 =	sshll.u32 s1, $0xD;
	s1 =	sshrl.u32 s1, $0x2  }
0xc0: {  	s3 =	sand.u32 $0x4000, s31;
	s1 =	sadd.s32 s1, s30  }
0xc1: {  	s0 =	sor.u32 s3, s0;
	s1 =	sshll.u32 s1, $0x11  }
0xc2: {  	s0 =	sor.u32 s1, s0  }
0xc3: {  	s0 =	sadd.s32 $0x8F2B, s0  }
0xc4: {  	[sflag:s0] =	ssyncadd.remote.s32 $0x1  }
0xc5: {  	_ =	sfence.sel $0xFFFF  }
0xc6: {  	[dreg:$0x0] =	wrdreg $0xFFFFFFFF;
	(pc) =	sbr.abs _section_cstart, $3  }
0xc7: {  	[dreg:$0x1] =	wrdreg $0xFFFFFFFF  }
0xc8: {  	_ =	task.clear_ibuf [dreg:s8], $0x2FFFF;
	_ =	strace $0x9FFFFFFF  }
0xc9: {  	(tm) =	ssettm $0x7FFFFFFF  }
tec
execute0_lowered:
.L_overlay_start_1:
0x0: {  	(tag) =	ssettag $0x1  }
0x1: {  	s11 =	rddreg [dreg:$0x0];
	s1 =	srdreg.scid  }
0x2: {  	s2 =	rddreg [dreg:$0x1];
	s0 =	stileid.u32;
	s14 =	sand.u32 $0x1, s1  }
0x3: {  	s12 =	rddreg [dreg:$0x2];
	s4 =	sshll.u32 s0, $0xC;
	s5 =	sshll.u32 s14, $0xB  }
0x4: {  	s3 =	simm.s32 $0x0;
	s1 =	rddreg [dreg:$0x3];
	s13 =	sor.u32 s5, s4  }
0x5: {  	[smem:$0x7FF] =	sst s3;
	s4 =	sshrl.u32 s13, $0x3  }
0x6: {  	_ =	strace $0x80000056;
	s5 =	sadd.s32 s12, s4;
	s4 =	simm.s32 $0x2  }
0x7: {  	[tilespmem:s3], [sflag:$0x2] =	stream.linear.gather [hbm4b:s5+s3], $0x400, $0x38;
	[tilespmem:$0x12400] =	vst v63  }
0x8: {  	_ =	swait.ge [sflag:s4], $0x400  }
0x9: {  	s7 =	simm.s32 $0x400;
	[sflag:s4] =	ssyncset.done $0x0  }
0xa: {  	s8 =	simm.s32 $0x1;
	s6 =	sadd.s32 $0x4000, s11;
	[sflag:s4] =	ssyncadd.s32 $0xFFFFFC00  }
0xb: {  	[tilespmem:s7], [sflag:$0x1] =	stream.indirect.gather [hbm4b:s6+s7], $0x40, s3, s7, $0xb8;
	[tilespmem:$0x12400] =	vst v63  }
0xc: {  	_ =	swait.ge [sflag:s8], $0x10000  }
0xd: {  	s15 =	sadd.s32 $0xF0000, s11;
	s9 =	sshll.u32 s13, $0x3;
	[sflag:s8] =	ssyncset.done $0x0  }
0xe: {  	s9 =	sadd.s32 s15, s9;
	[sflag:s8] =	ssyncadd.s32 $0xFFFF0000  }
0xf: {  	[hbm4b:s9+s3] =	stream.linear.scatter [tilespmem:s7], [sflag:$0x2], $0x10000, $0x38;
	[tilespmem:$0x12400] =	vst v63  }
0x10: {  	_ =	swait.ge [sflag:s4], $0x10000  }
0x11: {  	[sflag:s4] =	ssyncset.done $0x0  }
0x12: {  	s10 =	simm.s32 $0x10400;
	[sflag:s4] =	ssyncadd.s32 $0xFFFF0000  }
0x13: {  	[tilespmem:s10], [sflag:$0x1] =	stream.indirect.gather [hbm4b:s2+s7], $0x8, s3, s7, $0xb8;
	[tilespmem:$0x12400] =	vst v63  }
0x14: {  	_ =	swait.ge [sflag:s8], $0x2000  }
0x15: {  	s16 =	sadd.s32 $0x170000, s11;
	[sflag:s8] =	ssyncset.done $0x0  }
0x16: {  	s11 =	sadd.s32 s16, s13;
	[sflag:s8] =	ssyncadd.s32 $0xFFFFE000  }
0x17: {  	[hbm4b:s11+s3] =	stream.linear.scatter [tilespmem:s10], [sflag:$0x2], $0x2000, $0x38;
	[tilespmem:$0x12400] =	vst v63  }
0x18: {  	s17 =	sor.u32 $0x400, s13;
	_ =	swait.ge [sflag:s4], $0x2000  }
0x19: {  	s13 =	sshrl.u32 s17, $0x3;
	[sflag:s4] =	ssyncset.done $0x0  }
0x1a: {  	s12 =	sadd.s32 s12, s13;
	[sflag:s4] =	ssyncadd.s32 $0xFFFFE000  }
0x1b: {  	[tilespmem:s3], [sflag:$0x2] =	stream.linear.gather [hbm4b:s12+s3], $0x400, $0x38;
	[tilespmem:$0x12400] =	vst v63  }
0x1c: {  	_ =	swait.ge [sflag:s4], $0x400  }
0x1d: {  	[sflag:s4] =	ssyncset.done $0x0  }
0x1e: {  	[sflag:s4] =	ssyncadd.s32 $0xFFFFFC00  }
0x1f: {  	[tilespmem:s7], [sflag:$0x1] =	stream.indirect.gather [hbm4b:s6+s7], $0x40, s3, s7, $0xb8;
	[tilespmem:$0x12400] =	vst v63  }
0x20: {  	_ =	swait.ge [sflag:s8], $0x10000  }
0x21: {  	s30 =	sshll.u32 s17, $0x3;
	[sflag:s8] =	ssyncset.done $0x0  }
0x22: {  	s14 =	ssub.s32 $0x2, s14;
	s13 =	sadd.s32 s15, s30;
	[sflag:s8] =	ssyncadd.s32 $0xFFFF0000  }
0x23: {  	[hbm4b:s13+s3] =	stream.linear.scatter [tilespmem:s7], [sflag:$0x2], $0x10000, $0x38;
	[tilespmem:$0x12400] =	vst v63  }
0x24: {  	s31 =	sshrl.u32 s14, $0x1;
	_ =	swait.ge [sflag:s4], $0x10000  }
0x25: {  	s15 =	ssub.s32 s14, s31;
	[sflag:s4] =	ssyncset.done $0x0  }
0x26: {  	s15 =	smax.u32 s15, $0x1;
	[sflag:s4] =	ssyncadd.s32 $0xFFFF0000  }
0x27: {  	[tilespmem:s10], [sflag:$0x1] =	stream.indirect.gather [hbm4b:s2+s7], $0x8, s3, s7, $0xb8;
	[tilespmem:$0x12400] =	vst v63  }
0x28: {  	p0 =	sne.s32 s15, $0x1;
	_ =	swait.ge [sflag:s8], $0x2000  }
.Ltmp0:
0x29: {  	[sflag:s8] =	ssyncset.done $0x0;
	(pc) =	sbr.rel @!p0 .LBB2_2-.Ltmp0, $4  }
0x2a: {  	s14 =	sadd.s32 s16, s17;
	[sflag:s8] =	ssyncadd.s32 $0xFFFFE000  }
0x2b: {  	[hbm4b:s14+s3] =	stream.linear.scatter [tilespmem:s10], [sflag:$0x2], $0x2000, $0x38;
	[tilespmem:$0x12400] =	vst v63  }
0x2c: {  	_ =	swait.ge [sflag:s4], $0x2000  }
0x2d: {  	s15 =	sadd.s32 $0xFFFFFFFF, s15;
	[sflag:s4] =	ssyncset.done $0x0  }
.LBB2_1:
0x2e: {  	p0 =	sne.s32 s15, $0x1;
	s15 =	sadd.s32 $0xFFFFFFFF, s15;
	[sflag:s4] =	ssyncadd.s32 $0xFFFFE000  }
0x2f: {  	[tilespmem:s3], [sflag:$0x2] =	stream.linear.gather [hbm4b:s5+s3], $0x400, $0x38;
	[tilespmem:$0x12400] =	vst v63  }
0x30: {  	_ =	swait.ge [sflag:s4], $0x400  }
0x31: {  	[sflag:s4] =	ssyncset.done $0x0  }
0x32: {  	[sflag:s4] =	ssyncadd.s32 $0xFFFFFC00  }
0x33: {  	[tilespmem:s7], [sflag:$0x1] =	stream.indirect.gather [hbm4b:s6+s7], $0x40, s3, s7, $0xb8;
	[tilespmem:$0x12400] =	vst v63  }
0x34: {  	_ =	swait.ge [sflag:s8], $0x10000  }
0x35: {  	[sflag:s8] =	ssyncset.done $0x0  }
0x36: {  	[sflag:s8] =	ssyncadd.s32 $0xFFFF0000  }
0x37: {  	[hbm4b:s9+s3] =	stream.linear.scatter [tilespmem:s7], [sflag:$0x2], $0x10000, $0x38;
	[tilespmem:$0x12400] =	vst v63  }
0x38: {  	_ =	swait.ge [sflag:s4], $0x10000  }
0x39: {  	[sflag:s4] =	ssyncset.done $0x0  }
0x3a: {  	[sflag:s4] =	ssyncadd.s32 $0xFFFF0000  }
0x3b: {  	[tilespmem:s10], [sflag:$0x1] =	stream.indirect.gather [hbm4b:s2+s7], $0x8, s3, s7, $0xb8;
	[tilespmem:$0x12400] =	vst v63  }
0x3c: {  	_ =	swait.ge [sflag:s8], $0x2000  }
0x3d: {  	[sflag:s8] =	ssyncset.done $0x0  }
0x3e: {  	[sflag:s8] =	ssyncadd.s32 $0xFFFFE000  }
0x3f: {  	[hbm4b:s11+s3] =	stream.linear.scatter [tilespmem:s10], [sflag:$0x2], $0x2000, $0x38;
	[tilespmem:$0x12400] =	vst v63  }
0x40: {  	_ =	swait.ge [sflag:s4], $0x2000  }
0x41: {  	[sflag:s4] =	ssyncset.done $0x0  }
0x42: {  	[sflag:s4] =	ssyncadd.s32 $0xFFFFE000  }
0x43: {  	[tilespmem:s3], [sflag:$0x2] =	stream.linear.gather [hbm4b:s12+s3], $0x400, $0x38;
	[tilespmem:$0x12400] =	vst v63  }
0x44: {  	_ =	swait.ge [sflag:s4], $0x400  }
0x45: {  	[sflag:s4] =	ssyncset.done $0x0  }
0x46: {  	[sflag:s4] =	ssyncadd.s32 $0xFFFFFC00  }
0x47: {  	[tilespmem:s7], [sflag:$0x1] =	stream.indirect.gather [hbm4b:s6+s7], $0x40, s3, s7, $0xb8;
	[tilespmem:$0x12400] =	vst v63  }
0x48: {  	_ =	swait.ge [sflag:s8], $0x10000  }
0x49: {  	[sflag:s8] =	ssyncset.done $0x0  }
0x4a: {  	[sflag:s8] =	ssyncadd.s32 $0xFFFF0000  }
0x4b: {  	[hbm4b:s13+s3] =	stream.linear.scatter [tilespmem:s7], [sflag:$0x2], $0x10000, $0x38;
	[tilespmem:$0x12400] =	vst v63  }
0x4c: {  	_ =	swait.ge [sflag:s4], $0x10000  }
0x4d: {  	[sflag:s4] =	ssyncset.done $0x0  }
0x4e: {  	[sflag:s4] =	ssyncadd.s32 $0xFFFF0000  }
0x4f: {  	[tilespmem:s10], [sflag:$0x1] =	stream.indirect.gather [hbm4b:s2+s7], $0x8, s3, s7, $0xb8;
	[tilespmem:$0x12400] =	vst v63  }
0x50: {  	_ =	swait.ge [sflag:s8], $0x2000  }
.Ltmp1:
0x51: {  	[sflag:s8] =	ssyncset.done $0x0;
	(pc) =	sbr.rel @p0 .LBB2_1-.Ltmp1, $4  }
0x52: {  	[sflag:s8] =	ssyncadd.s32 $0xFFFFE000  }
0x53: {  	[hbm4b:s14+s3] =	stream.linear.scatter [tilespmem:s10], [sflag:$0x2], $0x2000, $0x38;
	[tilespmem:$0x12400] =	vst v63  }
0x54: {  	_ =	swait.ge [sflag:s4], $0x2000  }
0x55: {  	[sflag:s4] =	ssyncset.done $0x0  }
.LBB2_2:
0x56: {  	[sflag:s4] =	ssyncadd.s32 $0xFFFFE000  }
0x57: {  	_ =	sfence.sel $0x180000  }
0x58: {  	[bflag:$0x0] =	sbarrier.arrive $0xFFFF  }
0x59: {  	p0 =	sne.s32 s0, $0x0;
	_ =	strace $0x90000056  }
0x5a: {  	s0 =	sadd.s32 @!p0 $0x100000, s1;
	[bflag:$0x2] =	sbarrier.arrive $0xFFFF  }
0x5b: {  	[sflag:s0] =	ssyncadd.tile.s32 @!p0 $0x1;
	_ =	shalt  }
.Lfunc_end2:
_tile_overlayer_lowered:
.L_overlay_start_2:
0x5c: {  	(tag) =	ssettag $0x2  }
0x5d: {  	s0 =	rddreg [dreg:$0x0];
	s2 =	stileid.u32  }
0x5e: {  	s1 =	rddreg [dreg:$0x1];
	p0 =	sne.s32 s2, $0x0  }
0x5f: {  	s3 =	rddreg [dreg:$0x2];
	[bflag:$0x3] =	sbarrier.arrive $0xFFFF;
	s2 =	simm.s32 @!p0 $0x1C02  }
0x60: {  	[timem:s3], [sflag:s2] =	dma.local @!p0 [hbm:s0], s1  }
0x61: {  	s0 =	simm.s32 @!p0 $0x2  }
0x62: {  	_ =	swait.ge @!p0 [sflag:s0], s1  }
0x63: {  	s1 =	ssub.s32 @!p0 $0x0, s1;
	[sflag:s0] =	ssyncset.done @!p0 $0x0  }
0x64: {  	[sflag:s0] =	ssyncadd.s32 @!p0 s1  }
0x65: {  	[bflag:$0x3] =	sbarrier.arrive $0xFFFF  }
0x66: {  	_ =	shalt  }

// kernel: kernel.7.cloned.1.call-start
scs
__scs_entry_jumppad:
0x0: {  	(pc) =	sbr.rel $0x88, $3  }
0x1: {  	(tag) =	ssettag $0x0;
	lr =	simm.s32 $0x1  }
0x2: {  	[smem:$0x3F98] =	sst lr;
	_ =	strace $0xD0000000  }
0x3: {  	_ = 	snop  }
0x4: {  	_ = 	snop  }
0x5: {  	_ = 	snop  }
0x6: {  	_ = 	snop  }
0x7: {  	_ = 	snop  }
__scs_overlays_trampoline_lowered:
0x8: {  	[smem:$0x3FA7] =	sst s0  }
0x9: {  	[smem:$0x3FA8] =	sst s1  }
0xa: {  	[smem:$0x3FA9] =	sst s2  }
0xb: {  	[smem:$0x3FAA] =	sst s3  }
0xc: {  	[smem:$0x3FAB] =	sst s4  }
0xd: {  	[smem:$0x3FAC] =	sst s5  }
0xe: {  	[smem:$0x3FAD] =	sst s6  }
0xf: {  	[smem:$0x3FAE] =	sst s7  }
0x10: {  	[smem:$0x3FAF] =	sst s8  }
0x11: {  	[smem:$0x3FB0] =	sst s9;
	s0 =	simm.s32 @!p0 $0x0  }
0x12: {  	s1 =	sld [smem:$0x3F96];
	s0 =	simm.s32 @p0 $0x1  }
0x13: {  	[smem:$0x3FB1] =	sst s0;
	s0 =	simm.s32 @!p1 $0x0  }
0x14: {  	s2 =	sld [smem:$0x3F95];
	s0 =	simm.s32 @p1 $0x1  }
0x15: {  	[smem:$0x3FB2] =	sst s0;
	s0 =	simm.s32 @!p2 $0x0  }
0x16: {  	s3 =	sld [smem:$0x3FDB];
	s0 =	simm.s32 @p2 $0x1  }
0x17: {  	s4 =	simm.s32 $0x1BF5;
	[smem:$0x3FB4] =	sst s0  }
0x18: {  	s0 =	sld [smem:$0x3F97];
	_ =	swait.ge [sflag:s4], $0x0  }
0x19: {  	s7 =	sld [smem:$0x3F98]  }
0x1a: {  	s8 =	sadd.s32 $0xFFFFE003, lr  }
0x1b: {  	s9 =	sadd.s32 $0xFFFFFEF7, lr;
	s5 =	simm.s32 $0xFFFFFFFF;
	p2 =	slt.u32 s8, $0xFFFFF086  }
0x1c: {  	p1 =	slt.u32 s9, $0xF7A;
	s5 =	simm.s32 @!p2 $0x0  }
0x1d: {  	s5 =	simm.s32 @p1 $0x1;
	p0 =	seq.s32 s7, s2  }
0x1e: {  	s7 =	smul.u32 @!p0 $0xF7A, s2;
	p2 =	seq.s32 @!p0 s5, $0x0  }
0x1f: {  	s9 =	smul.u32 $0xF7A, s1;
	s8 =	simm.s32 @!p0 $0x1BF5;
	p2 =	por !p2, p0  }
0x20: {  	[sflag:s8] =	ssyncset.s32 @!p0 $0xFFFFF086;
	s6 =	sadd.s32 @!p0 s3, s7;
	s7 =	simm.s32 @!p0 $0x108  }
0x21: {  	s3 =	sadd.s32 s3, s9;
	s6 =	sadd.s32 @!p0 $0x88, s6;
	s7 =	simm.s32 @p2 $0x1082  }
0x22: {  	[simem:s7], [sflag:s8] =	dma.local @!p0 [hbm:s6], $0xF7A  }
0x23: {  	s9 =	sor.u32 $0xD0000000, s2;
	s6 =	simm.s32 $0x108;
	_ =	swait.ge @!p0 [sflag:s8], $0x0  }
0x24: {  	s3 =	sadd.s32 $0x88, s3;
	s6 =	simm.s32 @!p1 $0x1082;
	[sflag:s4] =	ssyncset.s32 $0xFFFFF086  }
0x25: {  	[simem:s6], [sflag:s4] =	dma.local [hbm:s3], $0xF7A  }
0x26: {  	[smem:$0x3F98] =	sst s1;
	(tag) =	ssettag s2;
	_ =	strace s9  }
0x27: {  	s1 =	sld [smem:$0x3FA8]  }
0x28: {  	s2 =	sld [smem:$0x3FA9]  }
0x29: {  	s4 =	sld [smem:$0x3FAB]  }
0x2a: {  	p0 =	seq.s32 s5, $0x0;
	s5 =	sld [smem:$0x3FAC]  }
0x2b: {  	s6 =	sld [smem:$0x3FAD]  }
0x2c: {  	s7 =	sld [smem:$0x3FAE]  }
0x2d: {  	s3 =	simm.s32 $0x108;
	s8 =	sld [smem:$0x3FAF]  }
0x2e: {  	s3 =	simm.s32 @!p0 $0x1082;
	s9 =	sld [smem:$0x3FB0]  }
0x2f: {  	lr =	sadd.s32 s0, s3;
	s0 =	sld [smem:$0x3FA7]  }
0x30: {  	s3 =	sld [smem:$0x3FAA]  }
0x31: {  	[smem:$0x3FB3] =	sst s10  }
0x32: {  	s10 =	sld [smem:$0x3FB1];
	_ =	sdelay $0x3  }
0x33: {  	p0 =	seq.s32 s10, $0x1;
	s10 =	sld [smem:$0x3FB3];
	_ =	sdelay $0x3  }
0x34: {  	[smem:$0x3FB3] =	sst s10  }
0x35: {  	s10 =	sld [smem:$0x3FB2];
	_ =	sdelay $0x3  }
0x36: {  	p1 =	seq.s32 s10, $0x1;
	s10 =	sld [smem:$0x3FB3];
	_ =	sdelay $0x3  }
0x37: {  	[smem:$0x3FB3] =	sst s10  }
0x38: {  	s10 =	sld [smem:$0x3FB4]  }
0x39: {  	_ = 	snop;
	(pc) =	sbr.ind lr, $3  }
0x3a: {  	_ = 	snop  }
0x3b: {  	_ = 	snop  }
0x3c: {  	p2 =	seq.s32 s10, $0x1;
	s10 =	sld [smem:$0x3FB3]  }
0x3d: {  	_ =	shalt  }
0x3e: {  	_ =	shalt  }
0x3f: {  	_ =	shalt  }
0x40: {  	_ =	shalt  }
0x41: {  	_ =	shalt  }
0x42: {  	_ =	shalt  }
0x43: {  	_ =	shalt  }
0x44: {  	_ =	shalt  }
0x45: {  	_ =	shalt  }
0x46: {  	_ =	shalt  }
0x47: {  	_ =	shalt  }
0x48: {  	_ =	shalt  }
0x49: {  	_ =	shalt  }
0x4a: {  	_ =	shalt  }
0x4b: {  	_ =	shalt  }
0x4c: {  	_ =	shalt  }
0x4d: {  	_ =	shalt  }
0x4e: {  	_ =	shalt  }
0x4f: {  	_ =	shalt  }
0x50: {  	_ =	shalt  }
0x51: {  	_ =	shalt  }
0x52: {  	_ =	shalt  }
0x53: {  	_ =	shalt  }
0x54: {  	_ =	shalt  }
0x55: {  	_ =	shalt  }
0x56: {  	_ =	shalt  }
0x57: {  	_ =	shalt  }
0x58: {  	_ =	shalt  }
0x59: {  	_ =	shalt  }
0x5a: {  	_ =	shalt  }
0x5b: {  	_ =	shalt  }
0x5c: {  	_ =	shalt  }
0x5d: {  	_ =	shalt  }
0x5e: {  	_ =	shalt  }
0x5f: {  	_ =	shalt  }
0x60: {  	_ =	shalt  }
0x61: {  	_ =	shalt  }
0x62: {  	_ =	shalt  }
0x63: {  	_ =	shalt  }
0x64: {  	_ =	shalt  }
0x65: {  	_ =	shalt  }
0x66: {  	_ =	shalt  }
0x67: {  	_ =	shalt  }
0x68: {  	_ =	shalt  }
0x69: {  	_ =	shalt  }
0x6a: {  	_ =	shalt  }
0x6b: {  	_ =	shalt  }
0x6c: {  	_ =	shalt  }
0x6d: {  	_ =	shalt  }
0x6e: {  	_ =	shalt  }
0x6f: {  	_ =	shalt  }
0x70: {  	_ =	shalt  }
0x71: {  	_ =	shalt  }
0x72: {  	_ =	shalt  }
0x73: {  	_ =	shalt  }
0x74: {  	_ =	shalt  }
0x75: {  	_ =	shalt  }
0x76: {  	_ =	shalt  }
0x77: {  	_ =	shalt  }
0x78: {  	_ =	shalt  }
0x79: {  	_ =	shalt  }
0x7a: {  	_ =	shalt  }
0x7b: {  	_ =	shalt  }
0x7c: {  	_ =	shalt  }
0x7d: {  	_ =	shalt  }
0x7e: {  	_ =	shalt  }
0x7f: {  	_ =	shalt  }
0x80: {  	_ =	shalt  }
0x81: {  	_ =	shalt  }
0x82: {  	_ =	shalt  }
0x83: {  	_ =	shalt  }
0x84: {  	_ =	shalt  }
0x85: {  	_ =	shalt  }
0x86: {  	_ =	shalt  }
0x87: {  	_ =	shalt  }
.Lfunc_end0:
.L_simem_size_0:
called_computation.3_lowered:
.L_overlay_start_0:
0x88: {  	s2 =	sld [smem:$0x3FD9]  }
0x89: {  	s3 =	sld [smem:$0x3FFE];
	_ =	sdelay $0x1  }
0x8a: {  	s1 =	srdreg.scid  }
0x8b: {  	s0 =	sand.u32 $0x1, s1  }
0x8c: {  	s15 =	sshll.u32 s0, $0xA;
	s2 =	sadd.s32 s3, s2  }
0x8d: {  	s2 =	sadd.s32 s2, s15  }
0x8e: {  	[smem:$0x3FBF] =	sst s2  }
0x8f: {  	_ = 	snop  }
0x90: {  	s2 =	sld [smem:$0x3FD0];
	_ =	sdelay $0x2  }
0x91: {  	s16 =	simm.s32 $0xB;
	s4 =	simm.s32 $0x10  }
0x92: {  	[smem:s4], [sflag:s16] =	dma.local [hbm:s2], $0x1  }
0x93: {  	_ =	swait.eq [sflag:s16], $0x1  }
0x94: {  	[sflag:s16] =	ssyncset.done $0x0  }
0x95: {  	[sflag:s16] =	ssyncadd.s32 $0xFFFFFFFF  }
0x96: {  	s17 =	sld [smem:$0x11];
	(tm) =	ssettm $0x1  }
0x97: {  	s18 =	sld [smem:$0x3FFB];
	_ =	sdelay $0x3  }
0x98: {  	_ =	strace s18  }
0x99: {  	s2 =	sld [smem:$0x3FFC];
	_ =	sdelay $0x3  }
0x9a: {  	_ =	strace s2  }
0x9b: {  	s2 =	sld [smem:$0x3FFD];
	_ =	sdelay $0x3  }
0x9c: {  	_ =	strace s2  }
0x9d: {  	_ =	strace $0x8FFFFFFF  }
0x9e: {  	s19 =	sld [smem:$0x3FDB];
	_ =	sdelay $0x1  }
0x9f: {  	s20 =	simm.s32 $_scs_section_size  }
0xa0: {  	s5 =	simm.s32 $_size__tile_overlayer_lowered;
	s6 =	simm.s32 $_tile_overlayer_lowered  }
0xa1: {  	s7 =	simm.s32 $0x1BFF;
	s21 =	sshll.u32 s6, $0x1;
	s4 =	sadd.s32 s20, s19  }
0xa2: {  	s22 =	simm.s32 $0x0;
	s5 =	sshll.u32 s5, $0x1;
	s6 =	sadd.s32 s21, s4  }
0xa3: {  	[timem:s22], [sflag:s7] =	dma.local [hbm:s6], s5  }
0xa4: {  	_ =	swait.ge [sflag:s7], s5  }
0xa5: {  	s5 =	ssub.s32 $0x0, s5;
	[sflag:s7] =	ssyncset.done $0x0  }
0xa6: {  	[sflag:s7] =	ssyncadd.s32 s5;
	_ =	sdelay $0x1  }
0xa7: {  	s23 =	simm.s32 $0x1B8B  }
0xa8: {  	_ =	swait.ge [sflag:s23], $0x1  }
0xa9: {  	[sflag:s23] =	ssyncset.done $0x0  }
0xaa: {  	[sflag:s23] =	ssyncadd.s32 $0xFFFFFFFF  }
0xab: {  	s5 =	sld [smem:$0x0]  }
0xac: {  	s6 =	sand.u32 $0xFFFFFFFE, s1  }
0xad: {  	p0 =	sne.s32 s1, s6  }
0xae: {  	s6 =	sshll.u32 @p0 s6, $0xE  }
0xaf: {  	s6 =	sadd.s32 @p0 $0x11B8D, s6;
	s7 =	sshll.u32 @p0 s5, $0x11  }
0xb0: {  	s6 =	sor.u32 @p0 s7, s6  }
0xb1: {  	[sflag:s6] =	ssyncadd.remote.s32 @p0 $0x1;
	_ =	sdelay $0x1  }
0xb2: {  	s6 =	simm.s32 @p0 $0x1B8D  }
0xb3: {  	_ =	swait.eq @p0 [sflag:s6], $0x1  }
0xb4: {  	[sflag:s6] =	ssyncadd.s32 @p0 $0xFFFFFFFF  }
0xb5: {  	s7 =	sshll.u32 @!p0 s1, $0xE  }
0xb6: {  	s7 =	sor.u32 @!p0 $0x4000, s7;
	s6 =	simm.s32 @!p0 $0x1B8D  }
0xb7: {  	s5 =	sshll.u32 @!p0 s5, $0x11;
	s7 =	sadd.s32 @!p0 $0x11B8D, s7;
	_ =	swait.eq @!p0 [sflag:s6], $0x1  }
0xb8: {  	s5 =	sor.u32 @!p0 s5, s7;
	[sflag:s6] =	ssyncadd.s32 @!p0 $0xFFFFFFFF  }
0xb9: {  	s25 =	simm.s32 $0x1B8E;
	s24 =	sld [smem:$0x3FFE];
	[sflag:s5] =	ssyncadd.remote.s32 @!p0 $0x1  }
0xba: {  	s26 =	simm.s32 $execute0_lowered;
	[smem:$0x3FD2] =	sst s25  }
0xbb: {  	s6 =	sshll.u32 s26, $0x1;
	_ =	strace $0x8000004F;
	[dreg:$0x1] =	wrdreg $0xFFFFFFFF  }
0xbc: {  	s28 =	simm.s32 $_size_execute0_lowered;
	s4 =	sadd.s32 s4, s6;
	[dreg:$0x0] =	wrdreg $0x0  }
0xbd: {  	s6 =	sshll.u32 s28, $0x1;
	[dreg:$0x2] =	wrdreg s4  }
0xbe: {  	[dreg:$0x3] =	wrdreg s6  }
0xbf: {  	[dreg:$0x4] =	wrdreg $0xC0  }
0xc0: {  	_ =	task [dreg:s22], $0x5FFFF  }
0xc1: {  	[dreg:$0x1] =	wrdreg $0xFFFFFFFF  }
0xc2: {  	[dreg:$0x0] =	wrdreg $0x60  }
0xc3: {  	[dreg:$0x2] =	wrdreg s24  }
0xc4: {  	[dreg:$0x3] =	wrdreg s17  }
0xc5: {  	[dreg:$0x4] =	wrdreg $0x110000  }
0xc6: {  	[dreg:$0x5] =	wrdreg $0x9  }
0xc7: {  	_ =	task.clear_ibuf [dreg:s22], $0x6FFFF;
	_ =	strace $0x9000004F  }
0xc8: {  	s29 =	simm.s32 $0x9;
	_ =	strace $0x80000051  }
0xc9: {  	_ =	swait.ge [sflag:s29], $0x1  }
0xca: {  	[sflag:s29] =	ssyncadd.s32 $0xFFFFFFFF  }
0xcb: {  	_ =	strace $0x90000051  }
0xcc: {  	_ =	sfence  }
0xcd: {  	s30 =	sld [smem:$0x0];
	_ =	sdelay $0x2  }
0xce: {  	s31 =	sshll.u32 s1, $0xD;
	s1 =	sshrl.u32 s1, $0x2  }
0xcf: {  	s4 =	sand.u32 $0x4000, s31;
	s1 =	sadd.s32 s1, s30  }
0xd0: {  	s0 =	sor.u32 s4, s0;
	s1 =	sshll.u32 s1, $0x11  }
0xd1: {  	s0 =	sor.u32 s1, s0  }
0xd2: {  	s0 =	sadd.s32 $0x8F2B, s0  }
0xd3: {  	[sflag:s0] =	ssyncadd.remote.s32 $0x1  }
0xd4: {  	_ =	sfence.sel $0xFFFF  }
0xd5: {  	[dreg:$0x0] =	wrdreg $0xFFFFFFFF;
	(pc) =	sbr.abs _section_cstart, $3  }
0xd6: {  	[dreg:$0x1] =	wrdreg $0xFFFFFFFF  }
0xd7: {  	_ =	task.clear_ibuf [dreg:s22], $0x2FFFF;
	_ =	strace $0x9FFFFFFF  }
0xd8: {  	(tm) =	ssettm $0x7FFFFFFF  }
0xd9: {  	_ =	shalt  }
tec
execute0_lowered:
.L_overlay_start_1:
0x0: {  	(tag) =	ssettag $0x1  }
0x1: {  	s0 =	rddreg [dreg:$0x0]  }
0x2: {  	s1 =	rddreg [dreg:$0x1]  }
0x3: {  	s2 =	rddreg [dreg:$0x2];
	s22 =	stileid.u32  }
0x4: {  	s6 =	srdreg.scid;
	s3 =	simm.s32 $0x0;
	s28 =	simm.s32 $0x2  }
0x5: {  	s29 =	simm.s32 $0x8000;
	s30 =	simm.s32 $0x1000;
	s31 =	simm.s32 $0x9000  }
0x6: {  	s4 =	sshll.u32 s22, $0x10;
	s5 =	smul.u32 $0xEC00, s22;
	s21 =	sand.u32 $0x1, s6  }
0x7: {  	s18 =	sadd.s32 $0x221800, s0;
	[smem:$0x7FF] =	sst s3;
	s24 =	sshll.u32 s22, $0x6  }
0x8: {  	s26 =	sadd.s32 s4, s0;
	s7 =	sshll.u32 s21, $0xF;
	s14 =	ssub.s32 $0x2, s21  }
0x9: {  	p0 =	sne.s32 s21, $0x0;
	s13 =	sshrl.u32 s5, $0x3;
	s4 =	sor.u32 s7, s4  }
0xa: {  	s15 =	sshrl.u32 s14, $0x1;
	s21 =	sadd.s32 s5, s2;
	s5 =	sadd.s32 $0x4000, s26  }
0xb: {  	s0 =	sadd.s32 s13, s0;
	s8 =	sshrl.u32 s4, $0x3;
	s9 =	sor.u32 $0x1000, s4  }
0xc: {  	s25 =	ssub.s32 s14, s15;
	s19 =	sadd.s32 s18, s4;
	s10 =	sor.u32 $0x2000, s4  }
0xd: {  	s11 =	sor.u32 $0x3000, s4;
	s13 =	sor.u32 $0x4000, s4;
	s15 =	sor.u32 $0x5000, s4  }
0xe: {  	s16 =	sadd.s32 s1, s8;
	s17 =	sshrl.u32 s9, $0x3;
	[dreg:$0x5] =	wrdreg s19  }
0xf: {  	s7 =	sadd.s32 s18, s9;
	s20 =	sshrl.u32 s10, $0x3;
	s12 =	sshrl.u32 s11, $0x3  }
0x10: {  	s9 =	sadd.s32 s18, s10;
	s23 =	sshrl.u32 s13, $0x3;
	s11 =	sadd.s32 s18, s11  }
0x11: {  	s13 =	sadd.s32 s18, s13;
	s14 =	sshrl.u32 s15, $0x3;
	s15 =	sadd.s32 s18, s15  }
0x12: {  	s25 =	smax.u32 s25, $0x1;
	[dreg:$0x4] =	wrdreg s16;
	s6 =	sadd.s32 s1, s17  }
0x13: {  	s8 =	sadd.s32 s1, s20;
	s10 =	sadd.s32 s1, s12;
	s12 =	sadd.s32 s1, s23  }
0x14: {  	s17 =	sor.u32 $0x6000, s4;
	s14 =	sadd.s32 s1, s14;
	s4 =	sor.u32 $0x7000, s4  }
0x15: {  	s20 =	sshll.u32 s22, $0xD;
	s22 =	sor.u32 $0x1C02, s24;
	s23 =	sadd.s32 $0x204000, s0  }
0x16: {  	s24 =	sadd.s32 $0x321800, s0;
	s0 =	simm.s32 $0x1;
	[dreg:$0x6] =	wrdreg s6  }
0x17: {  	s16 =	sshrl.u32 s17, $0x3;
	s17 =	sadd.s32 s18, s17;
	s18 =	sadd.s32 s18, s4  }
0x18: {  	s4 =	sshrl.u32 s4, $0x3;
	s20 =	sadd.s32 s20, s1;
	s16 =	sadd.s32 s1, s16  }
0x19: {  	s19 =	sadd.s32 s1, s4;
	_ =	strace $0x80000050;
	s1 =	simm.s32 $0x0  }
.LBB2_1:
0x1a: {  	s4 =	sshrl.u32 s21, $0x3  }
0x1b: {  	[spmem:s4], [sflag:s22] =	dma.local [hbm:s23], $0x1D80  }
0x1c: {  	_ =	swait.ge [sflag:s28], $0x1D80  }
0x1d: {  	[sflag:s28] =	ssyncset.done $0x0  }
0x1e: {  	[sflag:s28] =	ssyncadd.s32 $0xFFFFE280  }
0x1f: {  	[bflag:$0x0] =	sbarrier.arrive $0xFFFF  }
0x20: {  	[tilespmem:s3], [sflag:$0x2] =	stream.linear.gather [hbm4b:s5+s3], $0x8000, $0x38;
	[tilespmem:$0x1FC00] =	vst v63  }
0x21: {  	_ =	swait.ge [sflag:s28], $0x8000  }
0x22: {  	[sflag:s28] =	ssyncset.done $0x0  }
0x23: {  	s26 =	sadd.s32 $0x0, s20;
	[sflag:s28] =	ssyncadd.s32 $0xFFFF8000  }
0x24: {  	[tilespmem:s29], [sflag:$0x2] =	stream.linear.gather [hbm4b:s26+s3], $0x1000, $0x38;
	[tilespmem:$0x1FC00] =	vst v63  }
0x25: {  	_ =	swait.ge [sflag:s28], $0x1000  }
0x26: {  	[sflag:s28] =	ssyncset.done $0x0  }
0x27: {  	[sflag:s28] =	ssyncadd.s32 $0xFFFFF000  }
0x28: {  	[spmem:s2] =	stream.indirect.scatter.add.f32 [tilespmem:s3], [sflag:$0x2], $0x8, s29, s30, $0xb8;
	[tilespmem:$0x1FC00] =	vst v63  }
0x29: {  	_ =	swait.ge [sflag:s28], $0x8000  }
0x2a: {  	s4 =	simm.s32 $0x200;
	s26 =	smov.u32 s5;
	[sflag:s28] =	ssyncset.done $0x0  }
.LBB2_2:
0x2b: {  	p1 =	sne.s32 s4, $0x1E00;
	[sflag:s28] =	ssyncadd.s32 $0xFFFF8000;
	s26 =	sadd.s32 $0x1000, s26  }
0x2c: {  	[tilespmem:s3], [sflag:$0x2] =	stream.linear.gather [hbm4b:s26+s3], $0x8000, $0x38;
	[tilespmem:$0x1FC00] =	vst v63  }
0x2d: {  	s6 =	smov.u32 s4;
	s4 =	sadd.s32 $0x200, s4;
	_ =	swait.ge [sflag:s28], $0x8000  }
0x2e: {  	[sflag:s28] =	ssyncset.done $0x0  }
0x2f: {  	s6 =	sadd.s32 s6, s20;
	[sflag:s28] =	ssyncadd.s32 $0xFFFF8000  }
0x30: {  	[tilespmem:s29], [sflag:$0x2] =	stream.linear.gather [hbm4b:s6+s3], $0x1000, $0x38;
	[tilespmem:$0x1FC00] =	vst v63  }
0x31: {  	_ =	swait.ge [sflag:s28], $0x1000  }
.Ltmp0:
0x32: {  	[sflag:s28] =	ssyncset.done $0x0;
	(pc) =	sbr.rel @p1 .LBB2_2-.Ltmp0, $4  }
0x33: {  	[sflag:s28] =	ssyncadd.s32 $0xFFFFF000  }
0x34: {  	[spmem:s2] =	stream.indirect.scatter.add.f32 [tilespmem:s3], [sflag:$0x2], $0x8, s29, s30, $0xb8;
	[tilespmem:$0x1FC00] =	vst v63  }
0x35: {  	_ =	swait.ge [sflag:s28], $0x8000  }
0x36: {  	[sflag:s28] =	ssyncset.done $0x0  }
0x37: {  	[sflag:s28] =	ssyncadd.s32 $0xFFFF8000  }
0x38: {  	s4 =	sshrl.u32 @!p0 s21, $0x3;
	[bflag:$0x0] =	sbarrier.arrive $0xFFFF  }
0x39: {  	[hbm:s24], [sflag:s22] =	dma.local @!p0 [spmem:s4], $0x1D80  }
0x3a: {  	s4 =	simm.s32 @!p0 $0x2  }
0x3b: {  	_ =	swait.ge @!p0 [sflag:s4], $0x1D80  }
0x3c: {  	[sflag:s4] =	ssyncset.done @!p0 $0x0  }
0x3d: {  	s26 =	rddreg [dreg:$0x4];
	[sflag:s4] =	ssyncadd.s32 @!p0 $0xFFFFE280  }
0x3e: {  	[tilespmem:s29], [sflag:$0x2] =	stream.linear.gather [hbm4b:s26+s3], $0x1000, $0x38;
	[tilespmem:$0x1FC00] =	vst v63  }
0x3f: {  	_ =	swait.ge [sflag:s28], $0x1000  }
0x40: {  	[sflag:s28] =	ssyncset.done $0x0  }
0x41: {  	[sflag:s28] =	ssyncadd.s32 $0xFFFFF000  }
0x42: {  	[tilespmem:s31], [sflag:$0x1] =	stream.indirect.gather [spmem:s2], $0x8, s29, s30, $0xb8;
	[tilespmem:$0x1FC00] =	vst v63  }
0x43: {  	_ =	swait.ge [sflag:s0], $0x8000  }
0x44: {  	[sflag:s0] =	ssyncset.done $0x0  }
0x45: {  	s6 =	rddreg [dreg:$0x5];
	[sflag:s0] =	ssyncadd.s32 $0xFFFF8000  }
0x46: {  	[hbm4b:s6+s3] =	stream.linear.scatter [tilespmem:s31], [sflag:$0x2], $0x8000, $0x38;
	[tilespmem:$0x1FC00] =	vst v63  }
0x47: {  	_ =	swait.ge [sflag:s28], $0x8000  }
0x48: {  	[sflag:s28] =	ssyncset.done $0x0  }
0x49: {  	s26 =	rddreg [dreg:$0x6];
	[sflag:s28] =	ssyncadd.s32 $0xFFFF8000  }
0x4a: {  	[tilespmem:s29], [sflag:$0x2] =	stream.linear.gather [hbm4b:s26+s3], $0x1000, $0x38;
	[tilespmem:$0x1FC00] =	vst v63  }
0x4b: {  	_ =	swait.ge [sflag:s28], $0x1000  }
0x4c: {  	[sflag:s28] =	ssyncset.done $0x0  }
0x4d: {  	[sflag:s28] =	ssyncadd.s32 $0xFFFFF000  }
0x4e: {  	[tilespmem:s31], [sflag:$0x1] =	stream.indirect.gather [spmem:s2], $0x8, s29, s30, $0xb8;
	[tilespmem:$0x1FC00] =	vst v63  }
0x4f: {  	_ =	swait.ge [sflag:s0], $0x8000  }
0x50: {  	[sflag:s0] =	ssyncset.done $0x0  }
0x51: {  	[sflag:s0] =	ssyncadd.s32 $0xFFFF8000  }
0x52: {  	[hbm4b:s7+s3] =	stream.linear.scatter [tilespmem:s31], [sflag:$0x2], $0x8000, $0x38;
	[tilespmem:$0x1FC00] =	vst v63  }
0x53: {  	_ =	swait.ge [sflag:s28], $0x8000  }
0x54: {  	[sflag:s28] =	ssyncset.done $0x0  }
0x55: {  	[sflag:s28] =	ssyncadd.s32 $0xFFFF8000  }
0x56: {  	[tilespmem:s29], [sflag:$0x2] =	stream.linear.gather [hbm4b:s8+s3], $0x1000, $0x38;
	[tilespmem:$0x1FC00] =	vst v63  }
0x57: {  	_ =	swait.ge [sflag:s28], $0x1000  }
0x58: {  	[sflag:s28] =	ssyncset.done $0x0  }
0x59: {  	[sflag:s28] =	ssyncadd.s32 $0xFFFFF000  }
0x5a: {  	[tilespmem:s31], [sflag:$0x1] =	stream.indirect.gather [spmem:s2], $0x8, s29, s30, $0xb8;
	[tilespmem:$0x1FC00] =	vst v63  }
0x5b: {  	_ =	swait.ge [sflag:s0], $0x8000  }
0x5c: {  	[sflag:s0] =	ssyncset.done $0x0  }
0x5d: {  	[sflag:s0] =	ssyncadd.s32 $0xFFFF8000  }
0x5e: {  	[hbm4b:s9+s3] =	stream.linear.scatter [tilespmem:s31], [sflag:$0x2], $0x8000, $0x38;
	[tilespmem:$0x1FC00] =	vst v63  }
0x5f: {  	_ =	swait.ge [sflag:s28], $0x8000  }
0x60: {  	[sflag:s28] =	ssyncset.done $0x0  }
0x61: {  	[sflag:s28] =	ssyncadd.s32 $0xFFFF8000  }
0x62: {  	[tilespmem:s29], [sflag:$0x2] =	stream.linear.gather [hbm4b:s10+s3], $0x1000, $0x38;
	[tilespmem:$0x1FC00] =	vst v63  }
0x63: {  	_ =	swait.ge [sflag:s28], $0x1000  }
0x64: {  	[sflag:s28] =	ssyncset.done $0x0  }
0x65: {  	[sflag:s28] =	ssyncadd.s32 $0xFFFFF000  }
0x66: {  	[tilespmem:s31], [sflag:$0x1] =	stream.indirect.gather [spmem:s2], $0x8, s29, s30, $0xb8;
	[tilespmem:$0x1FC00] =	vst v63  }
0x67: {  	_ =	swait.ge [sflag:s0], $0x8000  }
0x68: {  	[sflag:s0] =	ssyncset.done $0x0  }
0x69: {  	[sflag:s0] =	ssyncadd.s32 $0xFFFF8000  }
0x6a: {  	[hbm4b:s11+s3] =	stream.linear.scatter [tilespmem:s31], [sflag:$0x2], $0x8000, $0x38;
	[tilespmem:$0x1FC00] =	vst v63  }
0x6b: {  	_ =	swait.ge [sflag:s28], $0x8000  }
0x6c: {  	[sflag:s28] =	ssyncset.done $0x0  }
0x6d: {  	[sflag:s28] =	ssyncadd.s32 $0xFFFF8000  }
0x6e: {  	[tilespmem:s29], [sflag:$0x2] =	stream.linear.gather [hbm4b:s12+s3], $0x1000, $0x38;
	[tilespmem:$0x1FC00] =	vst v63  }
0x6f: {  	_ =	swait.ge [sflag:s28], $0x1000  }
0x70: {  	[sflag:s28] =	ssyncset.done $0x0  }
0x71: {  	[sflag:s28] =	ssyncadd.s32 $0xFFFFF000  }
0x72: {  	[tilespmem:s31], [sflag:$0x1] =	stream.indirect.gather [spmem:s2], $0x8, s29, s30, $0xb8;
	[tilespmem:$0x1FC00] =	vst v63  }
0x73: {  	_ =	swait.ge [sflag:s0], $0x8000  }
0x74: {  	[sflag:s0] =	ssyncset.done $0x0  }
0x75: {  	[sflag:s0] =	ssyncadd.s32 $0xFFFF8000  }
0x76: {  	[hbm4b:s13+s3] =	stream.linear.scatter [tilespmem:s31], [sflag:$0x2], $0x8000, $0x38;
	[tilespmem:$0x1FC00] =	vst v63  }
0x77: {  	_ =	swait.ge [sflag:s28], $0x8000  }
0x78: {  	[sflag:s28] =	ssyncset.done $0x0  }
0x79: {  	[sflag:s28] =	ssyncadd.s32 $0xFFFF8000  }
0x7a: {  	[tilespmem:s29], [sflag:$0x2] =	stream.linear.gather [hbm4b:s14+s3], $0x1000, $0x38;
	[tilespmem:$0x1FC00] =	vst v63  }
0x7b: {  	_ =	swait.ge [sflag:s28], $0x1000  }
0x7c: {  	[sflag:s28] =	ssyncset.done $0x0  }
0x7d: {  	[sflag:s28] =	ssyncadd.s32 $0xFFFFF000  }
0x7e: {  	[tilespmem:s31], [sflag:$0x1] =	stream.indirect.gather [spmem:s2], $0x8, s29, s30, $0xb8;
	[tilespmem:$0x1FC00] =	vst v63  }
0x7f: {  	_ =	swait.ge [sflag:s0], $0x8000  }
0x80: {  	[sflag:s0] =	ssyncset.done $0x0  }
0x81: {  	[sflag:s0] =	ssyncadd.s32 $0xFFFF8000  }
0x82: {  	[hbm4b:s15+s3] =	stream.linear.scatter [tilespmem:s31], [sflag:$0x2], $0x8000, $0x38;
	[tilespmem:$0x1FC00] =	vst v63  }
0x83: {  	_ =	swait.ge [sflag:s28], $0x8000  }
0x84: {  	[sflag:s28] =	ssyncset.done $0x0  }
0x85: {  	[sflag:s28] =	ssyncadd.s32 $0xFFFF8000  }
0x86: {  	[tilespmem:s29], [sflag:$0x2] =	stream.linear.gather [hbm4b:s16+s3], $0x1000, $0x38;
	[tilespmem:$0x1FC00] =	vst v63  }
0x87: {  	_ =	swait.ge [sflag:s28], $0x1000  }
0x88: {  	[sflag:s28] =	ssyncset.done $0x0  }
0x89: {  	[sflag:s28] =	ssyncadd.s32 $0xFFFFF000  }
0x8a: {  	[tilespmem:s31], [sflag:$0x1] =	stream.indirect.gather [spmem:s2], $0x8, s29, s30, $0xb8;
	[tilespmem:$0x1FC00] =	vst v63  }
0x8b: {  	_ =	swait.ge [sflag:s0], $0x8000  }
0x8c: {  	[sflag:s0] =	ssyncset.done $0x0  }
0x8d: {  	[sflag:s0] =	ssyncadd.s32 $0xFFFF8000  }
0x8e: {  	[hbm4b:s17+s3] =	stream.linear.scatter [tilespmem:s31], [sflag:$0x2], $0x8000, $0x38;
	[tilespmem:$0x1FC00] =	vst v63  }
0x8f: {  	_ =	swait.ge [sflag:s28], $0x8000  }
0x90: {  	[sflag:s28] =	ssyncset.done $0x0  }
0x91: {  	[sflag:s28] =	ssyncadd.s32 $0xFFFF8000  }
0x92: {  	[tilespmem:s29], [sflag:$0x2] =	stream.linear.gather [hbm4b:s19+s3], $0x1000, $0x38;
	[tilespmem:$0x1FC00] =	vst v63  }
0x93: {  	_ =	swait.ge [sflag:s28], $0x1000  }
0x94: {  	[sflag:s28] =	ssyncset.done $0x0  }
0x95: {  	[sflag:s28] =	ssyncadd.s32 $0xFFFFF000  }
0x96: {  	[tilespmem:s31], [sflag:$0x1] =	stream.indirect.gather [spmem:s2], $0x8, s29, s30, $0xb8;
	[tilespmem:$0x1FC00] =	vst v63  }
0x97: {  	s1 =	sadd.s32 $0x1, s1;
	_ =	swait.ge [sflag:s0], $0x8000  }
0x98: {  	p1 =	sne.s32 s1, s25;
	[sflag:s0] =	ssyncset.done $0x0  }
.Ltmp1:
0x99: {  	[sflag:s0] =	ssyncadd.s32 $0xFFFF8000;
	(pc) =	sbr.rel @p1 .LBB2_1-.Ltmp1, $4  }
0x9a: {  	[hbm4b:s18+s3] =	stream.linear.scatter [tilespmem:s31], [sflag:$0x2], $0x8000, $0x38;
	[tilespmem:$0x1FC00] =	vst v63  }
0x9b: {  	_ =	swait.ge [sflag:s28], $0x8000  }
0x9c: {  	[sflag:s28] =	ssyncset.done $0x0  }
0x9d: {  	[sflag:s28] =	ssyncadd.s32 $0xFFFF8000  }
0x9e: {  	_ =	sfence.sel $0x180000  }
0x9f: {  	[bflag:$0x0] =	sbarrier.arrive $0xFFFF  }
0xa0: {  	_ =	strace $0x90000050  }
0xa1: {  	s0 =	stileid.u32;
	[bflag:$0x2] =	sbarrier.arrive $0xFFFF  }
0xa2: {  	p0 =	sne.s32 s0, $0x0;
	s0 =	rddreg [dreg:$0x3]  }
0xa3: {  	s0 =	sadd.s32 @!p0 $0x100000, s0  }
0xa4: {  	[sflag:s0] =	ssyncadd.tile.s32 @!p0 $0x1;
	_ =	shalt  }
.Lfunc_end2:
_tile_overlayer_lowered:
.L_overlay_start_2:
0xa5: {  	(tag) =	ssettag $0x2  }
0xa6: {  	s0 =	rddreg [dreg:$0x0];
	s2 =	stileid.u32  }
0xa7: {  	s1 =	rddreg [dreg:$0x1];
	p0 =	sne.s32 s2, $0x0  }
0xa8: {  	s3 =	rddreg [dreg:$0x2];
	[bflag:$0x3] =	sbarrier.arrive $0xFFFF;
	s2 =	simm.s32 @!p0 $0x1C02  }
0xa9: {  	[timem:s3], [sflag:s2] =	dma.local @!p0 [hbm:s0], s1  }
0xaa: {  	s0 =	simm.s32 @!p0 $0x2  }
0xab: {  	_ =	swait.ge @!p0 [sflag:s0], s1  }
0xac: {  	s1 =	ssub.s32 @!p0 $0x0, s1;
	[sflag:s0] =	ssyncset.done @!p0 $0x0  }
0xad: {  	[sflag:s0] =	ssyncadd.s32 @!p0 s1  }
0xae: {  	[bflag:$0x3] =	sbarrier.arrive $0xFFFF  }
0xaf: {  	_ =	shalt  }

// kernel: sparse-core-data-format-call.1.cloned.1.call-start
scs
called_computation.1_lowered:
.L_overlay_start_0:
0x0: {  	s2 =	sld [smem:$0x3FD9]  }
0x1: {  	s3 =	sld [smem:$0x3FFE];
	_ =	sdelay $0x1  }
0x2: {  	s1 =	srdreg.scid  }
0x3: {  	s0 =	sand.u32 $0x1, s1  }
0x4: {  	s18 =	sshll.u32 s0, $0xA;
	s2 =	sadd.s32 s3, s2  }
0x5: {  	s2 =	sadd.s32 s2, s18  }
0x6: {  	[smem:$0x3FBF] =	sst s2  }
0x7: {  	_ = 	snop  }
0x8: {  	(tm) =	ssettm $0x1  }
0x9: {  	s19 =	sld [smem:$0x3FFB];
	_ =	sdelay $0x3  }
0xa: {  	_ =	strace s19  }
0xb: {  	s2 =	sld [smem:$0x3FFC];
	_ =	sdelay $0x3  }
0xc: {  	_ =	strace s2  }
0xd: {  	s2 =	sld [smem:$0x3FFD];
	_ =	sdelay $0x3  }
0xe: {  	_ =	strace s2  }
0xf: {  	_ =	strace $0x8FFFFFFF  }
0x10: {  	s20 =	sld [smem:$0x3FDB];
	_ =	sdelay $0x1  }
0x11: {  	s21 =	simm.s32 $_scs_section_size  }
0x12: {  	s4 =	simm.s32 $_size__tile_overlayer_lowered;
	s5 =	simm.s32 $_tile_overlayer_lowered  }
0x13: {  	s6 =	simm.s32 $0x1BFF;
	s22 =	sshll.u32 s5, $0x1;
	s3 =	sadd.s32 s21, s20  }
0x14: {  	s23 =	simm.s32 $0x0;
	s4 =	sshll.u32 s4, $0x1;
	s5 =	sadd.s32 s22, s3  }
0x15: {  	[timem:s23], [sflag:s6] =	dma.local [hbm:s5], s4  }
0x16: {  	_ =	swait.ge [sflag:s6], s4  }
0x17: {  	s4 =	ssub.s32 $0x0, s4;
	[sflag:s6] =	ssyncset.done $0x0  }
0x18: {  	[sflag:s6] =	ssyncadd.s32 s4;
	_ =	sdelay $0x1  }
0x19: {  	s24 =	simm.s32 $0x1B8B  }
0x1a: {  	_ =	swait.ge [sflag:s24], $0x1  }
0x1b: {  	[sflag:s24] =	ssyncset.done $0x0  }
0x1c: {  	[sflag:s24] =	ssyncadd.s32 $0xFFFFFFFF  }
0x1d: {  	s4 =	sld [smem:$0x0]  }
0x1e: {  	s5 =	sand.u32 $0xFFFFFFFE, s1  }
0x1f: {  	p0 =	sne.s32 s1, s5  }
0x20: {  	s5 =	sshll.u32 @p0 s5, $0xE  }
0x21: {  	s5 =	sadd.s32 @p0 $0x11B8D, s5;
	s6 =	sshll.u32 @p0 s4, $0x11  }
0x22: {  	s5 =	sor.u32 @p0 s6, s5  }
0x23: {  	[sflag:s5] =	ssyncadd.remote.s32 @p0 $0x1;
	_ =	sdelay $0x1  }
0x24: {  	s5 =	simm.s32 @p0 $0x1B8D  }
0x25: {  	_ =	swait.eq @p0 [sflag:s5], $0x1  }
0x26: {  	[sflag:s5] =	ssyncadd.s32 @p0 $0xFFFFFFFF  }
0x27: {  	s6 =	sshll.u32 @!p0 s1, $0xE  }
0x28: {  	s6 =	sor.u32 @!p0 $0x4000, s6;
	s5 =	simm.s32 @!p0 $0x1B8D  }
0x29: {  	s4 =	sshll.u32 @!p0 s4, $0x11;
	s6 =	sadd.s32 @!p0 $0x11B8D, s6;
	_ =	swait.eq @!p0 [sflag:s5], $0x1  }
0x2a: {  	s4 =	sor.u32 @!p0 s4, s6;
	[sflag:s5] =	ssyncadd.s32 @!p0 $0xFFFFFFFF  }
0x2b: {  	s26 =	simm.s32 $0x1B8E;
	s25 =	sld [smem:$0x3FFE];
	[sflag:s4] =	ssyncadd.remote.s32 @!p0 $0x1  }
0x2c: {  	s27 =	simm.s32 $execute0_lowered;
	[smem:$0x3FD2] =	sst s26  }
0x2d: {  	s5 =	sshll.u32 s27, $0x1;
	_ =	strace $0x8000004C;
	[dreg:$0x1] =	wrdreg $0xFFFFFFFF  }
0x2e: {  	s28 =	simm.s32 $_size_execute0_lowered;
	s3 =	sadd.s32 s3, s5;
	[dreg:$0x0] =	wrdreg $0x0  }
0x2f: {  	s5 =	sshll.u32 s28, $0x1;
	[dreg:$0x2] =	wrdreg s3  }
0x30: {  	[dreg:$0x3] =	wrdreg s5  }
0x31: {  	[dreg:$0x4] =	wrdreg $0xC0  }
0x32: {  	_ =	task [dreg:s23], $0x5FFFF  }
0x33: {  	[dreg:$0x1] =	wrdreg $0xFFFFFFFF  }
0x34: {  	[dreg:$0x0] =	wrdreg $0x60  }
0x35: {  	[dreg:$0x2] =	wrdreg s25  }
0x36: {  	[dreg:$0x3] =	wrdreg $0xA  }
0x37: {  	_ =	task.clear_ibuf [dreg:s23], $0x4FFFF;
	_ =	strace $0x9000004C  }
0x38: {  	s29 =	simm.s32 $0xA;
	_ =	strace $0x8000004E  }
0x39: {  	_ =	swait.ge [sflag:s29], $0x1  }
0x3a: {  	[sflag:s29] =	ssyncadd.s32 $0xFFFFFFFF  }
0x3b: {  	_ =	strace $0x9000004E  }
0x3c: {  	_ =	sfence  }
0x3d: {  	s30 =	sld [smem:$0x0];
	_ =	sdelay $0x2  }
0x3e: {  	s31 =	sshll.u32 s1, $0xD;
	s1 =	sshrl.u32 s1, $0x2  }
0x3f: {  	s4 =	sand.u32 $0x4000, s31;
	s1 =	sadd.s32 s1, s30  }
0x40: {  	s0 =	sor.u32 s4, s0;
	s1 =	sshll.u32 s1, $0x11  }
0x41: {  	s0 =	sor.u32 s1, s0  }
0x42: {  	s0 =	sadd.s32 $0x8F2B, s0  }
0x43: {  	[sflag:s0] =	ssyncadd.remote.s32 $0x1  }
0x44: {  	_ =	sfence.sel $0xFFFF  }
0x45: {  	[dreg:$0x0] =	wrdreg $0xFFFFFFFF;
	(pc) =	sbr.abs _section_cstart, $3  }
0x46: {  	[dreg:$0x1] =	wrdreg $0xFFFFFFFF  }
0x47: {  	_ =	task.clear_ibuf [dreg:s23], $0x2FFFF;
	_ =	strace $0x9FFFFFFF  }
0x48: {  	(tm) =	ssettm $0x7FFFFFFF  }
0x49: {  	_ =	shalt  }
tec
execute0_lowered:
.L_overlay_start_1:
0x0: {  	(tag) =	ssettag $0x1  }
0x1: {  	s1 =	rddreg [dreg:$0x0]  }
0x2: {  	s2 =	srdreg.scid;
	s0 =	rddreg [dreg:$0x1]  }
0x3: {  	_ =	strace $0x8000004D;
	s5 =	simm.s32 $0x1;
	s9 =	simm.s32 $0x2  }
0x4: {  	s14 =	simm.s32 $0x0;
	p0 =	por $0x0, $0x0;
	s15 =	simm.s32 $0x0  }
0x5: {  	s16 =	simm.s32 $0x0;
	s11 =	simm.s32 $0x0;
	s13 =	stileid.u32  }
0x6: {  	s10 =	simm.s32 $0x0;
	s2 =	sand.u32 $0x1, s2;
	s3 =	sadd.s32 $0x104000, s1  }
.Ltmp0:
0x7: {  	s4 =	sadd.s32 $0x1204000, s1;
	s6 =	ssub.s32 $0x8, s2;
	(pc) =	sbr.rel .LBB1_1-.Ltmp0, $4  }
0x8: {  	s1 =	stileid.u32;
	[sflag:s5] =	ssyncpa.u1 $0x0;
	s7 =	sshrl.u32 s6, $0x1  }
0x9: {  	[sflag:s9] =	ssyncpa.u1 $0x0;
	s9 =	simm.s32 $0x400;
	s8 =	sadd.s32 s2, s7  }
0xa: {  	s12 =	smov.u32 s2;
	s6 =	ssub.s32 s6, s7;
	s31 =	sshll.u32 s8, $0x2  }
0xb: {  	s6 =	sshll.u32 s6, $0x2;
	s8 =	simm.s32 $0x80;
	s7 =	ssub.s32 $0x22, s31  }
.LBB1_4:
0xc: {  	_ =	sdelay $0x3  }
0xd: {  	[tilespmem:v0+s18+$0xFFFFFFA0 ss:$0x1] =	vst.idx.msk $0xffff, v6  }
0xe: {  	v56 =	vld.idx.msk [tilespmem:v1+s19+$0x30 ss:$0x1], $0xffff;
	[tilespmem:v0+s18+$0xFFFFFFB0 ss:$0x1] =	vst.idx.msk $0xffff, v4  }
0xf: {  	v57 =	vld.idx.msk [tilespmem:v1+s19+$0xFFFFFFC0 ss:$0x1], $0xffff;
	[tilespmem:v0+s18+$0xFFFFFFC0 ss:$0x1] =	vst.idx.msk $0xffff, v2  }
0x10: {  	v58 =	vld.idx.msk [tilespmem:v1+s19+$0xFFFFFFD0 ss:$0x1], $0xffff;
	[tilespmem:v0+s18+$0xFFFFFFD0 ss:$0x1] =	vst.idx.msk $0xffff, v3  }
0x11: {  	v59 =	vld.idx.msk [tilespmem:v1+s19+$0xFFFFFFE0 ss:$0x1], $0xffff;
	[tilespmem:v0+s18+$0xFFFFFFE0 ss:$0x1] =	vst.idx.msk $0xffff, v5  }
0x12: {  	v60 =	vld.idx.msk [tilespmem:v1+s19+$0xFFFFFFF0 ss:$0x1], $0xffff;
	[tilespmem:v0+s18+$0xFFFFFFF0 ss:$0x1] =	vst.idx.msk $0xffff, v7  }
0x13: {  	v61 =	vld.idx.msk [tilespmem:v1+s19+$0x0 ss:$0x1], $0xffff;
	[tilespmem:v0+s19+$0x0 ss:$0x1] =	vst.idx.msk $0xffff, v56  }
0x14: {  	v62 =	vld.idx.msk [tilespmem:v1+s19+$0x10 ss:$0x1], $0xffff;
	[tilespmem:v0+s19+$0xFFFFFF90 ss:$0x1] =	vst.idx.msk $0xffff, v57  }
0x15: {  	v63 =	vld.idx.msk [tilespmem:v1+s19+$0x20 ss:$0x1], $0xffff;
	[tilespmem:v0+s19+$0xFFFFFFA0 ss:$0x1] =	vst.idx.msk $0xffff, v58  }
0x16: {  	[tilespmem:v0+s19+$0xFFFFFFB0 ss:$0x1] =	vst.idx.msk $0xffff, v59  }
0x17: {  	s16 =	sshll.u32 s16, $0x10;
	[tilespmem:v0+s19+$0xFFFFFFC0 ss:$0x1] =	vst.idx.msk $0xffff, v60  }
0x18: {  	s14 =	sshll.u32 s14, $0x7;
	s15 =	sshll.u32 s15, $0x4;
	s16 =	sadd.s32 s4, s16;
	[tilespmem:v0+s19+$0xFFFFFFD0 ss:$0x1] =	vst.idx.msk $0xffff, v61  }
0x19: {  	s15 =	sand.u32 $0x70, s15;
	s14 =	sadd.s32 s14, s16;
	[tilespmem:v0+s19+$0xFFFFFFE0 ss:$0x1] =	vst.idx.msk $0xffff, v62  }
0x1a: {  	s14 =	sadd.s32 s15, s14;
	[tilespmem:v0+s19+$0xFFFFFFF0 ss:$0x1] =	vst.idx.msk $0xffff, v63  }
0x1b: {  	[hbm4b:s14+s8] =	stream.strided.scatter [tilespmem:s17], [sflag:$0x2], $0x4000, s9, s8, $0x38;
	[tilespmem:$0x10000] =	vst v63  }
.LBB1_5:
0x1c: {  	s17 =	sadd.s32 $0x80, s11  }
0x1d: {  	s14 =	sadd.s32 $0x2, s12;
	s18 =	smov.u32 s12;
	p2 =	sgt.s32 s17, $0x1FF  }
0x1e: {  	s18 =	smov.u32 @p2 s14  }
0x1f: {  	s20 =	smov.u32 s13;
	s14 =	sadd.s32 $0x10, s13;
	p3 =	sgt.s32 s18, $0x7  }
0x20: {  	p1 =	slt.u32 s10, $0x2;
	s20 =	smov.u32 @p3 s14  }
0x21: {  	s10 =	sadd.s32 $0x1, s10;
	s17 =	simm.s32 @p2 $0x0;
	p2 =	sgt.s32 s20, $0xF  }
0x22: {  	s20 =	smov.u32 @p2 s1;
	p2 =	sne.s32 s10, s7  }
.Ltmp1:
0x23: {  	s19 =	simm.s32 @!p1 $0x2;
	(pc) =	sbr.rel @!p2 .LBB1_6-.Ltmp1, $4  }
0x24: {  	s15 =	smov.u32 s12;
	_ =	swait.ge @!p1 [sflag:s19], $0x4000  }
0x25: {  	s16 =	smov.u32 s13;
	p0 =	por !p0, !p0;
	[sflag:s19] =	ssyncset.done @!p1 $0x0  }
0x26: {  	s18 =	smov.u32 @p3 s2;
	s14 =	smov.u32 s11;
	[sflag:s19] =	ssyncadd.s32 @!p1 $0xFFFFC000  }
0x27: {  	s11 =	smov.u32 s17;
	s12 =	smov.u32 s18;
	s13 =	smov.u32 s20  }
.LBB1_1:
0x28: {  	p1 =	sge.u32 s10, s6  }
0x29: {  	s31 =	sadd.s32 $0xFFFFFFFF, s10;
	s17 =	sxor.u32 @!p1 $0xFFFFFFFF, s10;
	s18 =	sshll.u32 @!p1 s13, $0x10  }
0x2a: {  	s19 =	sshll.u32 @!p1 s12, $0xD;
	s20 =	sshll.u32 @!p1 s11, $0x4;
	s18 =	sadd.s32 @!p1 s3, s18  }
0x2b: {  	s17 =	sshll.u32 @!p1 s17, $0xE;
	s20 =	sand.u32 @!p1 $0x1FF0, s20;
	s18 =	sadd.s32 @!p1 s19, s18  }
0x2c: {  	s17 =	sand.u32 @!p1 $0x4000, s17;
	s19 =	simm.s32 @!p1 $0x0;
	s18 =	sadd.s32 @!p1 s20, s18  }
0x2d: {  	[tilespmem:s17], [sflag:$0x1] =	stream.linear.gather @!p1 [hbm4b:s18+s19], $0x4000, $0x38;
	[tilespmem:$0x10000] =	vst v63  }
0x2e: {  	p1 =	sge.u32 s31, s6  }
.Ltmp2:
0x2f: {  	_ = 	snop;
	(pc) =	sbr.rel @p1 .LBB1_5-.Ltmp2, $1  }
0x30: {  	_ =	sdelay $0x3  }
0x31: {  	s17 =	simm.s32 $0x1  }
0x32: {  	s17 =	simm.s32 @!p0 $0x0  }
0x33: {  	s17 =	sshll.u32 s17, $0xE  }
0x34: {  	s18 =	sor.u32 $0x40, s17  }
0x35: {  	v1 =	vmov s18;
	_ =	sdelay $0x1  }
0x36: {  	_ =	swait.ge [sflag:s5], $0x4000  }
0x37: {  	[sflag:s5] =	ssyncset.done $0x0  }
0x38: {  	[sflag:s5] =	ssyncadd.s32 $0xFFFFC000;
	s18 =	simm.s32 $0x0  }
0x39: {  	s17 =	sor.u32 $0x8070, s17;
	v7 =	vld.idx.msk [tilespmem:v1+s18+$0x30 ss:$0x1], $0xffff  }
0x3a: {  	v0 =	vmov s17;
	v8 =	vld.idx.msk [tilespmem:v1+s18+$0xFFFFFFC0 ss:$0x1], $0xffff  }
0x3b: {  	v6 =	vld.idx.msk [tilespmem:v1+s18+$0xFFFFFFD0 ss:$0x1], $0xffff  }
0x3c: {  	v4 =	vld.idx.msk [tilespmem:v1+s18+$0xFFFFFFE0 ss:$0x1], $0xffff  }
0x3d: {  	v2 =	vld.idx.msk [tilespmem:v1+s18+$0xFFFFFFF0 ss:$0x1], $0xffff  }
0x3e: {  	s31 =	sshll.u32 s10, $0xE;
	v3 =	vld.idx.msk [tilespmem:v1+s18+$0x0 ss:$0x1], $0xffff  }
0x3f: {  	s17 =	sand.u32 $0x4000, s31;
	v5 =	vld.idx.msk [tilespmem:v1+s18+$0x10 ss:$0x1], $0xffff;
	[tilespmem:v0+s18+$0x0 ss:$0x1] =	vst.idx.msk $0xffff, v7  }
0x40: {  	s19 =	simm.s32 $0x80;
	s20 =	simm.s32 $0x400;
	s17 =	sor.u32 $0x8000, s17;
	[tilespmem:v0+s18+$0xFFFFFF90 ss:$0x1] =	vst.idx.msk $0xffff, v8;
	v7 =	vld.idx.msk [tilespmem:v1+s18+$0x20 ss:$0x1], $0xffff  }
.LBB1_3:
0x41: {  	p1 =	sne.s32 s20, $0xFE00;
	v8 =	vld.idx.msk [tilespmem:v1+s19+$0x30 ss:$0x1], $0xffff;
	[tilespmem:v0+s18+$0xFFFFFFA0 ss:$0x1] =	vst.idx.msk $0xffff, v6  }
0x42: {  	v9 =	vld.idx.msk [tilespmem:v1+s19+$0xFFFFFFC0 ss:$0x1], $0xffff;
	[tilespmem:v0+s18+$0xFFFFFFB0 ss:$0x1] =	vst.idx.msk $0xffff, v4  }
0x43: {  	v6 =	vld.idx.msk [tilespmem:v1+s19+$0xFFFFFFD0 ss:$0x1], $0xffff;
	[tilespmem:v0+s18+$0xFFFFFFC0 ss:$0x1] =	vst.idx.msk $0xffff, v2  }
.Ltmp3:
0x44: {  	v4 =	vld.idx.msk [tilespmem:v1+s19+$0xFFFFFFE0 ss:$0x1], $0xffff;
	[tilespmem:v0+s18+$0xFFFFFFD0 ss:$0x1] =	vst.idx.msk $0xffff, v3;
	(pc) =	sbr.rel @p1 .LBB1_3-.Ltmp3, $4  }
0x45: {  	v2 =	vld.idx.msk [tilespmem:v1+s19+$0xFFFFFFF0 ss:$0x1], $0xffff;
	[tilespmem:v0+s18+$0xFFFFFFE0 ss:$0x1] =	vst.idx.msk $0xffff, v5  }
0x46: {  	v3 =	vld.idx.msk [tilespmem:v1+s19+$0x0 ss:$0x1], $0xffff;
	[tilespmem:v0+s18+$0xFFFFFFF0 ss:$0x1] =	vst.idx.msk $0xffff, v7;
	s18 =	smov.u32 s19  }
0x47: {  	v5 =	vld.idx.msk [tilespmem:v1+s18+$0x10 ss:$0x1], $0xffff;
	[tilespmem:v0+s18+$0x0 ss:$0x1] =	vst.idx.msk $0xffff, v8  }
0x48: {  	s19 =	sshra.s32 s20, $0x2;
	s20 =	sadd.s32 $0x200, s20;
	[tilespmem:v0+s18+$0xFFFFFF90 ss:$0x1] =	vst.idx.msk $0xffff, v9;
	v7 =	vld.idx.msk [tilespmem:v1+s18+$0x20 ss:$0x1], $0xffff  }
.Ltmp4:
0x49: {  	_ = 	snop;
	(pc) =	sbr.rel .LBB1_4-.Ltmp4, $1  }
0x4a: {  	_ =	sdelay $0x3  }
.LBB1_6:
0x4b: {  	_ =	sfence.sel $0x180000  }
0x4c: {  	s2 =	simm.s32 $0x1;
	[bflag:$0x0] =	sbarrier.arrive $0xFFFF  }
0x4d: {  	s31 =	simm.s32 $0x2;
	[sflag:s2] =	ssyncpa.u1 $0x1  }
0x4e: {  	[sflag:s31] =	ssyncpa.u1 $0x1  }
0x4f: {  	p0 =	sne.s32 s1, $0x0;
	_ =	strace $0x9000004D  }
0x50: {  	s0 =	sadd.s32 @!p0 $0x100000, s0;
	[bflag:$0x2] =	sbarrier.arrive $0xFFFF  }
0x51: {  	[sflag:s0] =	ssyncadd.tile.s32 @!p0 $0x1;
	_ =	shalt  }
.Lfunc_end1:
_tile_overlayer_lowered:
.L_overlay_start_2:
0x52: {  	(tag) =	ssettag $0x2  }
0x53: {  	s0 =	rddreg [dreg:$0x0];
	s2 =	stileid.u32  }
0x54: {  	s1 =	rddreg [dreg:$0x1];
	p0 =	sne.s32 s2, $0x0  }
0x55: {  	s3 =	rddreg [dreg:$0x2];
	[bflag:$0x3] =	sbarrier.arrive $0xFFFF;
	s2 =	simm.s32 @!p0 $0x1C01  }
0x56: {  	[timem:s3], [sflag:s2] =	dma.local @!p0 [hbm:s0], s1  }
0x57: {  	s0 =	simm.s32 @!p0 $0x1  }
0x58: {  	_ =	swait.ge @!p0 [sflag:s0], s1  }
0x59: {  	s1 =	ssub.s32 @!p0 $0x0, s1;
	[sflag:s0] =	ssyncset.done @!p0 $0x0  }
0x5a: {  	[sflag:s0] =	ssyncadd.s32 @!p0 s1  }
0x5b: {  	[bflag:$0x3] =	sbarrier.arrive $0xFFFF  }
0x5c: {  	_ =	shalt  }

// kernel: sparse-core-data-format-call.2.cloned.1.call-start
scs
called_computation.2_lowered:
.L_overlay_start_0:
0x0: {  	s1 =	sld [smem:$0x3FD9]  }
0x1: {  	s2 =	sld [smem:$0x3FFE];
	_ =	sdelay $0x1  }
0x2: {  	s3 =	srdreg.scid  }
0x3: {  	s0 =	sand.u32 $0x1, s3  }
0x4: {  	s17 =	sshll.u32 s0, $0xA;
	s1 =	sadd.s32 s2, s1  }
0x5: {  	s1 =	sadd.s32 s1, s17  }
0x6: {  	[smem:$0x3FBF] =	sst s1  }
0x7: {  	_ = 	snop  }
0x8: {  	(tm) =	ssettm $0x1  }
0x9: {  	s18 =	sld [smem:$0x3FFB];
	_ =	sdelay $0x3  }
0xa: {  	_ =	strace s18  }
0xb: {  	s1 =	sld [smem:$0x3FFC];
	_ =	sdelay $0x3  }
0xc: {  	_ =	strace s1  }
0xd: {  	s1 =	sld [smem:$0x3FFD];
	_ =	sdelay $0x3  }
0xe: {  	_ =	strace s1  }
0xf: {  	_ =	strace $0x8FFFFFFF  }
0x10: {  	s19 =	sld [smem:$0x3FDB];
	_ =	sdelay $0x1  }
0x11: {  	s20 =	simm.s32 $_scs_section_size  }
0x12: {  	s4 =	simm.s32 $_size__tile_overlayer_lowered;
	s5 =	simm.s32 $_tile_overlayer_lowered  }
0x13: {  	s23 =	simm.s32 $0x1BFF;
	s22 =	sshll.u32 s5, $0x1;
	s1 =	sadd.s32 s20, s19  }
0x14: {  	s6 =	simm.s32 $0x0;
	s21 =	sshll.u32 s4, $0x1;
	s4 =	sadd.s32 s22, s1  }
0x15: {  	[timem:s6], [sflag:s23] =	dma.local [hbm:s4], s21  }
0x16: {  	_ =	swait.ge [sflag:s23], s21  }
0x17: {  	s2 =	ssub.s32 $0x0, s21;
	[sflag:s23] =	ssyncset.done $0x0  }
0x18: {  	[sflag:s23] =	ssyncadd.s32 s2;
	_ =	sdelay $0x1  }
0x19: {  	s24 =	simm.s32 $0x1B8B  }
0x1a: {  	_ =	swait.ge [sflag:s24], $0x1  }
0x1b: {  	[sflag:s24] =	ssyncset.done $0x0  }
0x1c: {  	s26 =	simm.s32 $0x1B8E;
	s25 =	sld [smem:$0x3FFE];
	[sflag:s24] =	ssyncadd.s32 $0xFFFFFFFF  }
0x1d: {  	s27 =	simm.s32 $execute0_lowered;
	[smem:$0x3FD2] =	sst s26  }
0x1e: {  	s4 =	sshll.u32 s27, $0x1;
	_ =	strace $0x80000046;
	[dreg:$0x1] =	wrdreg $0xFFFFFFFF  }
0x1f: {  	s28 =	simm.s32 $_size_execute0_lowered;
	s1 =	sadd.s32 s1, s4;
	[dreg:$0x0] =	wrdreg $0x0  }
0x20: {  	s4 =	sshll.u32 s28, $0x1;
	[dreg:$0x2] =	wrdreg s1  }
0x21: {  	[dreg:$0x3] =	wrdreg s4  }
0x22: {  	[dreg:$0x4] =	wrdreg $0xC0  }
0x23: {  	_ =	task [dreg:s6], $0x5FFFF  }
0x24: {  	[dreg:$0x1] =	wrdreg $0xFFFFFFFF  }
0x25: {  	[dreg:$0x0] =	wrdreg $0x60  }
0x26: {  	[dreg:$0x2] =	wrdreg s25  }
0x27: {  	[dreg:$0x3] =	wrdreg $0xA  }
0x28: {  	_ =	task.clear_ibuf [dreg:s6], $0x4FFFF;
	_ =	strace $0x90000046  }
0x29: {  	s29 =	simm.s32 $0xA;
	_ =	strace $0x80000048  }
0x2a: {  	_ =	swait.ge [sflag:s29], $0x1  }
0x2b: {  	[sflag:s29] =	ssyncadd.s32 $0xFFFFFFFF  }
0x2c: {  	_ =	strace $0x90000048  }
0x2d: {  	_ =	sfence  }
0x2e: {  	s30 =	sld [smem:$0x0];
	_ =	sdelay $0x2  }
0x2f: {  	s31 =	sshll.u32 s3, $0xD;
	s3 =	sshrl.u32 s3, $0x2  }
0x30: {  	s2 =	sand.u32 $0x4000, s31;
	s1 =	sadd.s32 s3, s30  }
0x31: {  	s0 =	sor.u32 s2, s0;
	s1 =	sshll.u32 s1, $0x11  }
0x32: {  	s0 =	sor.u32 s1, s0  }
0x33: {  	s0 =	sadd.s32 $0x8F2B, s0  }
0x34: {  	[sflag:s0] =	ssyncadd.remote.s32 $0x1  }
0x35: {  	_ =	sfence.sel $0xFFFF  }
0x36: {  	[dreg:$0x0] =	wrdreg $0xFFFFFFFF;
	(pc) =	sbr.abs _section_cstart, $3  }
0x37: {  	[dreg:$0x1] =	wrdreg $0xFFFFFFFF  }
0x38: {  	_ =	task.clear_ibuf [dreg:s6], $0x2FFFF;
	_ =	strace $0x9FFFFFFF  }
0x39: {  	(tm) =	ssettm $0x7FFFFFFF  }
tec
execute0_lowered:
.L_overlay_start_1:
0x0: {  	(tag) =	ssettag $0x1  }
0x1: {  	s1 =	rddreg [dreg:$0x0]  }
0x2: {  	s0 =	rddreg [dreg:$0x1];
	_ =	strace $0x80000047  }
0x3: {  	s4 =	srdreg.scid;
	s6 =	simm.s32 $0x2;
	s10 =	simm.s32 $0x0  }
.Ltmp0:
0x4: {  	p0 =	por $0x0, $0x0;
	s7 =	simm.s32 $0x10000;
	(pc) =	sbr.rel .LBB1_1-.Ltmp0, $4  }
0x5: {  	s2 =	sadd.s32 $0x4000, s1;
	s3 =	sadd.s32 $0x104000, s1;
	s4 =	sshll.u32 s4, $0x4  }
0x6: {  	s1 =	stileid.u32;
	s5 =	sand.u32 $0x10, s4;
	s4 =	simm.s32 $0x1  }
0x7: {  	s8 =	simm.s32 $0x0;
	s5 =	sor.u32 s1, s5;
	[sflag:s4] =	ssyncpa.u1 $0x0  }
0x8: {  	[sflag:s6] =	ssyncpa.u1 $0x0;
	s6 =	simm.s32 $0x80;
	s9 =	smov.u32 s5  }
.LBB1_7:
0x9: {  	s12 =	sadd.s32 $0x20, s9  }
0xa: {  	p1 =	slt.u32 s8, $0x2;
	s8 =	sadd.s32 $0x1, s8;
	p2 =	sgt.s32 s12, $0x1FF  }
0xb: {  	s12 =	smov.u32 @p2 s5;
	p2 =	sne.s32 s8, $0x12  }
.Ltmp1:
0xc: {  	_ = 	snop;
	(pc) =	sbr.rel @!p2 .LBB1_8-.Ltmp1, $4  }
0xd: {  	s11 =	simm.s32 @!p1 $0x2  }
0xe: {  	_ =	swait.ge @!p1 [sflag:s11], $0x4000  }
0xf: {  	s10 =	smov.u32 s9;
	[sflag:s11] =	ssyncset.done @!p1 $0x0  }
0x10: {  	p0 =	por !p0, !p0;
	s9 =	smov.u32 s12;
	[sflag:s11] =	ssyncadd.s32 @!p1 $0xFFFFC000  }
.LBB1_1:
0x11: {  	p1 =	sgt.u32 s8, $0xF  }
0x12: {  	s11 =	sxor.u32 @!p1 $0xFFFFFFFF, s8  }
0x13: {  	s12 =	sshll.u32 @!p1 s9, $0xB;
	s11 =	sshll.u32 @!p1 s11, $0xE  }
0x14: {  	s13 =	simm.s32 @!p1 $0x0;
	s12 =	sadd.s32 @!p1 s2, s12;
	s11 =	sand.u32 @!p1 $0x4000, s11  }
0x15: {  	[tilespmem:s11], [sflag:$0x1] =	stream.linear.gather @!p1 [hbm4b:s12+s13], $0x4000, $0x38;
	[tilespmem:$0x10000] =	vst v63  }
0x16: {  	p1 =	seq.s32 s8, $0x0  }
0x17: {  	p2 =	seq.s32 @!p1 s8, $0x11  }
0x18: {  	p1 =	por p1, p2  }
.Ltmp2:
0x19: {  	_ = 	snop;
	(pc) =	sbr.rel @p1 .LBB1_7-.Ltmp2, $1  }
0x1a: {  	_ =	sdelay $0x3  }
0x1b: {  	s11 =	simm.s32 $0x1;
	_ =	swait.ge [sflag:s4], $0x4000;
	s14 =	sshll.u32 s8, $0xE  }
0x1c: {  	s11 =	simm.s32 @!p0 $0x0;
	[sflag:s4] =	ssyncset.done $0x0;
	s31 =	sand.u32 $0x4000, s14  }
0x1d: {  	s14 =	simm.s32 $0x0;
	s12 =	sshll.u32 s11, $0xE;
	[sflag:s4] =	ssyncadd.s32 $0xFFFFC000  }
0x1e: {  	s11 =	sor.u32 $0x70, s12;
	s13 =	sor.u32 $0x8040, s12;
	s12 =	sor.u32 $0x8000, s31  }
.LBB1_3:
0x1f: {  	v1 =	vmov s11;
	_ =	sdelay $0x3  }
0x20: {  	s15 =	simm.s32 $0x0  }
0x21: {  	v7 =	vld.idx.msk [tilespmem:v1+s15+$0x0 ss:$0x1], $0xffff  }
0x22: {  	v0 =	vmov s13;
	v8 =	vld.idx.msk [tilespmem:v1+s15+$0xFFFFFF90 ss:$0x1], $0xffff  }
0x23: {  	v6 =	vld.idx.msk [tilespmem:v1+s15+$0xFFFFFFA0 ss:$0x1], $0xffff  }
0x24: {  	v5 =	vld.idx.msk [tilespmem:v1+s15+$0xFFFFFFB0 ss:$0x1], $0xffff  }
0x25: {  	v4 =	vld.idx.msk [tilespmem:v1+s15+$0xFFFFFFC0 ss:$0x1], $0xffff  }
0x26: {  	v2 =	vld.idx.msk [tilespmem:v1+s15+$0xFFFFFFD0 ss:$0x1], $0xffff  }
0x27: {  	v3 =	vld.idx.msk [tilespmem:v1+s15+$0xFFFFFFE0 ss:$0x1], $0xffff;
	[tilespmem:v0+s15+$0x30 ss:$0x1] =	vst.idx.msk $0xffff, v7  }
0x28: {  	s16 =	simm.s32 $0x80;
	s17 =	simm.s32 $0x400;
	[tilespmem:v0+s15+$0xFFFFFFC0 ss:$0x1] =	vst.idx.msk $0xffff, v8;
	v7 =	vld.idx.msk [tilespmem:v1+s15+$0xFFFFFFF0 ss:$0x1], $0xffff  }
.LBB1_4:
0x29: {  	p1 =	sne.s32 s17, $0xE00;
	v8 =	vld.idx.msk [tilespmem:v1+s16+$0x0 ss:$0x1], $0xffff;
	[tilespmem:v0+s15+$0xFFFFFFD0 ss:$0x1] =	vst.idx.msk $0xffff, v6  }
0x2a: {  	v9 =	vld.idx.msk [tilespmem:v1+s16+$0xFFFFFF90 ss:$0x1], $0xffff;
	[tilespmem:v0+s15+$0xFFFFFFE0 ss:$0x1] =	vst.idx.msk $0xffff, v5  }
0x2b: {  	v6 =	vld.idx.msk [tilespmem:v1+s16+$0xFFFFFFA0 ss:$0x1], $0xffff;
	[tilespmem:v0+s15+$0xFFFFFFF0 ss:$0x1] =	vst.idx.msk $0xffff, v4  }
.Ltmp3:
0x2c: {  	v5 =	vld.idx.msk [tilespmem:v1+s16+$0xFFFFFFB0 ss:$0x1], $0xffff;
	[tilespmem:v0+s15+$0x0 ss:$0x1] =	vst.idx.msk $0xffff, v2;
	(pc) =	sbr.rel @p1 .LBB1_4-.Ltmp3, $4  }
0x2d: {  	v4 =	vld.idx.msk [tilespmem:v1+s16+$0xFFFFFFC0 ss:$0x1], $0xffff;
	[tilespmem:v0+s15+$0x10 ss:$0x1] =	vst.idx.msk $0xffff, v3  }
0x2e: {  	v2 =	vld.idx.msk [tilespmem:v1+s16+$0xFFFFFFD0 ss:$0x1], $0xffff;
	[tilespmem:v0+s15+$0x20 ss:$0x1] =	vst.idx.msk $0xffff, v7;
	s15 =	smov.u32 s16  }
0x2f: {  	v3 =	vld.idx.msk [tilespmem:v1+s15+$0xFFFFFFE0 ss:$0x1], $0xffff;
	[tilespmem:v0+s15+$0x30 ss:$0x1] =	vst.idx.msk $0xffff, v8  }
0x30: {  	s16 =	sshra.s32 s17, $0x2;
	s17 =	sadd.s32 $0x200, s17;
	[tilespmem:v0+s15+$0xFFFFFFC0 ss:$0x1] =	vst.idx.msk $0xffff, v9;
	v7 =	vld.idx.msk [tilespmem:v1+s15+$0xFFFFFFF0 ss:$0x1], $0xffff  }
0x31: {  	_ =	sdelay $0x3  }
0x32: {  	[tilespmem:v0+s15+$0xFFFFFFD0 ss:$0x1] =	vst.idx.msk $0xffff, v6  }
0x33: {  	v56 =	vld.idx.msk [tilespmem:v1+s16+$0x0 ss:$0x1], $0xffff;
	[tilespmem:v0+s15+$0xFFFFFFE0 ss:$0x1] =	vst.idx.msk $0xffff, v5  }
0x34: {  	v57 =	vld.idx.msk [tilespmem:v1+s16+$0xFFFFFF90 ss:$0x1], $0xffff;
	[tilespmem:v0+s15+$0xFFFFFFF0 ss:$0x1] =	vst.idx.msk $0xffff, v4  }
0x35: {  	v58 =	vld.idx.msk [tilespmem:v1+s16+$0xFFFFFFA0 ss:$0x1], $0xffff;
	[tilespmem:v0+s15+$0x0 ss:$0x1] =	vst.idx.msk $0xffff, v2  }
0x36: {  	v59 =	vld.idx.msk [tilespmem:v1+s16+$0xFFFFFFB0 ss:$0x1], $0xffff;
	[tilespmem:v0+s15+$0x10 ss:$0x1] =	vst.idx.msk $0xffff, v3  }
0x37: {  	v60 =	vld.idx.msk [tilespmem:v1+s16+$0xFFFFFFC0 ss:$0x1], $0xffff;
	[tilespmem:v0+s15+$0x20 ss:$0x1] =	vst.idx.msk $0xffff, v7  }
0x38: {  	v61 =	vld.idx.msk [tilespmem:v1+s16+$0xFFFFFFD0 ss:$0x1], $0xffff;
	[tilespmem:v0+s16+$0x30 ss:$0x1] =	vst.idx.msk $0xffff, v56  }
0x39: {  	v62 =	vld.idx.msk [tilespmem:v1+s16+$0xFFFFFFE0 ss:$0x1], $0xffff;
	s14 =	sadd.s32 $0x1, s14;
	[tilespmem:v0+s16+$0xFFFFFFC0 ss:$0x1] =	vst.idx.msk $0xffff, v57  }
0x3a: {  	v63 =	vld.idx.msk [tilespmem:v1+s16+$0xFFFFFFF0 ss:$0x1], $0xffff;
	p1 =	sne.s32 s14, $0x10;
	[tilespmem:v0+s16+$0xFFFFFFD0 ss:$0x1] =	vst.idx.msk $0xffff, v58  }
.Ltmp4:
0x3b: {  	[tilespmem:v0+s16+$0xFFFFFFE0 ss:$0x1] =	vst.idx.msk $0xffff, v59;
	(pc) =	sbr.rel @p1 .LBB1_3-.Ltmp4, $4  }
0x3c: {  	[tilespmem:v0+s16+$0xFFFFFFF0 ss:$0x1] =	vst.idx.msk $0xffff, v60  }
0x3d: {  	[tilespmem:v0+s16+$0x0 ss:$0x1] =	vst.idx.msk $0xffff, v61  }
0x3e: {  	[tilespmem:v0+s16+$0x10 ss:$0x1] =	vst.idx.msk $0xffff, v62  }
0x3f: {  	s11 =	sadd.s32 $0x400, s11;
	s13 =	sadd.s32 $0x400, s13;
	[tilespmem:v0+s16+$0x20 ss:$0x1] =	vst.idx.msk $0xffff, v63  }
.Ltmp5:
0x40: {  	(pc) =	sbr.rel .LBB1_7-.Ltmp5, $4  }
0x41: {  	s10 =	sshll.u32 s10, $0x4  }
0x42: {  	s10 =	sand.u32 $0x1FF0, s10  }
0x43: {  	s10 =	sadd.s32 s3, s10  }
0x44: {  	[hbm4b:s10+s6] =	stream.strided.scatter [tilespmem:s12], [sflag:$0x2], $0x4000, s7, s6, $0x38;
	[tilespmem:$0x10000] =	vst v63  }
.LBB1_8:
0x45: {  	_ =	sfence.sel $0x180000  }
0x46: {  	s2 =	simm.s32 $0x1;
	[bflag:$0x0] =	sbarrier.arrive $0xFFFF  }
0x47: {  	s31 =	simm.s32 $0x2;
	[sflag:s2] =	ssyncpa.u1 $0x1  }
0x48: {  	[sflag:s31] =	ssyncpa.u1 $0x1  }
0x49: {  	p0 =	sne.s32 s1, $0x0;
	_ =	strace $0x90000047  }
0x4a: {  	s0 =	sadd.s32 @!p0 $0x100000, s0;
	[bflag:$0x2] =	sbarrier.arrive $0xFFFF  }
0x4b: {  	[sflag:s0] =	ssyncadd.tile.s32 @!p0 $0x1;
	_ =	shalt  }
.Lfunc_end1:
_tile_overlayer_lowered:
.L_overlay_start_2:
0x4c: {  	(tag) =	ssettag $0x2  }
0x4d: {  	s0 =	rddreg [dreg:$0x0];
	s2 =	stileid.u32  }
0x4e: {  	s1 =	rddreg [dreg:$0x1];
	p0 =	sne.s32 s2, $0x0  }
0x4f: {  	s3 =	rddreg [dreg:$0x2];
	[bflag:$0x3] =	sbarrier.arrive $0xFFFF;
	s2 =	simm.s32 @!p0 $0x1C01  }
0x50: {  	[timem:s3], [sflag:s2] =	dma.local @!p0 [hbm:s0], s1  }
0x51: {  	s0 =	simm.s32 @!p0 $0x1  }
0x52: {  	_ =	swait.ge @!p0 [sflag:s0], s1  }
0x53: {  	s1 =	ssub.s32 @!p0 $0x0, s1;
	[sflag:s0] =	ssyncset.done @!p0 $0x0  }
0x54: {  	[sflag:s0] =	ssyncadd.s32 @!p0 s1  }
0x55: {  	[bflag:$0x3] =	sbarrier.arrive $0xFFFF  }
0x56: {  	_ =	shalt  }

// kernel: sparse-core-data-format-call.cloned.1.call-start
scs
called_computation_lowered:
.L_overlay_start_0:
0x0: {  	s2 =	sld [smem:$0x3FD9]  }
0x1: {  	s3 =	sld [smem:$0x3FFE];
	_ =	sdelay $0x1  }
0x2: {  	s1 =	srdreg.scid  }
0x3: {  	s0 =	sand.u32 $0x1, s1  }
0x4: {  	s18 =	sshll.u32 s0, $0xA;
	s2 =	sadd.s32 s3, s2  }
0x5: {  	s2 =	sadd.s32 s2, s18  }
0x6: {  	[smem:$0x3FBF] =	sst s2  }
0x7: {  	_ = 	snop  }
0x8: {  	(tm) =	ssettm $0x1  }
0x9: {  	s19 =	sld [smem:$0x3FFB];
	_ =	sdelay $0x3  }
0xa: {  	_ =	strace s19  }
0xb: {  	s2 =	sld [smem:$0x3FFC];
	_ =	sdelay $0x3  }
0xc: {  	_ =	strace s2  }
0xd: {  	s2 =	sld [smem:$0x3FFD];
	_ =	sdelay $0x3  }
0xe: {  	_ =	strace s2  }
0xf: {  	_ =	strace $0x8FFFFFFF  }
0x10: {  	s20 =	sld [smem:$0x3FDB];
	_ =	sdelay $0x1  }
0x11: {  	s21 =	simm.s32 $_scs_section_size  }
0x12: {  	s4 =	simm.s32 $_size__tile_overlayer_lowered;
	s5 =	simm.s32 $_tile_overlayer_lowered  }
0x13: {  	s6 =	simm.s32 $0x1BFF;
	s22 =	sshll.u32 s5, $0x1;
	s3 =	sadd.s32 s21, s20  }
0x14: {  	s23 =	simm.s32 $0x0;
	s4 =	sshll.u32 s4, $0x1;
	s5 =	sadd.s32 s22, s3  }
0x15: {  	[timem:s23], [sflag:s6] =	dma.local [hbm:s5], s4  }
0x16: {  	_ =	swait.ge [sflag:s6], s4  }
0x17: {  	s4 =	ssub.s32 $0x0, s4;
	[sflag:s6] =	ssyncset.done $0x0  }
0x18: {  	[sflag:s6] =	ssyncadd.s32 s4;
	_ =	sdelay $0x1  }
0x19: {  	s24 =	simm.s32 $0x1B8B  }
0x1a: {  	_ =	swait.ge [sflag:s24], $0x1  }
0x1b: {  	[sflag:s24] =	ssyncset.done $0x0  }
0x1c: {  	[sflag:s24] =	ssyncadd.s32 $0xFFFFFFFF  }
0x1d: {  	s4 =	sld [smem:$0x0]  }
0x1e: {  	s5 =	sand.u32 $0xFFFFFFFE, s1  }
0x1f: {  	p0 =	sne.s32 s1, s5  }
0x20: {  	s5 =	sshll.u32 @p0 s5, $0xE  }
0x21: {  	s5 =	sadd.s32 @p0 $0x11B8D, s5;
	s6 =	sshll.u32 @p0 s4, $0x11  }
0x22: {  	s5 =	sor.u32 @p0 s6, s5  }
0x23: {  	[sflag:s5] =	ssyncadd.remote.s32 @p0 $0x1;
	_ =	sdelay $0x1  }
0x24: {  	s5 =	simm.s32 @p0 $0x1B8D  }
0x25: {  	_ =	swait.eq @p0 [sflag:s5], $0x1  }
0x26: {  	[sflag:s5] =	ssyncadd.s32 @p0 $0xFFFFFFFF  }
0x27: {  	s6 =	sshll.u32 @!p0 s1, $0xE  }
0x28: {  	s6 =	sor.u32 @!p0 $0x4000, s6;
	s5 =	simm.s32 @!p0 $0x1B8D  }
0x29: {  	s4 =	sshll.u32 @!p0 s4, $0x11;
	s6 =	sadd.s32 @!p0 $0x11B8D, s6;
	_ =	swait.eq @!p0 [sflag:s5], $0x1  }
0x2a: {  	s4 =	sor.u32 @!p0 s4, s6;
	[sflag:s5] =	ssyncadd.s32 @!p0 $0xFFFFFFFF  }
0x2b: {  	s26 =	simm.s32 $0x1B8E;
	s25 =	sld [smem:$0x3FFE];
	[sflag:s4] =	ssyncadd.remote.s32 @!p0 $0x1  }
0x2c: {  	s27 =	simm.s32 $execute0_lowered;
	[smem:$0x3FD2] =	sst s26  }
0x2d: {  	s5 =	sshll.u32 s27, $0x1;
	_ =	strace $0x80000049;
	[dreg:$0x1] =	wrdreg $0xFFFFFFFF  }
0x2e: {  	s28 =	simm.s32 $_size_execute0_lowered;
	s3 =	sadd.s32 s3, s5;
	[dreg:$0x0] =	wrdreg $0x0  }
0x2f: {  	s5 =	sshll.u32 s28, $0x1;
	[dreg:$0x2] =	wrdreg s3  }
0x30: {  	[dreg:$0x3] =	wrdreg s5  }
0x31: {  	[dreg:$0x4] =	wrdreg $0xC0  }
0x32: {  	_ =	task [dreg:s23], $0x5FFFF  }
0x33: {  	[dreg:$0x1] =	wrdreg $0xFFFFFFFF  }
0x34: {  	[dreg:$0x0] =	wrdreg $0x60  }
0x35: {  	[dreg:$0x2] =	wrdreg s25  }
0x36: {  	[dreg:$0x3] =	wrdreg $0x9  }
0x37: {  	_ =	task.clear_ibuf [dreg:s23], $0x4FFFF;
	_ =	strace $0x90000049  }
0x38: {  	s29 =	simm.s32 $0x9;
	_ =	strace $0x8000004B  }
0x39: {  	_ =	swait.ge [sflag:s29], $0x1  }
0x3a: {  	[sflag:s29] =	ssyncadd.s32 $0xFFFFFFFF  }
0x3b: {  	_ =	strace $0x9000004B  }
0x3c: {  	_ =	sfence  }
0x3d: {  	s30 =	sld [smem:$0x0];
	_ =	sdelay $0x2  }
0x3e: {  	s31 =	sshll.u32 s1, $0xD;
	s1 =	sshrl.u32 s1, $0x2  }
0x3f: {  	s4 =	sand.u32 $0x4000, s31;
	s1 =	sadd.s32 s1, s30  }
0x40: {  	s0 =	sor.u32 s4, s0;
	s1 =	sshll.u32 s1, $0x11  }
0x41: {  	s0 =	sor.u32 s1, s0  }
0x42: {  	s0 =	sadd.s32 $0x8F2B, s0  }
0x43: {  	[sflag:s0] =	ssyncadd.remote.s32 $0x1  }
0x44: {  	_ =	sfence.sel $0xFFFF  }
0x45: {  	[dreg:$0x0] =	wrdreg $0xFFFFFFFF;
	(pc) =	sbr.abs _section_cstart, $3  }
0x46: {  	[dreg:$0x1] =	wrdreg $0xFFFFFFFF  }
0x47: {  	_ =	task.clear_ibuf [dreg:s23], $0x2FFFF;
	_ =	strace $0x9FFFFFFF  }
0x48: {  	(tm) =	ssettm $0x7FFFFFFF  }
0x49: {  	_ =	shalt  }
tec
execute0_lowered:
.L_overlay_start_1:
0x0: {  	(tag) =	ssettag $0x1  }
0x1: {  	s1 =	rddreg [dreg:$0x0]  }
0x2: {  	s0 =	rddreg [dreg:$0x1];
	_ =	strace $0x8000004A  }
0x3: {  	s4 =	srdreg.scid;
	s6 =	simm.s32 $0x2;
	s10 =	simm.s32 $0x0  }
.Ltmp0:
0x4: {  	p0 =	por $0x0, $0x0;
	s7 =	simm.s32 $0x80;
	(pc) =	sbr.rel .LBB1_1-.Ltmp0, $4  }
0x5: {  	s2 =	sadd.s32 $0x4000, s1;
	s3 =	sadd.s32 $0x204000, s1;
	s4 =	sshll.u32 s4, $0x4  }
0x6: {  	s1 =	stileid.u32;
	s5 =	sand.u32 $0x10, s4;
	s4 =	simm.s32 $0x1  }
0x7: {  	s8 =	simm.s32 $0x0;
	s5 =	sor.u32 s1, s5;
	[sflag:s4] =	ssyncpa.u1 $0x0  }
0x8: {  	[sflag:s6] =	ssyncpa.u1 $0x0;
	s6 =	simm.s32 $0x8;
	s9 =	smov.u32 s5  }
.LBB1_7:
0x9: {  	s12 =	sadd.s32 $0x20, s9  }
0xa: {  	p1 =	slt.u32 s8, $0x2;
	s8 =	sadd.s32 $0x1, s8;
	p2 =	sgt.s32 s12, $0x1FF  }
0xb: {  	s12 =	smov.u32 @p2 s5;
	p2 =	sne.s32 s8, $0x12  }
.Ltmp1:
0xc: {  	_ = 	snop;
	(pc) =	sbr.rel @!p2 .LBB1_8-.Ltmp1, $4  }
0xd: {  	s11 =	simm.s32 @!p1 $0x2  }
0xe: {  	_ =	swait.ge @!p1 [sflag:s11], $0x4000  }
0xf: {  	s10 =	smov.u32 s9;
	[sflag:s11] =	ssyncset.done @!p1 $0x0  }
0x10: {  	p0 =	por !p0, !p0;
	s9 =	smov.u32 s12;
	[sflag:s11] =	ssyncadd.s32 @!p1 $0xFFFFC000  }
.LBB1_1:
0x11: {  	p1 =	sgt.u32 s8, $0xF  }
0x12: {  	s11 =	sxor.u32 @!p1 $0xFFFFFFFF, s8  }
0x13: {  	s12 =	sshll.u32 @!p1 s9, $0xB;
	s11 =	sshll.u32 @!p1 s11, $0xE  }
0x14: {  	s13 =	simm.s32 @!p1 $0x0;
	s12 =	sadd.s32 @!p1 s2, s12;
	s11 =	sand.u32 @!p1 $0x4000, s11  }
0x15: {  	[tilespmem:s11], [sflag:$0x1] =	stream.linear.gather @!p1 [hbm4b:s12+s13], $0x4000, $0x38;
	[tilespmem:$0x11000] =	vst v63  }
0x16: {  	p1 =	seq.s32 s8, $0x0  }
0x17: {  	p2 =	seq.s32 @!p1 s8, $0x11  }
0x18: {  	p1 =	por p1, p2  }
.Ltmp2:
0x19: {  	_ = 	snop;
	(pc) =	sbr.rel @p1 .LBB1_7-.Ltmp2, $1  }
0x1a: {  	_ =	sdelay $0x3  }
0x1b: {  	s12 =	simm.s32 $0x1;
	s13 =	sand.u32 $0x1, s8  }
0x1c: {  	s12 =	simm.s32 @!p0 $0x0;
	s13 =	smul.u32 $0x12000, s13  }
0x1d: {  	_ =	swait.ge [sflag:s4], $0x4000;
	s11 =	smul.u32 $0x12000, s12  }
0x1e: {  	s14 =	simm.s32 $0x0;
	[sflag:s4] =	ssyncset.done $0x0;
	s12 =	sshll.u32 s12, $0xE  }
0x1f: {  	[sflag:s4] =	ssyncadd.s32 $0xFFFFC000;
	s13 =	sshrl.u32 s13, $0x2;
	s11 =	sshrl.u32 s11, $0x2  }
0x20: {  	s12 =	sor.u32 $0x40, s12;
	s13 =	sor.u32 $0x8000, s13;
	s11 =	sor.u32 $0x8000, s11  }
.LBB1_3:
0x21: {  	v0 =	vld [tilespmem:s12+$0x30]  }
0x22: {  	v1 =	vld [tilespmem:s12+$0xFFFFFFD0]  }
0x23: {  	v5 =	vld [tilespmem:s12+$0xFFFFFFE0]  }
0x24: {  	v6 =	vld [tilespmem:s12+$0xFFFFFFF0]  }
0x25: {  	s15 =	sadd.s32 $0x0, s11;
	v2 =	vld [tilespmem:s12+$0x0]  }
0x26: {  	v3 =	vld [tilespmem:s12+$0x10];
	[tilespmem:s15+$0x3F00 ss:$0x90] =	vst.msk $0xffff, v0  }
0x27: {  	v4 =	vld [tilespmem:s12+$0x20];
	[tilespmem:s15+$0x900 ss:$0x90] =	vst.msk $0xffff, v1  }
0x28: {  	s16 =	sadd.s32 $0x80, s12;
	v0 =	vld [tilespmem:s12+$0xFFFFFFC0];
	[tilespmem:s15+$0x1200 ss:$0x90] =	vst.msk $0xffff, v5  }
0x29: {  	s17 =	simm.s32 $0x4;
	s18 =	simm.s32 $0x8;
	v1 =	vld [tilespmem:s16+$0x30];
	[tilespmem:s15+$0x1B00 ss:$0x90] =	vst.msk $0xffff, v6  }
.LBB1_4:
0x2a: {  	p1 =	sne.s32 s18, $0x1C;
	v5 =	vld [tilespmem:s16+$0xFFFFFFD0];
	[tilespmem:s15+$0x2400 ss:$0x90] =	vst.msk $0xffff, v2  }
0x2b: {  	v6 =	vld [tilespmem:s16+$0xFFFFFFE0];
	[tilespmem:s15+$0x2D00 ss:$0x90] =	vst.msk $0xffff, v3  }
0x2c: {  	s19 =	sshra.s32 s17, $0x2;
	s17 =	smov.u32 s18;
	v7 =	vld [tilespmem:s16+$0xFFFFFFF0];
	[tilespmem:s15+$0x3600 ss:$0x90] =	vst.msk $0xffff, v4  }
.Ltmp3:
0x2d: {  	v2 =	vld [tilespmem:s16+$0x0];
	[tilespmem:s15+$0x0 ss:$0x90] =	vst.msk $0xffff, v0;
	s15 =	sadd.s32 s19, s11;
	(pc) =	sbr.rel @p1 .LBB1_4-.Ltmp3, $4  }
0x2e: {  	v3 =	vld [tilespmem:s16+$0x10];
	[tilespmem:s15+$0x3F00 ss:$0x90] =	vst.msk $0xffff, v1  }
0x2f: {  	[tilespmem:s15+$0x900 ss:$0x90] =	vst.msk $0xffff, v5;
	v4 =	vld [tilespmem:s16+$0x20]  }
0x30: {  	v0 =	vld [tilespmem:s16+$0xFFFFFFC0];
	[tilespmem:s15+$0x1200 ss:$0x90] =	vst.msk $0xffff, v6;
	s16 =	sadd.s32 $0x80, s16  }
0x31: {  	s18 =	sadd.s32 $0x4, s18;
	v1 =	vld [tilespmem:s16+$0x30];
	[tilespmem:s15+$0x1B00 ss:$0x90] =	vst.msk $0xffff, v7  }
0x32: {  	v5 =	vld [tilespmem:s16+$0xFFFFFFD0];
	[tilespmem:s15+$0x2400 ss:$0x90] =	vst.msk $0xffff, v2  }
0x33: {  	v58 =	vld [tilespmem:s16+$0xFFFFFFE0];
	[tilespmem:s15+$0x2D00 ss:$0x90] =	vst.msk $0xffff, v3  }
0x34: {  	s17 =	sshra.s32 s17, $0x2;
	v59 =	vld [tilespmem:s16+$0xFFFFFFF0];
	[tilespmem:s15+$0x3600 ss:$0x90] =	vst.msk $0xffff, v4  }
0x35: {  	v60 =	vld [tilespmem:s16+$0x0];
	s17 =	sadd.s32 s17, s11;
	[tilespmem:s15+$0x0 ss:$0x90] =	vst.msk $0xffff, v0  }
0x36: {  	v61 =	vld [tilespmem:s16+$0x10];
	[tilespmem:s17+$0x3F00 ss:$0x90] =	vst.msk $0xffff, v1  }
0x37: {  	v62 =	vld [tilespmem:s16+$0x20];
	s14 =	sadd.s32 $0x1, s14;
	[tilespmem:s17+$0x900 ss:$0x90] =	vst.msk $0xffff, v5  }
0x38: {  	v63 =	vld [tilespmem:s16+$0xFFFFFFC0];
	p1 =	sne.s32 s14, $0x10;
	[tilespmem:s17+$0x1200 ss:$0x90] =	vst.msk $0xffff, v58  }
.Ltmp4:
0x39: {  	[tilespmem:s17+$0x1B00 ss:$0x90] =	vst.msk $0xffff, v59;
	(pc) =	sbr.rel @p1 .LBB1_3-.Ltmp4, $4  }
0x3a: {  	[tilespmem:s17+$0x2400 ss:$0x90] =	vst.msk $0xffff, v60  }
0x3b: {  	[tilespmem:s17+$0x2D00 ss:$0x90] =	vst.msk $0xffff, v61  }
0x3c: {  	[tilespmem:s17+$0x3600 ss:$0x90] =	vst.msk $0xffff, v62  }
0x3d: {  	s12 =	sadd.s32 $0x400, s12;
	s11 =	sadd.s32 $0x9, s11;
	[tilespmem:s17+$0x0 ss:$0x90] =	vst.msk $0xffff, v63  }
.Ltmp5:
0x3e: {  	(pc) =	sbr.rel .LBB1_7-.Ltmp5, $4  }
0x3f: {  	_ = 	snop  }
0x40: {  	s10 =	sshll.u32 s10, $0xF  }
0x41: {  	s10 =	sadd.s32 s3, s10  }
0x42: {  	[hbm4b:s10+s6] =	stream.strided.scatter [tilespmem:s13], [sflag:$0x2], $0x4000, s7, s6, $0x0;
	[tilespmem:$0x11000] =	vst v63  }
.LBB1_8:
0x43: {  	_ =	sfence.sel $0x180000  }
0x44: {  	s2 =	simm.s32 $0x1;
	[bflag:$0x0] =	sbarrier.arrive $0xFFFF  }
0x45: {  	s31 =	simm.s32 $0x2;
	[sflag:s2] =	ssyncpa.u1 $0x1  }
0x46: {  	[sflag:s31] =	ssyncpa.u1 $0x1  }
0x47: {  	p0 =	sne.s32 s1, $0x0;
	_ =	strace $0x9000004A  }
0x48: {  	s0 =	sadd.s32 @!p0 $0x100000, s0;
	[bflag:$0x2] =	sbarrier.arrive $0xFFFF  }
0x49: {  	[sflag:s0] =	ssyncadd.tile.s32 @!p0 $0x1;
	_ =	shalt  }
.Lfunc_end1:
_tile_overlayer_lowered:
.L_overlay_start_2:
0x4a: {  	(tag) =	ssettag $0x2  }
0x4b: {  	s0 =	rddreg [dreg:$0x0];
	s2 =	stileid.u32  }
0x4c: {  	s1 =	rddreg [dreg:$0x1];
	p0 =	sne.s32 s2, $0x0  }
0x4d: {  	s3 =	rddreg [dreg:$0x2];
	[bflag:$0x3] =	sbarrier.arrive $0xFFFF;
	s2 =	simm.s32 @!p0 $0x1C01  }
0x4e: {  	[timem:s3], [sflag:s2] =	dma.local @!p0 [hbm:s0], s1  }
0x4f: {  	s0 =	simm.s32 @!p0 $0x1  }
0x50: {  	_ =	swait.ge @!p0 [sflag:s0], s1  }
0x51: {  	s1 =	ssub.s32 @!p0 $0x0, s1;
	[sflag:s0] =	ssyncset.done @!p0 $0x0  }
0x52: {  	[sflag:s0] =	ssyncadd.s32 @!p0 s1  }
0x53: {  	[bflag:$0x3] =	sbarrier.arrive $0xFFFF  }
0x54: {  	_ =	shalt  }

</sc_bundles>
